<compile_context>
chip_gen: v7x
topology: tpu7x:2x2x1
jax: 0.10.2.dev20260603
libtpu: 0.0.44.dev20260713+nightly
codegen_flags: <defaults>
</compile_context>

<pallas_src>
import functools

import jax
import jax.numpy as jnp
from jax import lax
from jax.experimental import pallas as pl
from jax.experimental.pallas import tpu as pltpu
from jax.experimental.pallas import tpu_sc as plsc

_LANES = 16


def _sc_geometry():
    try:
        info = plsc.get_sparse_core_info()
        return info.num_cores, info.num_subcores
    except Exception:
        return 2, 16


def kernel(inputs, token_table, pos_table):
    batch, seq = inputs.shape
    vocab, emb = token_table.shape

    nc, ns = _sc_geometry()
    nw = nc * ns
    bc = batch // nw
    n_rt = emb // 8

    n_st = seq // 8
    idx_t = (inputs.astype(jnp.int32).T.reshape(n_st, 8, nw, bc)
             .transpose(0, 2, 1, 3))

    mesh = plsc.VectorSubcoreMesh(core_axis_name="c", subcore_axis_name="s")

    @functools.partial(
        pl.kernel,
        out_type=jax.ShapeDtypeStruct((seq, n_rt, nw, 8 * 128), jnp.float32),
        mesh=mesh,
        scratch_types=[
            pltpu.VMEM((n_st, 8, bc), jnp.int32),
            pltpu.VMEM((2, bc, emb), jnp.float32),
            pltpu.VMEM((emb * 144,), jnp.float32),
            pltpu.VMEM((2, n_rt, 8 * 128), jnp.float32),
            pltpu.VMEM((seq, emb), jnp.float32),
            pltpu.SemaphoreType.DMA,
            pltpu.SemaphoreType.DMA,
            pltpu.SemaphoreType.DMA,
        ],
        compiler_params=pltpu.CompilerParams(use_tc_tiling_on_sc=False,
                                             needs_layout_passes=False),
    )
    def sc_kernel(idx_hbm, tok_hbm, pos_hbm, out_hbm, idx_v, rows2_v, tsk_v,
                  tout2_v, pos_v, gsem, osem0, osem1):
        wid = lax.axis_index("s") * nc + lax.axis_index("c")
        b0 = wid * bc
        pltpu.sync_copy(pos_hbm, pos_v)
        pltpu.sync_copy(idx_hbm.at[:, wid], idx_v)
        osems = (osem0, osem1)

        lane = lax.iota(jnp.int32, _LANES)
        base_sk = [lane * 145 + g * _LANES * 144
                   for g in range(emb // _LANES)]

        pltpu.async_copy(tok_hbm.at[idx_v.at[0, 0]], rows2_v.at[0], gsem)

        def s2_body(s2, carry):
            for p in range(2):
                s = s2 * 2 + p
                rows_v = rows2_v.at[p]
                tout_v = tout2_v.at[p]
                pltpu.make_async_copy(tok_hbm.at[pl.ds(0, bc)], rows_v,
                                      gsem).wait()
                @pl.when(s < seq - 1)
                def _():
                    s1 = s + 1
                    pltpu.async_copy(
                        tok_hbm.at[idx_v.at[lax.shift_right_logical(s1, 3),
                                            lax.bitwise_and(s1, 7)]],
                        rows2_v.at[1 - p], gsem)
                @pl.when(s2 > 0)
                def _():
                    pltpu.make_async_copy(out_hbm.at[0, :, 0], tout_v,
                                          osems[p]).wait()

                pos_g = [pos_v[s, pl.ds(g * _LANES, _LANES)]
                         for g in range(emb // _LANES)]

                @plsc.parallel_loop(0, bc, step=4)
                def _(l0):
                    for u in range(4):
                        l = l0 + u
                        for g in range(emb // _LANES):
                            vals = (rows_v[l, pl.ds(g * _LANES, _LANES)]
                                    + pos_g[g])
                            plsc.store_scatter(tsk_v, [base_sk[g] + l], vals)
                @plsc.parallel_loop(0, emb, step=2)
                def _(e0):
                    for u2 in range(2):
                        e = e0 + u2
                        src = e * 144 + lax.bitwise_and(e, _LANES - 1)
                        rt = lax.shift_right_logical(e, 3)
                        dst = lax.shift_left(lax.bitwise_and(e, 7), 7)
                        for g2 in range(128 // _LANES):
                            tout_v[rt, pl.ds(dst + g2 * _LANES, _LANES)] = (
                                tsk_v[pl.ds(src + g2 * _LANES, _LANES)])
                pltpu.async_copy(tout_v, out_hbm.at[s, :, wid], osems[p])
            return carry

        lax.fori_loop(0, seq // 2, s2_body, 0)
        pltpu.make_async_copy(out_hbm.at[0, :, 0], tout2_v.at[0], osem0).wait()
        pltpu.make_async_copy(out_hbm.at[0, :, 0], tout2_v.at[1], osem1).wait()

    out = sc_kernel(idx_t, token_table, pos_table)
    out = out.reshape(seq, n_rt, nw, 8, 128)
    return jnp.transpose(out, (2, 4, 0, 1, 3)).reshape(batch, seq, emb)

# --- scband reference (transcript-rebuilt; emitter-appended) ---
"""Pipeline reference for scband-positional-embedding-5909875000127 (READ-ONLY COPY).

The authoritative reference and input builder live on the scoring server;
editing this copy changes nothing except your own understanding.
"""

import jax, jax.numpy as jnp
import numpy as np

SEQ_LEN = 200
VOCAB = 100000
EMBED = 64
BATCH = 4096


def setup_inputs(seed: int = 0) -> dict:
    key = jax.random.key(seed)
    k_idx, k_tok, k_pos = jax.random.split(key, 3)
    inputs = jax.random.randint(k_idx, (BATCH, SEQ_LEN), 0, VOCAB, dtype=jnp.int64 if jax.config.jax_enable_x64 else jnp.int32)
    token_table = jax.random.normal(k_tok, (VOCAB, EMBED), dtype=jnp.float32) * 0.05
    pos_table = jax.random.normal(k_pos, (SEQ_LEN, EMBED), dtype=jnp.float32) * 0.05
    return {"inputs": inputs, "token_table": token_table, "pos_table": pos_table}


def reference(inputs, token_table, pos_table):
    length = inputs.shape[-1]
    positions = jnp.arange(0, length, 1)
    embedded_tokens = jnp.take(token_table, inputs, axis=0)
    embedded_positions = jnp.take(pos_table, positions, axis=0)
    return embedded_tokens + embedded_positions

if __name__ == "__main__":
    import jax
    _d = setup_inputs()
    print(jax.jit(kernel)(*tuple(_d.values())))

</pallas_src>

<mosaic_0001>
#map = affine_map<(d0, d1) -> (0, 0, 0, 0)>
#map1 = affine_map<(d0, d1) -> (0, 0)>
module attributes {stable_mosaic.version = 14 : i64} {
  func.func @sc_kernel(%arg0: i32, %arg1: i32, %arg2: memref<25x32x8x128xi32, #tpu.memory_space<hbm>>, %arg3: memref<100000x64xf32, #tpu.memory_space<hbm>>, %arg4: memref<200x64xf32, #tpu.memory_space<hbm>>, %arg5: memref<200x8x32x1024xf32, #tpu.memory_space<hbm>>, %arg6: memref<25x8x128xi32, #tpu.memory_space<vmem>>, %arg7: memref<2x128x64xf32, #tpu.memory_space<vmem>>, %arg8: memref<9216xf32, #tpu.memory_space<vmem>>, %arg9: memref<2x8x1024xf32, #tpu.memory_space<vmem>>, %arg10: memref<200x64xf32, #tpu.memory_space<vmem>>, %arg11: memref<!tpu.dma_semaphore, #tpu.memory_space<semaphore_mem>>, %arg12: memref<!tpu.dma_semaphore, #tpu.memory_space<semaphore_mem>>, %arg13: memref<!tpu.dma_semaphore, #tpu.memory_space<semaphore_mem>>) attributes {dimension_semantics = [#tpu.dimension_semantics<core_parallel>, #tpu.dimension_semantics<subcore_parallel>], iteration_bounds = array<i64: 2, 16>, scalar_prefetch = 0 : i64, scratch_operands = 8 : i64, tpu.core_type = #tpu.core_type<sc_vector_subcore>, window_params = [{transform_indices = #map}, {transform_indices = #map1}, {transform_indices = #map1}, {transform_indices = #map}]} {
    %mul3A = arith.constant 2 : i32
    %mul3A_0 = arith.muli %arg1, %mul3A : i32
    %add3A = arith.addi %mul3A_0, %arg0 : i32
    %mul3A_1 = arith.constant 128 : i32
    %mul3A_2 = arith.muli %add3A, %mul3A_1 : i32
    "tpu.region"() ({
      %run_scoped3A = tpu.sem_alloc : memref<!tpu.dma_semaphore, #tpu.memory_space<semaphore_mem>>
      tpu.enqueue_dma source(%arg4 : memref<200x64xf32, #tpu.memory_space<hbm>>) target(%arg10 : memref<200x64xf32, #tpu.memory_space<vmem>>) target_semaphore(%run_scoped3A : memref<!tpu.dma_semaphore, #tpu.memory_space<semaphore_mem>>)
      tpu.wait_dma2 semaphore(%run_scoped3A : memref<!tpu.dma_semaphore, #tpu.memory_space<semaphore_mem>>) src(%arg4 : memref<200x64xf32, #tpu.memory_space<hbm>>) dst(%arg10 : memref<200x64xf32, #tpu.memory_space<vmem>>)
      tpu.yield
    }) : () -> ()
    "tpu.region"() ({
      %run_scoped3A = tpu.sem_alloc : memref<!tpu.dma_semaphore, #tpu.memory_space<semaphore_mem>>
      %dma_start3A_81 = arith.constant 0 : i32
      %dma_start3A_82 = arith.constant 0 : i32
      %dma_start3A_83 = arith.constant 0 : i32
      %dma_start3A_84 = tpu.memref_slice %arg2[%dma_start3A_81, %add3A, %dma_start3A_82, %dma_start3A_83] : memref<25x32x8x128xi32, #tpu.memory_space<hbm>> -> memref<25x1x8x128xi32, #tpu.memory_space<hbm>>
      %dma_start3A_85 = tpu.memref_squeeze %dma_start3A_84 : memref<25x1x8x128xi32, #tpu.memory_space<hbm>> -> memref<25x8x128xi32, #tpu.memory_space<hbm>>
      %dma_start3A_86 = arith.constant 0 : i32
      %dma_start3A_87 = arith.constant 0 : i32
      %dma_start3A_88 = arith.constant 0 : i32
      %dma_start3A_89 = tpu.memref_slice %arg2[%dma_start3A_86, %add3A, %dma_start3A_87, %dma_start3A_88] : memref<25x32x8x128xi32, #tpu.memory_space<hbm>> -> memref<25x1x8x128xi32, #tpu.memory_space<hbm>>
      %dma_start3A_90 = tpu.memref_squeeze %dma_start3A_89 : memref<25x1x8x128xi32, #tpu.memory_space<hbm>> -> memref<25x8x128xi32, #tpu.memory_space<hbm>>
      tpu.enqueue_dma source(%dma_start3A_90 : memref<25x8x128xi32, #tpu.memory_space<hbm>>) target(%arg6 : memref<25x8x128xi32, #tpu.memory_space<vmem>>) target_semaphore(%run_scoped3A : memref<!tpu.dma_semaphore, #tpu.memory_space<semaphore_mem>>)
      %dma_wait3A_91 = arith.constant 0 : i32
      %dma_wait3A_92 = arith.constant 0 : i32
      %dma_wait3A_93 = arith.constant 0 : i32
      %dma_wait3A_94 = tpu.memref_slice %arg2[%dma_wait3A_91, %add3A, %dma_wait3A_92, %dma_wait3A_93] : memref<25x32x8x128xi32, #tpu.memory_space<hbm>> -> memref<25x1x8x128xi32, #tpu.memory_space<hbm>>
      %dma_wait3A_95 = tpu.memref_squeeze %dma_wait3A_94 : memref<25x1x8x128xi32, #tpu.memory_space<hbm>> -> memref<25x8x128xi32, #tpu.memory_space<hbm>>
      %dma_wait3A_96 = arith.constant 0 : i32
      %dma_wait3A_97 = arith.constant 0 : i32
      %dma_wait3A_98 = arith.constant 0 : i32
      %dma_wait3A_99 = tpu.memref_slice %arg2[%dma_wait3A_96, %add3A, %dma_wait3A_97, %dma_wait3A_98] : memref<25x32x8x128xi32, #tpu.memory_space<hbm>> -> memref<25x1x8x128xi32, #tpu.memory_space<hbm>>
      %dma_wait3A_100 = tpu.memref_squeeze %dma_wait3A_99 : memref<25x1x8x128xi32, #tpu.memory_space<hbm>> -> memref<25x8x128xi32, #tpu.memory_space<hbm>>
      tpu.wait_dma2 semaphore(%run_scoped3A : memref<!tpu.dma_semaphore, #tpu.memory_space<semaphore_mem>>) src(%dma_wait3A_100 : memref<25x8x128xi32, #tpu.memory_space<hbm>>) dst(%arg6 : memref<25x8x128xi32, #tpu.memory_space<vmem>>)
      tpu.yield
    }) : () -> ()
    %iota3A = tpu.iota {dimensions = array<i32: 0>} : vector<16xi32>
    %mul3A_3 = arith.constant 145 : i32
    %mul3A_4 = vector.broadcast %mul3A_3 : i32 to vector<16xi32>
    %mul3A_5 = arith.muli %iota3A, %mul3A_4 : vector<16xi32>
    %add3A_6 = arith.constant 0 : i32
    %add3A_7 = vector.broadcast %add3A_6 : i32 to vector<16xi32>
    %add3A_8 = arith.addi %mul3A_5, %add3A_7 : vector<16xi32>
    %mul3A_9 = arith.constant 145 : i32
    %mul3A_10 = vector.broadcast %mul3A_9 : i32 to vector<16xi32>
    %mul3A_11 = arith.muli %iota3A, %mul3A_10 : vector<16xi32>
    %add3A_12 = arith.constant 2304 : i32
    %add3A_13 = vector.broadcast %add3A_12 : i32 to vector<16xi32>
    %add3A_14 = arith.addi %mul3A_11, %add3A_13 : vector<16xi32>
    %mul3A_15 = arith.constant 145 : i32
    %mul3A_16 = vector.broadcast %mul3A_15 : i32 to vector<16xi32>
    %mul3A_17 = arith.muli %iota3A, %mul3A_16 : vector<16xi32>
    %add3A_18 = arith.constant 4608 : i32
    %add3A_19 = vector.broadcast %add3A_18 : i32 to vector<16xi32>
    %add3A_20 = arith.addi %mul3A_17, %add3A_19 : vector<16xi32>
    %mul3A_21 = arith.constant 145 : i32
    %mul3A_22 = vector.broadcast %mul3A_21 : i32 to vector<16xi32>
    %mul3A_23 = arith.muli %iota3A, %mul3A_22 : vector<16xi32>
    %add3A_24 = arith.constant 6912 : i32
    %add3A_25 = vector.broadcast %add3A_24 : i32 to vector<16xi32>
    %add3A_26 = arith.addi %mul3A_23, %add3A_25 : vector<16xi32>
    %dma_start3A = arith.constant 0 : i32
    %dma_start3A_27 = arith.constant 0 : i32
    %dma_start3A_28 = arith.constant 0 : i32
    %dma_start3A_29 = arith.constant 0 : i32
    %dma_start3A_30 = arith.constant 0 : i32
    %dma_start3A_31 = tpu.memref_slice %arg7[%dma_start3A_28, %dma_start3A_29, %dma_start3A_30] : memref<2x128x64xf32, #tpu.memory_space<vmem>> -> memref<1x128x64xf32, #tpu.memory_space<vmem>>
    %dma_start3A_32 = tpu.memref_squeeze %dma_start3A_31 : memref<1x128x64xf32, #tpu.memory_space<vmem>> -> memref<128x64xf32, #tpu.memory_space<vmem>>
    %dma_start3A_33 = arith.constant 0 : i32
    %dma_start3A_34 = tpu.memref_slice %arg6[%dma_start3A, %dma_start3A_27, %dma_start3A_33] : memref<25x8x128xi32, #tpu.memory_space<vmem>> -> memref<1x1x128xi32, #tpu.memory_space<vmem>>
    %dma_start3A_35 = tpu.memref_squeeze %dma_start3A_34 : memref<1x1x128xi32, #tpu.memory_space<vmem>> -> memref<128xi32, #tpu.memory_space<vmem>>
    %dma_start3A_36 = arith.constant 0 : i32
    %dma_start3A_37 = arith.constant 0 : i32
    %dma_start3A_38 = tpu.memref_slice %arg3[%dma_start3A_36, %dma_start3A_37] : memref<100000x64xf32, #tpu.memory_space<hbm>> -> memref<100000x64xf32, #tpu.memory_space<hbm>>
    tpu.enqueue_indirect_dma source(%dma_start3A_38 : memref<100000x64xf32, #tpu.memory_space<hbm>>) target(%dma_start3A_32 : memref<128x64xf32, #tpu.memory_space<vmem>>) offsets(%dma_start3A_35 : memref<128xi32, #tpu.memory_space<vmem>>) semaphore(%arg11 : memref<!tpu.dma_semaphore, #tpu.memory_space<semaphore_mem>>)
    %scan3A = arith.constant 0 : i32
    %scan3A_39 = arith.constant 0 : i32
    %scan3A_40 = arith.constant 100 : i32
    %scan3A_41 = arith.addi %scan3A_39, %scan3A_40 : i32
    %scan3A_42 = arith.constant 1 : i32
    scf.for %scan3A_81 = %scan3A_39 to %scan3A_41 step %scan3A_42  : i32 {
      %mul3A_82 = arith.constant 2 : i32
      %mul3A_83 = arith.muli %scan3A_81, %mul3A_82 : i32
      %add3A_84 = arith.constant 0 : i32
      %add3A_85 = arith.addi %mul3A_83, %add3A_84 : i32
      %dma_wait3A_86 = arith.constant 0 : i32
      %dma_wait3A_87 = arith.constant 0 : i32
      %dma_wait3A_88 = arith.constant 0 : i32
      %dma_wait3A_89 = tpu.memref_slice %arg7[%dma_wait3A_86, %dma_wait3A_87, %dma_wait3A_88] : memref<2x128x64xf32, #tpu.memory_space<vmem>> -> memref<1x128x64xf32, #tpu.memory_space<vmem>>
      %dma_wait3A_90 = tpu.memref_squeeze %dma_wait3A_89 : memref<1x128x64xf32, #tpu.memory_space<vmem>> -> memref<128x64xf32, #tpu.memory_space<vmem>>
      %dma_wait3A_91 = arith.constant 0 : i32
      %dma_wait3A_92 = arith.constant 0 : i32
      %dma_wait3A_93 = tpu.memref_slice %arg3[%dma_wait3A_91, %dma_wait3A_92] : memref<100000x64xf32, #tpu.memory_space<hbm>> -> memref<128x64xf32, #tpu.memory_space<hbm>>
      %dma_wait3A_94 = arith.constant 0 : i32
      %dma_wait3A_95 = arith.constant 0 : i32
      %dma_wait3A_96 = tpu.memref_slice %arg7[%dma_wait3A_86, %dma_wait3A_94, %dma_wait3A_95] : memref<2x128x64xf32, #tpu.memory_space<vmem>> -> memref<1x128x64xf32, #tpu.memory_space<vmem>>
      %dma_wait3A_97 = tpu.memref_squeeze %dma_wait3A_96 : memref<1x128x64xf32, #tpu.memory_space<vmem>> -> memref<128x64xf32, #tpu.memory_space<vmem>>
      %dma_wait3A_98 = arith.constant 0 : i32
      %dma_wait3A_99 = arith.constant 0 : i32
      %dma_wait3A_100 = tpu.memref_slice %arg3[%dma_wait3A_98, %dma_wait3A_99] : memref<100000x64xf32, #tpu.memory_space<hbm>> -> memref<128x64xf32, #tpu.memory_space<hbm>>
      tpu.wait_dma2 semaphore(%arg11 : memref<!tpu.dma_semaphore, #tpu.memory_space<semaphore_mem>>) src(%dma_wait3A_100 : memref<128x64xf32, #tpu.memory_space<hbm>>) dst(%dma_wait3A_97 : memref<128x64xf32, #tpu.memory_space<vmem>>)
      %lt3A = arith.constant 199 : i32
      %lt3A_101 = arith.cmpi slt, %add3A_85, %lt3A : i32
      %convert_element_type3A = arith.extui %lt3A_101 : i1 to i32
      %cond3A = arith.constant 0 : i32
      %cond3A_102 = arith.cmpi ne, %convert_element_type3A, %cond3A : i32
      scf.if %cond3A_102 {
        %add3A_210 = arith.constant 1 : i32
        %add3A_211 = arith.addi %add3A_85, %add3A_210 : i32
        %shift_right_logical3A = arith.constant 3 : i32
        %shift_right_logical3A_212 = arith.shrui %add3A_211, %shift_right_logical3A : i32
        %and3A = arith.constant 7 : i32
        %and3A_213 = arith.andi %add3A_211, %and3A : i32
        %dma_start3A_214 = arith.constant 1 : i32
        %dma_start3A_215 = arith.constant 0 : i32
        %dma_start3A_216 = arith.constant 0 : i32
        %dma_start3A_217 = tpu.memref_slice %arg7[%dma_start3A_214, %dma_start3A_215, %dma_start3A_216] : memref<2x128x64xf32, #tpu.memory_space<vmem>> -> memref<1x128x64xf32, #tpu.memory_space<vmem>>
        %dma_start3A_218 = tpu.memref_squeeze %dma_start3A_217 : memref<1x128x64xf32, #tpu.memory_space<vmem>> -> memref<128x64xf32, #tpu.memory_space<vmem>>
        %dma_start3A_219 = arith.constant 0 : i32
        %dma_start3A_220 = tpu.memref_slice %arg6[%shift_right_logical3A_212, %and3A_213, %dma_start3A_219] : memref<25x8x128xi32, #tpu.memory_space<vmem>> -> memref<1x1x128xi32, #tpu.memory_space<vmem>>
        %dma_start3A_221 = tpu.memref_squeeze %dma_start3A_220 : memref<1x1x128xi32, #tpu.memory_space<vmem>> -> memref<128xi32, #tpu.memory_space<vmem>>
        %dma_start3A_222 = arith.constant 0 : i32
        %dma_start3A_223 = arith.constant 0 : i32
        %dma_start3A_224 = tpu.memref_slice %arg3[%dma_start3A_222, %dma_start3A_223] : memref<100000x64xf32, #tpu.memory_space<hbm>> -> memref<100000x64xf32, #tpu.memory_space<hbm>>
        tpu.enqueue_indirect_dma source(%dma_start3A_224 : memref<100000x64xf32, #tpu.memory_space<hbm>>) target(%dma_start3A_218 : memref<128x64xf32, #tpu.memory_space<vmem>>) offsets(%dma_start3A_221 : memref<128xi32, #tpu.memory_space<vmem>>) semaphore(%arg11 : memref<!tpu.dma_semaphore, #tpu.memory_space<semaphore_mem>>)
      } else {
      }
      %gt3A = arith.constant 0 : i32
      %gt3A_103 = arith.cmpi sgt, %scan3A_81, %gt3A : i32
      %convert_element_type3A_104 = arith.extui %gt3A_103 : i1 to i32
      %cond3A_105 = arith.constant 0 : i32
      %cond3A_106 = arith.constant 0 : i32
      %cond3A_107 = arith.cmpi ne, %convert_element_type3A_104, %cond3A_106 : i32
      scf.if %cond3A_107 {
        %dma_wait3A_210 = arith.constant 0 : i32
        %dma_wait3A_211 = arith.constant 0 : i32
        %dma_wait3A_212 = arith.constant 0 : i32
        %dma_wait3A_213 = arith.constant 0 : i32
        %dma_wait3A_214 = tpu.memref_slice %arg9[%cond3A_105, %dma_wait3A_212, %dma_wait3A_213] : memref<2x8x1024xf32, #tpu.memory_space<vmem>> -> memref<1x8x1024xf32, #tpu.memory_space<vmem>>
        %dma_wait3A_215 = tpu.memref_squeeze %dma_wait3A_214 : memref<1x8x1024xf32, #tpu.memory_space<vmem>> -> memref<8x1024xf32, #tpu.memory_space<vmem>>
        %dma_wait3A_216 = arith.constant 0 : i32
        %dma_wait3A_217 = arith.constant 0 : i32
        %dma_wait3A_218 = tpu.memref_slice %arg5[%dma_wait3A_210, %dma_wait3A_216, %dma_wait3A_211, %dma_wait3A_217] : memref<200x8x32x1024xf32, #tpu.memory_space<hbm>> -> memref<1x8x1x1024xf32, #tpu.memory_space<hbm>>
        %dma_wait3A_219 = tpu.memref_squeeze %dma_wait3A_218 : memref<1x8x1x1024xf32, #tpu.memory_space<hbm>> -> memref<8x1024xf32, #tpu.memory_space<hbm>>
        %dma_wait3A_220 = arith.constant 0 : i32
        %dma_wait3A_221 = arith.constant 0 : i32
        %dma_wait3A_222 = tpu.memref_slice %arg9[%cond3A_105, %dma_wait3A_220, %dma_wait3A_221] : memref<2x8x1024xf32, #tpu.memory_space<vmem>> -> memref<1x8x1024xf32, #tpu.memory_space<vmem>>
        %dma_wait3A_223 = tpu.memref_squeeze %dma_wait3A_222 : memref<1x8x1024xf32, #tpu.memory_space<vmem>> -> memref<8x1024xf32, #tpu.memory_space<vmem>>
        %dma_wait3A_224 = arith.constant 0 : i32
        %dma_wait3A_225 = arith.constant 0 : i32
        %dma_wait3A_226 = tpu.memref_slice %arg5[%dma_wait3A_210, %dma_wait3A_224, %dma_wait3A_211, %dma_wait3A_225] : memref<200x8x32x1024xf32, #tpu.memory_space<hbm>> -> memref<1x8x1x1024xf32, #tpu.memory_space<hbm>>
        %dma_wait3A_227 = tpu.memref_squeeze %dma_wait3A_226 : memref<1x8x1x1024xf32, #tpu.memory_space<hbm>> -> memref<8x1024xf32, #tpu.memory_space<hbm>>
        tpu.wait_dma2 semaphore(%arg12 : memref<!tpu.dma_semaphore, #tpu.memory_space<semaphore_mem>>) src(%dma_wait3A_227 : memref<8x1024xf32, #tpu.memory_space<hbm>>) dst(%dma_wait3A_223 : memref<8x1024xf32, #tpu.memory_space<vmem>>)
      } else {
      }
      %get3A = arith.index_cast %add3A_85 : i32 to index
      %get3A_108 = arith.constant 0 : index
      %get3A_109 = tpu.vector_load %arg10[%get3A, %get3A_108] {strides = array<i32>} : memref<200x64xf32, #tpu.memory_space<vmem>>, vector<16xf32>,
      %get3A_110 = arith.index_cast %add3A_85 : i32 to index
      %get3A_111 = arith.constant 16 : index
      %get3A_112 = tpu.vector_load %arg10[%get3A_110, %get3A_111] {strides = array<i32>} : memref<200x64xf32, #tpu.memory_space<vmem>>, vector<16xf32>,
      %get3A_113 = arith.index_cast %add3A_85 : i32 to index
      %get3A_114 = arith.constant 32 : index
      %get3A_115 = tpu.vector_load %arg10[%get3A_113, %get3A_114] {strides = array<i32>} : memref<200x64xf32, #tpu.memory_space<vmem>>, vector<16xf32>,
      %get3A_116 = arith.index_cast %add3A_85 : i32 to index
      %get3A_117 = arith.constant 48 : index
      %get3A_118 = tpu.vector_load %arg10[%get3A_116, %get3A_117] {strides = array<i32>} : memref<200x64xf32, #tpu.memory_space<vmem>>, vector<16xf32>,
      %parallel_loop3A = arith.constant 0 : i32
      %parallel_loop3A_119 = arith.constant 128 : i32
      %parallel_loop3A_120 = arith.constant 4 : i32
      %parallel_loop3A_121 = arith.constant 0 : i32
      scf.for %parallel_loop3A_210 = %parallel_loop3A to %parallel_loop3A_119 step %parallel_loop3A_120  : i32 {
        %parallel_loop3A_211 = arith.constant 0 : i32
        %parallel_loop3A_212 = arith.addi %parallel_loop3A_210, %parallel_loop3A_211 : i32
        %parallel_loop3A_213 = arith.constant 0 : i32
        %parallel_loop3A_214 = arith.constant 0 : i32
        %parallel_loop3A_215 = tpu.memref_slice %arg7[%parallel_loop3A_121, %parallel_loop3A_213, %parallel_loop3A_214] : memref<2x128x64xf32, #tpu.memory_space<vmem>> -> memref<1x128x64xf32, #tpu.memory_space<vmem>>
        %parallel_loop3A_216 = tpu.memref_squeeze %parallel_loop3A_215 : memref<1x128x64xf32, #tpu.memory_space<vmem>> -> memref<128x64xf32, #tpu.memory_space<vmem>>
        %parallel_loop3A_217 = arith.index_cast %parallel_loop3A_212 : i32 to index
        %parallel_loop3A_218 = arith.constant 0 : index
        %parallel_loop3A_219 = tpu.vector_load %parallel_loop3A_216[%parallel_loop3A_217, %parallel_loop3A_218] {strides = array<i32>} : memref<128x64xf32, #tpu.memory_space<vmem>>, vector<16xf32>,
        %parallel_loop3A_220 = arith.addf %parallel_loop3A_219, %get3A_109 : vector<16xf32>
        %parallel_loop3A_221 = vector.broadcast %parallel_loop3A_212 : i32 to vector<16xi32>
        %parallel_loop3A_222 = arith.addi %add3A_8, %parallel_loop3A_221 : vector<16xi32>
        tpu.vector_store_idx %arg8[%parallel_loop3A_222], %parallel_loop3A_220 : memref<9216xf32, #tpu.memory_space<vmem>>[vector<16xi32>], vector<16xf32>,
        %parallel_loop3A_223 = arith.constant 0 : i32
        %parallel_loop3A_224 = arith.constant 0 : i32
        %parallel_loop3A_225 = tpu.memref_slice %arg7[%parallel_loop3A_121, %parallel_loop3A_223, %parallel_loop3A_224] : memref<2x128x64xf32, #tpu.memory_space<vmem>> -> memref<1x128x64xf32, #tpu.memory_space<vmem>>
        %parallel_loop3A_226 = tpu.memref_squeeze %parallel_loop3A_225 : memref<1x128x64xf32, #tpu.memory_space<vmem>> -> memref<128x64xf32, #tpu.memory_space<vmem>>
        %parallel_loop3A_227 = arith.index_cast %parallel_loop3A_212 : i32 to index
        %parallel_loop3A_228 = arith.constant 16 : index
        %parallel_loop3A_229 = tpu.vector_load %parallel_loop3A_226[%parallel_loop3A_227, %parallel_loop3A_228] {strides = array<i32>} : memref<128x64xf32, #tpu.memory_space<vmem>>, vector<16xf32>,
        %parallel_loop3A_230 = arith.addf %parallel_loop3A_229, %get3A_112 : vector<16xf32>
        %parallel_loop3A_231 = vector.broadcast %parallel_loop3A_212 : i32 to vector<16xi32>
        %parallel_loop3A_232 = arith.addi %add3A_14, %parallel_loop3A_231 : vector<16xi32>
        tpu.vector_store_idx %arg8[%parallel_loop3A_232], %parallel_loop3A_230 : memref<9216xf32, #tpu.memory_space<vmem>>[vector<16xi32>], vector<16xf32>,
        %parallel_loop3A_233 = arith.constant 0 : i32
        %parallel_loop3A_234 = arith.constant 0 : i32
        %parallel_loop3A_235 = tpu.memref_slice %arg7[%parallel_loop3A_121, %parallel_loop3A_233, %parallel_loop3A_234] : memref<2x128x64xf32, #tpu.memory_space<vmem>> -> memref<1x128x64xf32, #tpu.memory_space<vmem>>
        %parallel_loop3A_236 = tpu.memref_squeeze %parallel_loop3A_235 : memref<1x128x64xf32, #tpu.memory_space<vmem>> -> memref<128x64xf32, #tpu.memory_space<vmem>>
        %parallel_loop3A_237 = arith.index_cast %parallel_loop3A_212 : i32 to index
        %parallel_loop3A_238 = arith.constant 32 : index
        %parallel_loop3A_239 = tpu.vector_load %parallel_loop3A_236[%parallel_loop3A_237, %parallel_loop3A_238] {strides = array<i32>} : memref<128x64xf32, #tpu.memory_space<vmem>>, vector<16xf32>,
        %parallel_loop3A_240 = arith.addf %parallel_loop3A_239, %get3A_115 : vector<16xf32>
        %parallel_loop3A_241 = vector.broadcast %parallel_loop3A_212 : i32 to vector<16xi32>
        %parallel_loop3A_242 = arith.addi %add3A_20, %parallel_loop3A_241 : vector<16xi32>
        tpu.vector_store_idx %arg8[%parallel_loop3A_242], %parallel_loop3A_240 : memref<9216xf32, #tpu.memory_space<vmem>>[vector<16xi32>], vector<16xf32>,
        %parallel_loop3A_243 = arith.constant 0 : i32
        %parallel_loop3A_244 = arith.constant 0 : i32
        %parallel_loop3A_245 = tpu.memref_slice %arg7[%parallel_loop3A_121, %parallel_loop3A_243, %parallel_loop3A_244] : memref<2x128x64xf32, #tpu.memory_space<vmem>> -> memref<1x128x64xf32, #tpu.memory_space<vmem>>
        %parallel_loop3A_246 = tpu.memref_squeeze %parallel_loop3A_245 : memref<1x128x64xf32, #tpu.memory_space<vmem>> -> memref<128x64xf32, #tpu.memory_space<vmem>>
        %parallel_loop3A_247 = arith.index_cast %parallel_loop3A_212 : i32 to index
        %parallel_loop3A_248 = arith.constant 48 : index
        %parallel_loop3A_249 = tpu.vector_load %parallel_loop3A_246[%parallel_loop3A_247, %parallel_loop3A_248] {strides = array<i32>} : memref<128x64xf32, #tpu.memory_space<vmem>>, vector<16xf32>,
        %parallel_loop3A_250 = arith.addf %parallel_loop3A_249, %get3A_118 : vector<16xf32>
        %parallel_loop3A_251 = vector.broadcast %parallel_loop3A_212 : i32 to vector<16xi32>
        %parallel_loop3A_252 = arith.addi %add3A_26, %parallel_loop3A_251 : vector<16xi32>
        tpu.vector_store_idx %arg8[%parallel_loop3A_252], %parallel_loop3A_250 : memref<9216xf32, #tpu.memory_space<vmem>>[vector<16xi32>], vector<16xf32>,
        %parallel_loop3A_253 = arith.constant 1 : i32
        %parallel_loop3A_254 = arith.addi %parallel_loop3A_210, %parallel_loop3A_253 : i32
        %parallel_loop3A_255 = arith.constant 0 : i32
        %parallel_loop3A_256 = arith.constant 0 : i32
        %parallel_loop3A_257 = tpu.memref_slice %arg7[%parallel_loop3A_121, %parallel_loop3A_255, %parallel_loop3A_256] : memref<2x128x64xf32, #tpu.memory_space<vmem>> -> memref<1x128x64xf32, #tpu.memory_space<vmem>>
        %parallel_loop3A_258 = tpu.memref_squeeze %parallel_loop3A_257 : memref<1x128x64xf32, #tpu.memory_space<vmem>> -> memref<128x64xf32, #tpu.memory_space<vmem>>
        %parallel_loop3A_259 = arith.index_cast %parallel_loop3A_254 : i32 to index
        %parallel_loop3A_260 = arith.constant 0 : index
        %parallel_loop3A_261 = tpu.vector_load %parallel_loop3A_258[%parallel_loop3A_259, %parallel_loop3A_260] {strides = array<i32>} : memref<128x64xf32, #tpu.memory_space<vmem>>, vector<16xf32>,
        %parallel_loop3A_262 = arith.addf %parallel_loop3A_261, %get3A_109 : vector<16xf32>
        %parallel_loop3A_263 = vector.broadcast %parallel_loop3A_254 : i32 to vector<16xi32>
        %parallel_loop3A_264 = arith.addi %add3A_8, %parallel_loop3A_263 : vector<16xi32>
        tpu.vector_store_idx %arg8[%parallel_loop3A_264], %parallel_loop3A_262 : memref<9216xf32, #tpu.memory_space<vmem>>[vector<16xi32>], vector<16xf32>,
        %parallel_loop3A_265 = arith.constant 0 : i32
        %parallel_loop3A_266 = arith.constant 0 : i32
        %parallel_loop3A_267 = tpu.memref_slice %arg7[%parallel_loop3A_121, %parallel_loop3A_265, %parallel_loop3A_266] : memref<2x128x64xf32, #tpu.memory_space<vmem>> -> memref<1x128x64xf32, #tpu.memory_space<vmem>>
        %parallel_loop3A_268 = tpu.memref_squeeze %parallel_loop3A_267 : memref<1x128x64xf32, #tpu.memory_space<vmem>> -> memref<128x64xf32, #tpu.memory_space<vmem>>
        %parallel_loop3A_269 = arith.index_cast %parallel_loop3A_254 : i32 to index
        %parallel_loop3A_270 = arith.constant 16 : index
        %parallel_loop3A_271 = tpu.vector_load %parallel_loop3A_268[%parallel_loop3A_269, %parallel_loop3A_270] {strides = array<i32>} : memref<128x64xf32, #tpu.memory_space<vmem>>, vector<16xf32>,
        %parallel_loop3A_272 = arith.addf %parallel_loop3A_271, %get3A_112 : vector<16xf32>
        %parallel_loop3A_273 = vector.broadcast %parallel_loop3A_254 : i32 to vector<16xi32>
        %parallel_loop3A_274 = arith.addi %add3A_14, %parallel_loop3A_273 : vector<16xi32>
        tpu.vector_store_idx %arg8[%parallel_loop3A_274], %parallel_loop3A_272 : memref<9216xf32, #tpu.memory_space<vmem>>[vector<16xi32>], vector<16xf32>,
        %parallel_loop3A_275 = arith.constant 0 : i32
        %parallel_loop3A_276 = arith.constant 0 : i32
        %parallel_loop3A_277 = tpu.memref_slice %arg7[%parallel_loop3A_121, %parallel_loop3A_275, %parallel_loop3A_276] : memref<2x128x64xf32, #tpu.memory_space<vmem>> -> memref<1x128x64xf32, #tpu.memory_space<vmem>>
        %parallel_loop3A_278 = tpu.memref_squeeze %parallel_loop3A_277 : memref<1x128x64xf32, #tpu.memory_space<vmem>> -> memref<128x64xf32, #tpu.memory_space<vmem>>
        %parallel_loop3A_279 = arith.index_cast %parallel_loop3A_254 : i32 to index
        %parallel_loop3A_280 = arith.constant 32 : index
        %parallel_loop3A_281 = tpu.vector_load %parallel_loop3A_278[%parallel_loop3A_279, %parallel_loop3A_280] {strides = array<i32>} : memref<128x64xf32, #tpu.memory_space<vmem>>, vector<16xf32>,
        %parallel_loop3A_282 = arith.addf %parallel_loop3A_281, %get3A_115 : vector<16xf32>
        %parallel_loop3A_283 = vector.broadcast %parallel_loop3A_254 : i32 to vector<16xi32>
        %parallel_loop3A_284 = arith.addi %add3A_20, %parallel_loop3A_283 : vector<16xi32>
        tpu.vector_store_idx %arg8[%parallel_loop3A_284], %parallel_loop3A_282 : memref<9216xf32, #tpu.memory_space<vmem>>[vector<16xi32>], vector<16xf32>,
        %parallel_loop3A_285 = arith.constant 0 : i32
        %parallel_loop3A_286 = arith.constant 0 : i32
        %parallel_loop3A_287 = tpu.memref_slice %arg7[%parallel_loop3A_121, %parallel_loop3A_285, %parallel_loop3A_286] : memref<2x128x64xf32, #tpu.memory_space<vmem>> -> memref<1x128x64xf32, #tpu.memory_space<vmem>>
        %parallel_loop3A_288 = tpu.memref_squeeze %parallel_loop3A_287 : memref<1x128x64xf32, #tpu.memory_space<vmem>> -> memref<128x64xf32, #tpu.memory_space<vmem>>
        %parallel_loop3A_289 = arith.index_cast %parallel_loop3A_254 : i32 to index
        %parallel_loop3A_290 = arith.constant 48 : index
        %parallel_loop3A_291 = tpu.vector_load %parallel_loop3A_288[%parallel_loop3A_289, %parallel_loop3A_290] {strides = array<i32>} : memref<128x64xf32, #tpu.memory_space<vmem>>, vector<16xf32>,
        %parallel_loop3A_292 = arith.addf %parallel_loop3A_291, %get3A_118 : vector<16xf32>
        %parallel_loop3A_293 = vector.broadcast %parallel_loop3A_254 : i32 to vector<16xi32>
        %parallel_loop3A_294 = arith.addi %add3A_26, %parallel_loop3A_293 : vector<16xi32>
        tpu.vector_store_idx %arg8[%parallel_loop3A_294], %parallel_loop3A_292 : memref<9216xf32, #tpu.memory_space<vmem>>[vector<16xi32>], vector<16xf32>,
        %parallel_loop3A_295 = arith.constant 2 : i32
        %parallel_loop3A_296 = arith.addi %parallel_loop3A_210, %parallel_loop3A_295 : i32
        %parallel_loop3A_297 = arith.constant 0 : i32
        %parallel_loop3A_298 = arith.constant 0 : i32
        %parallel_loop3A_299 = tpu.memref_slice %arg7[%parallel_loop3A_121, %parallel_loop3A_297, %parallel_loop3A_298] : memref<2x128x64xf32, #tpu.memory_space<vmem>> -> memref<1x128x64xf32, #tpu.memory_space<vmem>>
        %parallel_loop3A_300 = tpu.memref_squeeze %parallel_loop3A_299 : memref<1x128x64xf32, #tpu.memory_space<vmem>> -> memref<128x64xf32, #tpu.memory_space<vmem>>
        %parallel_loop3A_301 = arith.index_cast %parallel_loop3A_296 : i32 to index
        %parallel_loop3A_302 = arith.constant 0 : index
        %parallel_loop3A_303 = tpu.vector_load %parallel_loop3A_300[%parallel_loop3A_301, %parallel_loop3A_302] {strides = array<i32>} : memref<128x64xf32, #tpu.memory_space<vmem>>, vector<16xf32>,
        %parallel_loop3A_304 = arith.addf %parallel_loop3A_303, %get3A_109 : vector<16xf32>
        %parallel_loop3A_305 = vector.broadcast %parallel_loop3A_296 : i32 to vector<16xi32>
        %parallel_loop3A_306 = arith.addi %add3A_8, %parallel_loop3A_305 : vector<16xi32>
        tpu.vector_store_idx %arg8[%parallel_loop3A_306], %parallel_loop3A_304 : memref<9216xf32, #tpu.memory_space<vmem>>[vector<16xi32>], vector<16xf32>,
        %parallel_loop3A_307 = arith.constant 0 : i32
        %parallel_loop3A_308 = arith.constant 0 : i32
        %parallel_loop3A_309 = tpu.memref_slice %arg7[%parallel_loop3A_121, %parallel_loop3A_307, %parallel_loop3A_308] : memref<2x128x64xf32, #tpu.memory_space<vmem>> -> memref<1x128x64xf32, #tpu.memory_space<vmem>>
        %parallel_loop3A_310 = tpu.memref_squeeze %parallel_loop3A_309 : memref<1x128x64xf32, #tpu.memory_space<vmem>> -> memref<128x64xf32, #tpu.memory_space<vmem>>
        %parallel_loop3A_311 = arith.index_cast %parallel_loop3A_296 : i32 to index
        %parallel_loop3A_312 = arith.constant 16 : index
        %parallel_loop3A_313 = tpu.vector_load %parallel_loop3A_310[%parallel_loop3A_311, %parallel_loop3A_312] {strides = array<i32>} : memref<128x64xf32, #tpu.memory_space<vmem>>, vector<16xf32>,
        %parallel_loop3A_314 = arith.addf %parallel_loop3A_313, %get3A_112 : vector<16xf32>
        %parallel_loop3A_315 = vector.broadcast %parallel_loop3A_296 : i32 to vector<16xi32>
        %parallel_loop3A_316 = arith.addi %add3A_14, %parallel_loop3A_315 : vector<16xi32>
        tpu.vector_store_idx %arg8[%parallel_loop3A_316], %parallel_loop3A_314 : memref<9216xf32, #tpu.memory_space<vmem>>[vector<16xi32>], vector<16xf32>,
        %parallel_loop3A_317 = arith.constant 0 : i32
        %parallel_loop3A_318 = arith.constant 0 : i32
        %parallel_loop3A_319 = tpu.memref_slice %arg7[%parallel_loop3A_121, %parallel_loop3A_317, %parallel_loop3A_318] : memref<2x128x64xf32, #tpu.memory_space<vmem>> -> memref<1x128x64xf32, #tpu.memory_space<vmem>>
        %parallel_loop3A_320 = tpu.memref_squeeze %parallel_loop3A_319 : memref<1x128x64xf32, #tpu.memory_space<vmem>> -> memref<128x64xf32, #tpu.memory_space<vmem>>
        %parallel_loop3A_321 = arith.index_cast %parallel_loop3A_296 : i32 to index
        %parallel_loop3A_322 = arith.constant 32 : index
        %parallel_loop3A_323 = tpu.vector_load %parallel_loop3A_320[%parallel_loop3A_321, %parallel_loop3A_322] {strides = array<i32>} : memref<128x64xf32, #tpu.memory_space<vmem>>, vector<16xf32>,
        %parallel_loop3A_324 = arith.addf %parallel_loop3A_323, %get3A_115 : vector<16xf32>
        %parallel_loop3A_325 = vector.broadcast %parallel_loop3A_296 : i32 to vector<16xi32>
        %parallel_loop3A_326 = arith.addi %add3A_20, %parallel_loop3A_325 : vector<16xi32>
        tpu.vector_store_idx %arg8[%parallel_loop3A_326], %parallel_loop3A_324 : memref<9216xf32, #tpu.memory_space<vmem>>[vector<16xi32>], vector<16xf32>,
        %parallel_loop3A_327 = arith.constant 0 : i32
        %parallel_loop3A_328 = arith.constant 0 : i32
        %parallel_loop3A_329 = tpu.memref_slice %arg7[%parallel_loop3A_121, %parallel_loop3A_327, %parallel_loop3A_328] : memref<2x128x64xf32, #tpu.memory_space<vmem>> -> memref<1x128x64xf32, #tpu.memory_space<vmem>>
        %parallel_loop3A_330 = tpu.memref_squeeze %parallel_loop3A_329 : memref<1x128x64xf32, #tpu.memory_space<vmem>> -> memref<128x64xf32, #tpu.memory_space<vmem>>
        %parallel_loop3A_331 = arith.index_cast %parallel_loop3A_296 : i32 to index
        %parallel_loop3A_332 = arith.constant 48 : index
        %parallel_loop3A_333 = tpu.vector_load %parallel_loop3A_330[%parallel_loop3A_331, %parallel_loop3A_332] {strides = array<i32>} : memref<128x64xf32, #tpu.memory_space<vmem>>, vector<16xf32>,
        %parallel_loop3A_334 = arith.addf %parallel_loop3A_333, %get3A_118 : vector<16xf32>
        %parallel_loop3A_335 = vector.broadcast %parallel_loop3A_296 : i32 to vector<16xi32>
        %parallel_loop3A_336 = arith.addi %add3A_26, %parallel_loop3A_335 : vector<16xi32>
        tpu.vector_store_idx %arg8[%parallel_loop3A_336], %parallel_loop3A_334 : memref<9216xf32, #tpu.memory_space<vmem>>[vector<16xi32>], vector<16xf32>,
        %parallel_loop3A_337 = arith.constant 3 : i32
        %parallel_loop3A_338 = arith.addi %parallel_loop3A_210, %parallel_loop3A_337 : i32
        %parallel_loop3A_339 = arith.constant 0 : i32
        %parallel_loop3A_340 = arith.constant 0 : i32
        %parallel_loop3A_341 = tpu.memref_slice %arg7[%parallel_loop3A_121, %parallel_loop3A_339, %parallel_loop3A_340] : memref<2x128x64xf32, #tpu.memory_space<vmem>> -> memref<1x128x64xf32, #tpu.memory_space<vmem>>
        %parallel_loop3A_342 = tpu.memref_squeeze %parallel_loop3A_341 : memref<1x128x64xf32, #tpu.memory_space<vmem>> -> memref<128x64xf32, #tpu.memory_space<vmem>>
        %parallel_loop3A_343 = arith.index_cast %parallel_loop3A_338 : i32 to index
        %parallel_loop3A_344 = arith.constant 0 : index
        %parallel_loop3A_345 = tpu.vector_load %parallel_loop3A_342[%parallel_loop3A_343, %parallel_loop3A_344] {strides = array<i32>} : memref<128x64xf32, #tpu.memory_space<vmem>>, vector<16xf32>,
        %parallel_loop3A_346 = arith.addf %parallel_loop3A_345, %get3A_109 : vector<16xf32>
        %parallel_loop3A_347 = vector.broadcast %parallel_loop3A_338 : i32 to vector<16xi32>
        %parallel_loop3A_348 = arith.addi %add3A_8, %parallel_loop3A_347 : vector<16xi32>
        tpu.vector_store_idx %arg8[%parallel_loop3A_348], %parallel_loop3A_346 : memref<9216xf32, #tpu.memory_space<vmem>>[vector<16xi32>], vector<16xf32>,
        %parallel_loop3A_349 = arith.constant 0 : i32
        %parallel_loop3A_350 = arith.constant 0 : i32
        %parallel_loop3A_351 = tpu.memref_slice %arg7[%parallel_loop3A_121, %parallel_loop3A_349, %parallel_loop3A_350] : memref<2x128x64xf32, #tpu.memory_space<vmem>> -> memref<1x128x64xf32, #tpu.memory_space<vmem>>
        %parallel_loop3A_352 = tpu.memref_squeeze %parallel_loop3A_351 : memref<1x128x64xf32, #tpu.memory_space<vmem>> -> memref<128x64xf32, #tpu.memory_space<vmem>>
        %parallel_loop3A_353 = arith.index_cast %parallel_loop3A_338 : i32 to index
        %parallel_loop3A_354 = arith.constant 16 : index
        %parallel_loop3A_355 = tpu.vector_load %parallel_loop3A_352[%parallel_loop3A_353, %parallel_loop3A_354] {strides = array<i32>} : memref<128x64xf32, #tpu.memory_space<vmem>>, vector<16xf32>,
        %parallel_loop3A_356 = arith.addf %parallel_loop3A_355, %get3A_112 : vector<16xf32>
        %parallel_loop3A_357 = vector.broadcast %parallel_loop3A_338 : i32 to vector<16xi32>
        %parallel_loop3A_358 = arith.addi %add3A_14, %parallel_loop3A_357 : vector<16xi32>
        tpu.vector_store_idx %arg8[%parallel_loop3A_358], %parallel_loop3A_356 : memref<9216xf32, #tpu.memory_space<vmem>>[vector<16xi32>], vector<16xf32>,
        %parallel_loop3A_359 = arith.constant 0 : i32
        %parallel_loop3A_360 = arith.constant 0 : i32
        %parallel_loop3A_361 = tpu.memref_slice %arg7[%parallel_loop3A_121, %parallel_loop3A_359, %parallel_loop3A_360] : memref<2x128x64xf32, #tpu.memory_space<vmem>> -> memref<1x128x64xf32, #tpu.memory_space<vmem>>
        %parallel_loop3A_362 = tpu.memref_squeeze %parallel_loop3A_361 : memref<1x128x64xf32, #tpu.memory_space<vmem>> -> memref<128x64xf32, #tpu.memory_space<vmem>>
        %parallel_loop3A_363 = arith.index_cast %parallel_loop3A_338 : i32 to index
        %parallel_loop3A_364 = arith.constant 32 : index
        %parallel_loop3A_365 = tpu.vector_load %parallel_loop3A_362[%parallel_loop3A_363, %parallel_loop3A_364] {strides = array<i32>} : memref<128x64xf32, #tpu.memory_space<vmem>>, vector<16xf32>,
        %parallel_loop3A_366 = arith.addf %parallel_loop3A_365, %get3A_115 : vector<16xf32>
        %parallel_loop3A_367 = vector.broadcast %parallel_loop3A_338 : i32 to vector<16xi32>
        %parallel_loop3A_368 = arith.addi %add3A_20, %parallel_loop3A_367 : vector<16xi32>
        tpu.vector_store_idx %arg8[%parallel_loop3A_368], %parallel_loop3A_366 : memref<9216xf32, #tpu.memory_space<vmem>>[vector<16xi32>], vector<16xf32>,
        %parallel_loop3A_369 = arith.constant 0 : i32
        %parallel_loop3A_370 = arith.constant 0 : i32
        %parallel_loop3A_371 = tpu.memref_slice %arg7[%parallel_loop3A_121, %parallel_loop3A_369, %parallel_loop3A_370] : memref<2x128x64xf32, #tpu.memory_space<vmem>> -> memref<1x128x64xf32, #tpu.memory_space<vmem>>
        %parallel_loop3A_372 = tpu.memref_squeeze %parallel_loop3A_371 : memref<1x128x64xf32, #tpu.memory_space<vmem>> -> memref<128x64xf32, #tpu.memory_space<vmem>>
        %parallel_loop3A_373 = arith.index_cast %parallel_loop3A_338 : i32 to index
        %parallel_loop3A_374 = arith.constant 48 : index
        %parallel_loop3A_375 = tpu.vector_load %parallel_loop3A_372[%parallel_loop3A_373, %parallel_loop3A_374] {strides = array<i32>} : memref<128x64xf32, #tpu.memory_space<vmem>>, vector<16xf32>,
        %parallel_loop3A_376 = arith.addf %parallel_loop3A_375, %get3A_118 : vector<16xf32>
        %parallel_loop3A_377 = vector.broadcast %parallel_loop3A_338 : i32 to vector<16xi32>
        %parallel_loop3A_378 = arith.addi %add3A_26, %parallel_loop3A_377 : vector<16xi32>
        tpu.vector_store_idx %arg8[%parallel_loop3A_378], %parallel_loop3A_376 : memref<9216xf32, #tpu.memory_space<vmem>>[vector<16xi32>], vector<16xf32>,
      } {sc.loop_unroll_factor = 1 : i64, sc.parallel_access}
      %parallel_loop3A_122 = arith.constant 0 : i32
      %parallel_loop3A_123 = arith.constant 64 : i32
      %parallel_loop3A_124 = arith.constant 2 : i32
      %parallel_loop3A_125 = arith.constant 0 : i32
      scf.for %parallel_loop3A_210 = %parallel_loop3A_122 to %parallel_loop3A_123 step %parallel_loop3A_124  : i32 {
        %parallel_loop3A_211 = arith.constant 0 : i32
        %parallel_loop3A_212 = arith.addi %parallel_loop3A_210, %parallel_loop3A_211 : i32
        %parallel_loop3A_213 = arith.constant 144 : i32
        %parallel_loop3A_214 = arith.muli %parallel_loop3A_212, %parallel_loop3A_213 : i32
        %parallel_loop3A_215 = arith.constant 15 : i32
        %parallel_loop3A_216 = arith.andi %parallel_loop3A_212, %parallel_loop3A_215 : i32
        %parallel_loop3A_217 = arith.addi %parallel_loop3A_214, %parallel_loop3A_216 : i32
        %parallel_loop3A_218 = arith.constant 3 : i32
        %parallel_loop3A_219 = arith.shrui %parallel_loop3A_212, %parallel_loop3A_218 : i32
        %parallel_loop3A_220 = arith.constant 7 : i32
        %parallel_loop3A_221 = arith.andi %parallel_loop3A_212, %parallel_loop3A_220 : i32
        %parallel_loop3A_222 = arith.constant 7 : i32
        %parallel_loop3A_223 = arith.shli %parallel_loop3A_221, %parallel_loop3A_222 : i32
        %parallel_loop3A_224 = arith.constant 0 : i32
        %parallel_loop3A_225 = arith.addi %parallel_loop3A_217, %parallel_loop3A_224 : i32
        %parallel_loop3A_226 = arith.index_cast %parallel_loop3A_225 : i32 to index
        %parallel_loop3A_227 = tpu.vector_load %arg8[%parallel_loop3A_226] {strides = array<i32>} : memref<9216xf32, #tpu.memory_space<vmem>>, vector<16xf32>,
        %parallel_loop3A_228 = arith.constant 0 : i32
        %parallel_loop3A_229 = arith.addi %parallel_loop3A_223, %parallel_loop3A_228 : i32
        %parallel_loop3A_230 = arith.constant 0 : i32
        %parallel_loop3A_231 = arith.constant 0 : i32
        %parallel_loop3A_232 = tpu.memref_slice %arg9[%parallel_loop3A_125, %parallel_loop3A_230, %parallel_loop3A_231] : memref<2x8x1024xf32, #tpu.memory_space<vmem>> -> memref<1x8x1024xf32, #tpu.memory_space<vmem>>
        %parallel_loop3A_233 = tpu.memref_squeeze %parallel_loop3A_232 : memref<1x8x1024xf32, #tpu.memory_space<vmem>> -> memref<8x1024xf32, #tpu.memory_space<vmem>>
        %parallel_loop3A_234 = arith.index_cast %parallel_loop3A_219 : i32 to index
        %parallel_loop3A_235 = arith.index_cast %parallel_loop3A_229 : i32 to index
        %parallel_loop3A_236 = tpu.vector_load %parallel_loop3A_233[%parallel_loop3A_234, %parallel_loop3A_235] {strides = array<i32>} : memref<8x1024xf32, #tpu.memory_space<vmem>>, vector<16xf32>,
        tpu.vector_store %parallel_loop3A_233[%parallel_loop3A_234, %parallel_loop3A_235], %parallel_loop3A_227 {strides = array<i32>} : memref<8x1024xf32, #tpu.memory_space<vmem>>, vector<16xf32>,
        %parallel_loop3A_237 = arith.constant 16 : i32
        %parallel_loop3A_238 = arith.addi %parallel_loop3A_217, %parallel_loop3A_237 : i32
        %parallel_loop3A_239 = arith.index_cast %parallel_loop3A_238 : i32 to index
        %parallel_loop3A_240 = tpu.vector_load %arg8[%parallel_loop3A_239] {strides = array<i32>} : memref<9216xf32, #tpu.memory_space<vmem>>, vector<16xf32>,
        %parallel_loop3A_241 = arith.constant 16 : i32
        %parallel_loop3A_242 = arith.addi %parallel_loop3A_223, %parallel_loop3A_241 : i32
        %parallel_loop3A_243 = arith.constant 0 : i32
        %parallel_loop3A_244 = arith.constant 0 : i32
        %parallel_loop3A_245 = tpu.memref_slice %arg9[%parallel_loop3A_125, %parallel_loop3A_243, %parallel_loop3A_244] : memref<2x8x1024xf32, #tpu.memory_space<vmem>> -> memref<1x8x1024xf32, #tpu.memory_space<vmem>>
        %parallel_loop3A_246 = tpu.memref_squeeze %parallel_loop3A_245 : memref<1x8x1024xf32, #tpu.memory_space<vmem>> -> memref<8x1024xf32, #tpu.memory_space<vmem>>
        %parallel_loop3A_247 = arith.index_cast %parallel_loop3A_219 : i32 to index
        %parallel_loop3A_248 = arith.index_cast %parallel_loop3A_242 : i32 to index
        %parallel_loop3A_249 = tpu.vector_load %parallel_loop3A_246[%parallel_loop3A_247, %parallel_loop3A_248] {strides = array<i32>} : memref<8x1024xf32, #tpu.memory_space<vmem>>, vector<16xf32>,
        tpu.vector_store %parallel_loop3A_246[%parallel_loop3A_247, %parallel_loop3A_248], %parallel_loop3A_240 {strides = array<i32>} : memref<8x1024xf32, #tpu.memory_space<vmem>>, vector<16xf32>,
        %parallel_loop3A_250 = arith.constant 32 : i32
        %parallel_loop3A_251 = arith.addi %parallel_loop3A_217, %parallel_loop3A_250 : i32
        %parallel_loop3A_252 = arith.index_cast %parallel_loop3A_251 : i32 to index
        %parallel_loop3A_253 = tpu.vector_load %arg8[%parallel_loop3A_252] {strides = array<i32>} : memref<9216xf32, #tpu.memory_space<vmem>>, vector<16xf32>,
        %parallel_loop3A_254 = arith.constant 32 : i32
        %parallel_loop3A_255 = arith.addi %parallel_loop3A_223, %parallel_loop3A_254 : i32
        %parallel_loop3A_256 = arith.constant 0 : i32
        %parallel_loop3A_257 = arith.constant 0 : i32
        %parallel_loop3A_258 = tpu.memref_slice %arg9[%parallel_loop3A_125, %parallel_loop3A_256, %parallel_loop3A_257] : memref<2x8x1024xf32, #tpu.memory_space<vmem>> -> memref<1x8x1024xf32, #tpu.memory_space<vmem>>
        %parallel_loop3A_259 = tpu.memref_squeeze %parallel_loop3A_258 : memref<1x8x1024xf32, #tpu.memory_space<vmem>> -> memref<8x1024xf32, #tpu.memory_space<vmem>>
        %parallel_loop3A_260 = arith.index_cast %parallel_loop3A_219 : i32 to index
        %parallel_loop3A_261 = arith.index_cast %parallel_loop3A_255 : i32 to index
        %parallel_loop3A_262 = tpu.vector_load %parallel_loop3A_259[%parallel_loop3A_260, %parallel_loop3A_261] {strides = array<i32>} : memref<8x1024xf32, #tpu.memory_space<vmem>>, vector<16xf32>,
        tpu.vector_store %parallel_loop3A_259[%parallel_loop3A_260, %parallel_loop3A_261], %parallel_loop3A_253 {strides = array<i32>} : memref<8x1024xf32, #tpu.memory_space<vmem>>, vector<16xf32>,
        %parallel_loop3A_263 = arith.constant 48 : i32
        %parallel_loop3A_264 = arith.addi %parallel_loop3A_217, %parallel_loop3A_263 : i32
        %parallel_loop3A_265 = arith.index_cast %parallel_loop3A_264 : i32 to index
        %parallel_loop3A_266 = tpu.vector_load %arg8[%parallel_loop3A_265] {strides = array<i32>} : memref<9216xf32, #tpu.memory_space<vmem>>, vector<16xf32>,
        %parallel_loop3A_267 = arith.constant 48 : i32
        %parallel_loop3A_268 = arith.addi %parallel_loop3A_223, %parallel_loop3A_267 : i32
        %parallel_loop3A_269 = arith.constant 0 : i32
        %parallel_loop3A_270 = arith.constant 0 : i32
        %parallel_loop3A_271 = tpu.memref_slice %arg9[%parallel_loop3A_125, %parallel_loop3A_269, %parallel_loop3A_270] : memref<2x8x1024xf32, #tpu.memory_space<vmem>> -> memref<1x8x1024xf32, #tpu.memory_space<vmem>>
        %parallel_loop3A_272 = tpu.memref_squeeze %parallel_loop3A_271 : memref<1x8x1024xf32, #tpu.memory_space<vmem>> -> memref<8x1024xf32, #tpu.memory_space<vmem>>
        %parallel_loop3A_273 = arith.index_cast %parallel_loop3A_219 : i32 to index
        %parallel_loop3A_274 = arith.index_cast %parallel_loop3A_268 : i32 to index
        %parallel_loop3A_275 = tpu.vector_load %parallel_loop3A_272[%parallel_loop3A_273, %parallel_loop3A_274] {strides = array<i32>} : memref<8x1024xf32, #tpu.memory_space<vmem>>, vector<16xf32>,
        tpu.vector_store %parallel_loop3A_272[%parallel_loop3A_273, %parallel_loop3A_274], %parallel_loop3A_266 {strides = array<i32>} : memref<8x1024xf32, #tpu.memory_space<vmem>>, vector<16xf32>,
        %parallel_loop3A_276 = arith.constant 64 : i32
        %parallel_loop3A_277 = arith.addi %parallel_loop3A_217, %parallel_loop3A_276 : i32
        %parallel_loop3A_278 = arith.index_cast %parallel_loop3A_277 : i32 to index
        %parallel_loop3A_279 = tpu.vector_load %arg8[%parallel_loop3A_278] {strides = array<i32>} : memref<9216xf32, #tpu.memory_space<vmem>>, vector<16xf32>,
        %parallel_loop3A_280 = arith.constant 64 : i32
        %parallel_loop3A_281 = arith.addi %parallel_loop3A_223, %parallel_loop3A_280 : i32
        %parallel_loop3A_282 = arith.constant 0 : i32
        %parallel_loop3A_283 = arith.constant 0 : i32
        %parallel_loop3A_284 = tpu.memref_slice %arg9[%parallel_loop3A_125, %parallel_loop3A_282, %parallel_loop3A_283] : memref<2x8x1024xf32, #tpu.memory_space<vmem>> -> memref<1x8x1024xf32, #tpu.memory_space<vmem>>
        %parallel_loop3A_285 = tpu.memref_squeeze %parallel_loop3A_284 : memref<1x8x1024xf32, #tpu.memory_space<vmem>> -> memref<8x1024xf32, #tpu.memory_space<vmem>>
        %parallel_loop3A_286 = arith.index_cast %parallel_loop3A_219 : i32 to index
        %parallel_loop3A_287 = arith.index_cast %parallel_loop3A_281 : i32 to index
        %parallel_loop3A_288 = tpu.vector_load %parallel_loop3A_285[%parallel_loop3A_286, %parallel_loop3A_287] {strides = array<i32>} : memref<8x1024xf32, #tpu.memory_space<vmem>>, vector<16xf32>,
        tpu.vector_store %parallel_loop3A_285[%parallel_loop3A_286, %parallel_loop3A_287], %parallel_loop3A_279 {strides = array<i32>} : memref<8x1024xf32, #tpu.memory_space<vmem>>, vector<16xf32>,
        %parallel_loop3A_289 = arith.constant 80 : i32
        %parallel_loop3A_290 = arith.addi %parallel_loop3A_217, %parallel_loop3A_289 : i32
        %parallel_loop3A_291 = arith.index_cast %parallel_loop3A_290 : i32 to index
        %parallel_loop3A_292 = tpu.vector_load %arg8[%parallel_loop3A_291] {strides = array<i32>} : memref<9216xf32, #tpu.memory_space<vmem>>, vector<16xf32>,
        %parallel_loop3A_293 = arith.constant 80 : i32
        %parallel_loop3A_294 = arith.addi %parallel_loop3A_223, %parallel_loop3A_293 : i32
        %parallel_loop3A_295 = arith.constant 0 : i32
        %parallel_loop3A_296 = arith.constant 0 : i32
        %parallel_loop3A_297 = tpu.memref_slice %arg9[%parallel_loop3A_125, %parallel_loop3A_295, %parallel_loop3A_296] : memref<2x8x1024xf32, #tpu.memory_space<vmem>> -> memref<1x8x1024xf32, #tpu.memory_space<vmem>>
        %parallel_loop3A_298 = tpu.memref_squeeze %parallel_loop3A_297 : memref<1x8x1024xf32, #tpu.memory_space<vmem>> -> memref<8x1024xf32, #tpu.memory_space<vmem>>
        %parallel_loop3A_299 = arith.index_cast %parallel_loop3A_219 : i32 to index
        %parallel_loop3A_300 = arith.index_cast %parallel_loop3A_294 : i32 to index
        %parallel_loop3A_301 = tpu.vector_load %parallel_loop3A_298[%parallel_loop3A_299, %parallel_loop3A_300] {strides = array<i32>} : memref<8x1024xf32, #tpu.memory_space<vmem>>, vector<16xf32>,
        tpu.vector_store %parallel_loop3A_298[%parallel_loop3A_299, %parallel_loop3A_300], %parallel_loop3A_292 {strides = array<i32>} : memref<8x1024xf32, #tpu.memory_space<vmem>>, vector<16xf32>,
        %parallel_loop3A_302 = arith.constant 96 : i32
        %parallel_loop3A_303 = arith.addi %parallel_loop3A_217, %parallel_loop3A_302 : i32
        %parallel_loop3A_304 = arith.index_cast %parallel_loop3A_303 : i32 to index
        %parallel_loop3A_305 = tpu.vector_load %arg8[%parallel_loop3A_304] {strides = array<i32>} : memref<9216xf32, #tpu.memory_space<vmem>>, vector<16xf32>,
        %parallel_loop3A_306 = arith.constant 96 : i32
        %parallel_loop3A_307 = arith.addi %parallel_loop3A_223, %parallel_loop3A_306 : i32
        %parallel_loop3A_308 = arith.constant 0 : i32
        %parallel_loop3A_309 = arith.constant 0 : i32
        %parallel_loop3A_310 = tpu.memref_slice %arg9[%parallel_loop3A_125, %parallel_loop3A_308, %parallel_loop3A_309] : memref<2x8x1024xf32, #tpu.memory_space<vmem>> -> memref<1x8x1024xf32, #tpu.memory_space<vmem>>
        %parallel_loop3A_311 = tpu.memref_squeeze %parallel_loop3A_310 : memref<1x8x1024xf32, #tpu.memory_space<vmem>> -> memref<8x1024xf32, #tpu.memory_space<vmem>>
        %parallel_loop3A_312 = arith.index_cast %parallel_loop3A_219 : i32 to index
        %parallel_loop3A_313 = arith.index_cast %parallel_loop3A_307 : i32 to index
        %parallel_loop3A_314 = tpu.vector_load %parallel_loop3A_311[%parallel_loop3A_312, %parallel_loop3A_313] {strides = array<i32>} : memref<8x1024xf32, #tpu.memory_space<vmem>>, vector<16xf32>,
        tpu.vector_store %parallel_loop3A_311[%parallel_loop3A_312, %parallel_loop3A_313], %parallel_loop3A_305 {strides = array<i32>} : memref<8x1024xf32, #tpu.memory_space<vmem>>, vector<16xf32>,
        %parallel_loop3A_315 = arith.constant 112 : i32
        %parallel_loop3A_316 = arith.addi %parallel_loop3A_217, %parallel_loop3A_315 : i32
        %parallel_loop3A_317 = arith.index_cast %parallel_loop3A_316 : i32 to index
        %parallel_loop3A_318 = tpu.vector_load %arg8[%parallel_loop3A_317] {strides = array<i32>} : memref<9216xf32, #tpu.memory_space<vmem>>, vector<16xf32>,
        %parallel_loop3A_319 = arith.constant 112 : i32
        %parallel_loop3A_320 = arith.addi %parallel_loop3A_223, %parallel_loop3A_319 : i32
        %parallel_loop3A_321 = arith.constant 0 : i32
        %parallel_loop3A_322 = arith.constant 0 : i32
        %parallel_loop3A_323 = tpu.memref_slice %arg9[%parallel_loop3A_125, %parallel_loop3A_321, %parallel_loop3A_322] : memref<2x8x1024xf32, #tpu.memory_space<vmem>> -> memref<1x8x1024xf32, #tpu.memory_space<vmem>>
        %parallel_loop3A_324 = tpu.memref_squeeze %parallel_loop3A_323 : memref<1x8x1024xf32, #tpu.memory_space<vmem>> -> memref<8x1024xf32, #tpu.memory_space<vmem>>
        %parallel_loop3A_325 = arith.index_cast %parallel_loop3A_219 : i32 to index
        %parallel_loop3A_326 = arith.index_cast %parallel_loop3A_320 : i32 to index
        %parallel_loop3A_327 = tpu.vector_load %parallel_loop3A_324[%parallel_loop3A_325, %parallel_loop3A_326] {strides = array<i32>} : memref<8x1024xf32, #tpu.memory_space<vmem>>, vector<16xf32>,
        tpu.vector_store %parallel_loop3A_324[%parallel_loop3A_325, %parallel_loop3A_326], %parallel_loop3A_318 {strides = array<i32>} : memref<8x1024xf32, #tpu.memory_space<vmem>>, vector<16xf32>,
        %parallel_loop3A_328 = arith.constant 1 : i32
        %parallel_loop3A_329 = arith.addi %parallel_loop3A_210, %parallel_loop3A_328 : i32
        %parallel_loop3A_330 = arith.constant 144 : i32
        %parallel_loop3A_331 = arith.muli %parallel_loop3A_329, %parallel_loop3A_330 : i32
        %parallel_loop3A_332 = arith.constant 15 : i32
        %parallel_loop3A_333 = arith.andi %parallel_loop3A_329, %parallel_loop3A_332 : i32
        %parallel_loop3A_334 = arith.addi %parallel_loop3A_331, %parallel_loop3A_333 : i32
        %parallel_loop3A_335 = arith.constant 3 : i32
        %parallel_loop3A_336 = arith.shrui %parallel_loop3A_329, %parallel_loop3A_335 : i32
        %parallel_loop3A_337 = arith.constant 7 : i32
        %parallel_loop3A_338 = arith.andi %parallel_loop3A_329, %parallel_loop3A_337 : i32
        %parallel_loop3A_339 = arith.constant 7 : i32
        %parallel_loop3A_340 = arith.shli %parallel_loop3A_338, %parallel_loop3A_339 : i32
        %parallel_loop3A_341 = arith.constant 0 : i32
        %parallel_loop3A_342 = arith.addi %parallel_loop3A_334, %parallel_loop3A_341 : i32
        %parallel_loop3A_343 = arith.index_cast %parallel_loop3A_342 : i32 to index
        %parallel_loop3A_344 = tpu.vector_load %arg8[%parallel_loop3A_343] {strides = array<i32>} : memref<9216xf32, #tpu.memory_space<vmem>>, vector<16xf32>,
        %parallel_loop3A_345 = arith.constant 0 : i32
        %parallel_loop3A_346 = arith.addi %parallel_loop3A_340, %parallel_loop3A_345 : i32
        %parallel_loop3A_347 = arith.constant 0 : i32
        %parallel_loop3A_348 = arith.constant 0 : i32
        %parallel_loop3A_349 = tpu.memref_slice %arg9[%parallel_loop3A_125, %parallel_loop3A_347, %parallel_loop3A_348] : memref<2x8x1024xf32, #tpu.memory_space<vmem>> -> memref<1x8x1024xf32, #tpu.memory_space<vmem>>
        %parallel_loop3A_350 = tpu.memref_squeeze %parallel_loop3A_349 : memref<1x8x1024xf32, #tpu.memory_space<vmem>> -> memref<8x1024xf32, #tpu.memory_space<vmem>>
        %parallel_loop3A_351 = arith.index_cast %parallel_loop3A_336 : i32 to index
        %parallel_loop3A_352 = arith.index_cast %parallel_loop3A_346 : i32 to index
        %parallel_loop3A_353 = tpu.vector_load %parallel_loop3A_350[%parallel_loop3A_351, %parallel_loop3A_352] {strides = array<i32>} : memref<8x1024xf32, #tpu.memory_space<vmem>>, vector<16xf32>,
        tpu.vector_store %parallel_loop3A_350[%parallel_loop3A_351, %parallel_loop3A_352], %parallel_loop3A_344 {strides = array<i32>} : memref<8x1024xf32, #tpu.memory_space<vmem>>, vector<16xf32>,
        %parallel_loop3A_354 = arith.constant 16 : i32
        %parallel_loop3A_355 = arith.addi %parallel_loop3A_334, %parallel_loop3A_354 : i32
        %parallel_loop3A_356 = arith.index_cast %parallel_loop3A_355 : i32 to index
        %parallel_loop3A_357 = tpu.vector_load %arg8[%parallel_loop3A_356] {strides = array<i32>} : memref<9216xf32, #tpu.memory_space<vmem>>, vector<16xf32>,
        %parallel_loop3A_358 = arith.constant 16 : i32
        %parallel_loop3A_359 = arith.addi %parallel_loop3A_340, %parallel_loop3A_358 : i32
        %parallel_loop3A_360 = arith.constant 0 : i32
        %parallel_loop3A_361 = arith.constant 0 : i32
        %parallel_loop3A_362 = tpu.memref_slice %arg9[%parallel_loop3A_125, %parallel_loop3A_360, %parallel_loop3A_361] : memref<2x8x1024xf32, #tpu.memory_space<vmem>> -> memref<1x8x1024xf32, #tpu.memory_space<vmem>>
        %parallel_loop3A_363 = tpu.memref_squeeze %parallel_loop3A_362 : memref<1x8x1024xf32, #tpu.memory_space<vmem>> -> memref<8x1024xf32, #tpu.memory_space<vmem>>
        %parallel_loop3A_364 = arith.index_cast %parallel_loop3A_336 : i32 to index
        %parallel_loop3A_365 = arith.index_cast %parallel_loop3A_359 : i32 to index
        %parallel_loop3A_366 = tpu.vector_load %parallel_loop3A_363[%parallel_loop3A_364, %parallel_loop3A_365] {strides = array<i32>} : memref<8x1024xf32, #tpu.memory_space<vmem>>, vector<16xf32>,
        tpu.vector_store %parallel_loop3A_363[%parallel_loop3A_364, %parallel_loop3A_365], %parallel_loop3A_357 {strides = array<i32>} : memref<8x1024xf32, #tpu.memory_space<vmem>>, vector<16xf32>,
        %parallel_loop3A_367 = arith.constant 32 : i32
        %parallel_loop3A_368 = arith.addi %parallel_loop3A_334, %parallel_loop3A_367 : i32
        %parallel_loop3A_369 = arith.index_cast %parallel_loop3A_368 : i32 to index
        %parallel_loop3A_370 = tpu.vector_load %arg8[%parallel_loop3A_369] {strides = array<i32>} : memref<9216xf32, #tpu.memory_space<vmem>>, vector<16xf32>,
        %parallel_loop3A_371 = arith.constant 32 : i32
        %parallel_loop3A_372 = arith.addi %parallel_loop3A_340, %parallel_loop3A_371 : i32
        %parallel_loop3A_373 = arith.constant 0 : i32
        %parallel_loop3A_374 = arith.constant 0 : i32
        %parallel_loop3A_375 = tpu.memref_slice %arg9[%parallel_loop3A_125, %parallel_loop3A_373, %parallel_loop3A_374] : memref<2x8x1024xf32, #tpu.memory_space<vmem>> -> memref<1x8x1024xf32, #tpu.memory_space<vmem>>
        %parallel_loop3A_376 = tpu.memref_squeeze %parallel_loop3A_375 : memref<1x8x1024xf32, #tpu.memory_space<vmem>> -> memref<8x1024xf32, #tpu.memory_space<vmem>>
        %parallel_loop3A_377 = arith.index_cast %parallel_loop3A_336 : i32 to index
        %parallel_loop3A_378 = arith.index_cast %parallel_loop3A_372 : i32 to index
        %parallel_loop3A_379 = tpu.vector_load %parallel_loop3A_376[%parallel_loop3A_377, %parallel_loop3A_378] {strides = array<i32>} : memref<8x1024xf32, #tpu.memory_space<vmem>>, vector<16xf32>,
        tpu.vector_store %parallel_loop3A_376[%parallel_loop3A_377, %parallel_loop3A_378], %parallel_loop3A_370 {strides = array<i32>} : memref<8x1024xf32, #tpu.memory_space<vmem>>, vector<16xf32>,
        %parallel_loop3A_380 = arith.constant 48 : i32
        %parallel_loop3A_381 = arith.addi %parallel_loop3A_334, %parallel_loop3A_380 : i32
        %parallel_loop3A_382 = arith.index_cast %parallel_loop3A_381 : i32 to index
        %parallel_loop3A_383 = tpu.vector_load %arg8[%parallel_loop3A_382] {strides = array<i32>} : memref<9216xf32, #tpu.memory_space<vmem>>, vector<16xf32>,
        %parallel_loop3A_384 = arith.constant 48 : i32
        %parallel_loop3A_385 = arith.addi %parallel_loop3A_340, %parallel_loop3A_384 : i32
        %parallel_loop3A_386 = arith.constant 0 : i32
        %parallel_loop3A_387 = arith.constant 0 : i32
        %parallel_loop3A_388 = tpu.memref_slice %arg9[%parallel_loop3A_125, %parallel_loop3A_386, %parallel_loop3A_387] : memref<2x8x1024xf32, #tpu.memory_space<vmem>> -> memref<1x8x1024xf32, #tpu.memory_space<vmem>>
        %parallel_loop3A_389 = tpu.memref_squeeze %parallel_loop3A_388 : memref<1x8x1024xf32, #tpu.memory_space<vmem>> -> memref<8x1024xf32, #tpu.memory_space<vmem>>
        %parallel_loop3A_390 = arith.index_cast %parallel_loop3A_336 : i32 to index
        %parallel_loop3A_391 = arith.index_cast %parallel_loop3A_385 : i32 to index
        %parallel_loop3A_392 = tpu.vector_load %parallel_loop3A_389[%parallel_loop3A_390, %parallel_loop3A_391] {strides = array<i32>} : memref<8x1024xf32, #tpu.memory_space<vmem>>, vector<16xf32>,
        tpu.vector_store %parallel_loop3A_389[%parallel_loop3A_390, %parallel_loop3A_391], %parallel_loop3A_383 {strides = array<i32>} : memref<8x1024xf32, #tpu.memory_space<vmem>>, vector<16xf32>,
        %parallel_loop3A_393 = arith.constant 64 : i32
        %parallel_loop3A_394 = arith.addi %parallel_loop3A_334, %parallel_loop3A_393 : i32
        %parallel_loop3A_395 = arith.index_cast %parallel_loop3A_394 : i32 to index
        %parallel_loop3A_396 = tpu.vector_load %arg8[%parallel_loop3A_395] {strides = array<i32>} : memref<9216xf32, #tpu.memory_space<vmem>>, vector<16xf32>,
        %parallel_loop3A_397 = arith.constant 64 : i32
        %parallel_loop3A_398 = arith.addi %parallel_loop3A_340, %parallel_loop3A_397 : i32
        %parallel_loop3A_399 = arith.constant 0 : i32
        %parallel_loop3A_400 = arith.constant 0 : i32
        %parallel_loop3A_401 = tpu.memref_slice %arg9[%parallel_loop3A_125, %parallel_loop3A_399, %parallel_loop3A_400] : memref<2x8x1024xf32, #tpu.memory_space<vmem>> -> memref<1x8x1024xf32, #tpu.memory_space<vmem>>
        %parallel_loop3A_402 = tpu.memref_squeeze %parallel_loop3A_401 : memref<1x8x1024xf32, #tpu.memory_space<vmem>> -> memref<8x1024xf32, #tpu.memory_space<vmem>>
        %parallel_loop3A_403 = arith.index_cast %parallel_loop3A_336 : i32 to index
        %parallel_loop3A_404 = arith.index_cast %parallel_loop3A_398 : i32 to index
        %parallel_loop3A_405 = tpu.vector_load %parallel_loop3A_402[%parallel_loop3A_403, %parallel_loop3A_404] {strides = array<i32>} : memref<8x1024xf32, #tpu.memory_space<vmem>>, vector<16xf32>,
        tpu.vector_store %parallel_loop3A_402[%parallel_loop3A_403, %parallel_loop3A_404], %parallel_loop3A_396 {strides = array<i32>} : memref<8x1024xf32, #tpu.memory_space<vmem>>, vector<16xf32>,
        %parallel_loop3A_406 = arith.constant 80 : i32
        %parallel_loop3A_407 = arith.addi %parallel_loop3A_334, %parallel_loop3A_406 : i32
        %parallel_loop3A_408 = arith.index_cast %parallel_loop3A_407 : i32 to index
        %parallel_loop3A_409 = tpu.vector_load %arg8[%parallel_loop3A_408] {strides = array<i32>} : memref<9216xf32, #tpu.memory_space<vmem>>, vector<16xf32>,
        %parallel_loop3A_410 = arith.constant 80 : i32
        %parallel_loop3A_411 = arith.addi %parallel_loop3A_340, %parallel_loop3A_410 : i32
        %parallel_loop3A_412 = arith.constant 0 : i32
        %parallel_loop3A_413 = arith.constant 0 : i32
        %parallel_loop3A_414 = tpu.memref_slice %arg9[%parallel_loop3A_125, %parallel_loop3A_412, %parallel_loop3A_413] : memref<2x8x1024xf32, #tpu.memory_space<vmem>> -> memref<1x8x1024xf32, #tpu.memory_space<vmem>>
        %parallel_loop3A_415 = tpu.memref_squeeze %parallel_loop3A_414 : memref<1x8x1024xf32, #tpu.memory_space<vmem>> -> memref<8x1024xf32, #tpu.memory_space<vmem>>
        %parallel_loop3A_416 = arith.index_cast %parallel_loop3A_336 : i32 to index
        %parallel_loop3A_417 = arith.index_cast %parallel_loop3A_411 : i32 to index
        %parallel_loop3A_418 = tpu.vector_load %parallel_loop3A_415[%parallel_loop3A_416, %parallel_loop3A_417] {strides = array<i32>} : memref<8x1024xf32, #tpu.memory_space<vmem>>, vector<16xf32>,
        tpu.vector_store %parallel_loop3A_415[%parallel_loop3A_416, %parallel_loop3A_417], %parallel_loop3A_409 {strides = array<i32>} : memref<8x1024xf32, #tpu.memory_space<vmem>>, vector<16xf32>,
        %parallel_loop3A_419 = arith.constant 96 : i32
        %parallel_loop3A_420 = arith.addi %parallel_loop3A_334, %parallel_loop3A_419 : i32
        %parallel_loop3A_421 = arith.index_cast %parallel_loop3A_420 : i32 to index
        %parallel_loop3A_422 = tpu.vector_load %arg8[%parallel_loop3A_421] {strides = array<i32>} : memref<9216xf32, #tpu.memory_space<vmem>>, vector<16xf32>,
        %parallel_loop3A_423 = arith.constant 96 : i32
        %parallel_loop3A_424 = arith.addi %parallel_loop3A_340, %parallel_loop3A_423 : i32
        %parallel_loop3A_425 = arith.constant 0 : i32
        %parallel_loop3A_426 = arith.constant 0 : i32
        %parallel_loop3A_427 = tpu.memref_slice %arg9[%parallel_loop3A_125, %parallel_loop3A_425, %parallel_loop3A_426] : memref<2x8x1024xf32, #tpu.memory_space<vmem>> -> memref<1x8x1024xf32, #tpu.memory_space<vmem>>
        %parallel_loop3A_428 = tpu.memref_squeeze %parallel_loop3A_427 : memref<1x8x1024xf32, #tpu.memory_space<vmem>> -> memref<8x1024xf32, #tpu.memory_space<vmem>>
        %parallel_loop3A_429 = arith.index_cast %parallel_loop3A_336 : i32 to index
        %parallel_loop3A_430 = arith.index_cast %parallel_loop3A_424 : i32 to index
        %parallel_loop3A_431 = tpu.vector_load %parallel_loop3A_428[%parallel_loop3A_429, %parallel_loop3A_430] {strides = array<i32>} : memref<8x1024xf32, #tpu.memory_space<vmem>>, vector<16xf32>,
        tpu.vector_store %parallel_loop3A_428[%parallel_loop3A_429, %parallel_loop3A_430], %parallel_loop3A_422 {strides = array<i32>} : memref<8x1024xf32, #tpu.memory_space<vmem>>, vector<16xf32>,
        %parallel_loop3A_432 = arith.constant 112 : i32
        %parallel_loop3A_433 = arith.addi %parallel_loop3A_334, %parallel_loop3A_432 : i32
        %parallel_loop3A_434 = arith.index_cast %parallel_loop3A_433 : i32 to index
        %parallel_loop3A_435 = tpu.vector_load %arg8[%parallel_loop3A_434] {strides = array<i32>} : memref<9216xf32, #tpu.memory_space<vmem>>, vector<16xf32>,
        %parallel_loop3A_436 = arith.constant 112 : i32
        %parallel_loop3A_437 = arith.addi %parallel_loop3A_340, %parallel_loop3A_436 : i32
        %parallel_loop3A_438 = arith.constant 0 : i32
        %parallel_loop3A_439 = arith.constant 0 : i32
        %parallel_loop3A_440 = tpu.memref_slice %arg9[%parallel_loop3A_125, %parallel_loop3A_438, %parallel_loop3A_439] : memref<2x8x1024xf32, #tpu.memory_space<vmem>> -> memref<1x8x1024xf32, #tpu.memory_space<vmem>>
        %parallel_loop3A_441 = tpu.memref_squeeze %parallel_loop3A_440 : memref<1x8x1024xf32, #tpu.memory_space<vmem>> -> memref<8x1024xf32, #tpu.memory_space<vmem>>
        %parallel_loop3A_442 = arith.index_cast %parallel_loop3A_336 : i32 to index
        %parallel_loop3A_443 = arith.index_cast %parallel_loop3A_437 : i32 to index
        %parallel_loop3A_444 = tpu.vector_load %parallel_loop3A_441[%parallel_loop3A_442, %parallel_loop3A_443] {strides = array<i32>} : memref<8x1024xf32, #tpu.memory_space<vmem>>, vector<16xf32>,
        tpu.vector_store %parallel_loop3A_441[%parallel_loop3A_442, %parallel_loop3A_443], %parallel_loop3A_435 {strides = array<i32>} : memref<8x1024xf32, #tpu.memory_space<vmem>>, vector<16xf32>,
      } {sc.loop_unroll_factor = 1 : i64, sc.parallel_access}
      %dma_start3A_126 = arith.constant 0 : i32
      %dma_start3A_127 = arith.constant 0 : i32
      %dma_start3A_128 = arith.constant 0 : i32
      %dma_start3A_129 = tpu.memref_slice %arg9[%dma_start3A_126, %dma_start3A_127, %dma_start3A_128] : memref<2x8x1024xf32, #tpu.memory_space<vmem>> -> memref<1x8x1024xf32, #tpu.memory_space<vmem>>
      %dma_start3A_130 = tpu.memref_squeeze %dma_start3A_129 : memref<1x8x1024xf32, #tpu.memory_space<vmem>> -> memref<8x1024xf32, #tpu.memory_space<vmem>>
      %dma_start3A_131 = arith.constant 0 : i32
      %dma_start3A_132 = arith.constant 0 : i32
      %dma_start3A_133 = tpu.memref_slice %arg5[%add3A_85, %dma_start3A_131, %add3A, %dma_start3A_132] : memref<200x8x32x1024xf32, #tpu.memory_space<hbm>> -> memref<1x8x1x1024xf32, #tpu.memory_space<hbm>>
      %dma_start3A_134 = tpu.memref_squeeze %dma_start3A_133 : memref<1x8x1x1024xf32, #tpu.memory_space<hbm>> -> memref<8x1024xf32, #tpu.memory_space<hbm>>
      %dma_start3A_135 = arith.constant 0 : i32
      %dma_start3A_136 = arith.constant 0 : i32
      %dma_start3A_137 = tpu.memref_slice %arg5[%add3A_85, %dma_start3A_135, %add3A, %dma_start3A_136] : memref<200x8x32x1024xf32, #tpu.memory_space<hbm>> -> memref<1x8x1x1024xf32, #tpu.memory_space<hbm>>
      %dma_start3A_138 = tpu.memref_squeeze %dma_start3A_137 : memref<1x8x1x1024xf32, #tpu.memory_space<hbm>> -> memref<8x1024xf32, #tpu.memory_space<hbm>>
      %dma_start3A_139 = arith.constant 0 : i32
      %dma_start3A_140 = arith.constant 0 : i32
      %dma_start3A_141 = tpu.memref_slice %arg9[%dma_start3A_126, %dma_start3A_139, %dma_start3A_140] : memref<2x8x1024xf32, #tpu.memory_space<vmem>> -> memref<1x8x1024xf32, #tpu.memory_space<vmem>>
      %dma_start3A_142 = tpu.memref_squeeze %dma_start3A_141 : memref<1x8x1024xf32, #tpu.memory_space<vmem>> -> memref<8x1024xf32, #tpu.memory_space<vmem>>
      tpu.enqueue_dma source(%dma_start3A_142 : memref<8x1024xf32, #tpu.memory_space<vmem>>) target(%dma_start3A_138 : memref<8x1024xf32, #tpu.memory_space<hbm>>) target_semaphore(%arg12 : memref<!tpu.dma_semaphore, #tpu.memory_space<semaphore_mem>>)
      %mul3A_143 = arith.constant 2 : i32
      %mul3A_144 = arith.muli %scan3A_81, %mul3A_143 : i32
      %add3A_145 = arith.constant 1 : i32
      %add3A_146 = arith.addi %mul3A_144, %add3A_145 : i32
      %dma_wait3A_147 = arith.constant 1 : i32
      %dma_wait3A_148 = arith.constant 0 : i32
      %dma_wait3A_149 = arith.constant 0 : i32
      %dma_wait3A_150 = tpu.memref_slice %arg7[%dma_wait3A_147, %dma_wait3A_148, %dma_wait3A_149] : memref<2x128x64xf32, #tpu.memory_space<vmem>> -> memref<1x128x64xf32, #tpu.memory_space<vmem>>
      %dma_wait3A_151 = tpu.memref_squeeze %dma_wait3A_150 : memref<1x128x64xf32, #tpu.memory_space<vmem>> -> memref<128x64xf32, #tpu.memory_space<vmem>>
      %dma_wait3A_152 = arith.constant 0 : i32
      %dma_wait3A_153 = arith.constant 0 : i32
      %dma_wait3A_154 = tpu.memref_slice %arg3[%dma_wait3A_152, %dma_wait3A_153] : memref<100000x64xf32, #tpu.memory_space<hbm>> -> memref<128x64xf32, #tpu.memory_space<hbm>>
      %dma_wait3A_155 = arith.constant 0 : i32
      %dma_wait3A_156 = arith.constant 0 : i32
      %dma_wait3A_157 = tpu.memref_slice %arg7[%dma_wait3A_147, %dma_wait3A_155, %dma_wait3A_156] : memref<2x128x64xf32, #tpu.memory_space<vmem>> -> memref<1x128x64xf32, #tpu.memory_space<vmem>>
      %dma_wait3A_158 = tpu.memref_squeeze %dma_wait3A_157 : memref<1x128x64xf32, #tpu.memory_space<vmem>> -> memref<128x64xf32, #tpu.memory_space<vmem>>
      %dma_wait3A_159 = arith.constant 0 : i32
      %dma_wait3A_160 = arith.constant 0 : i32
      %dma_wait3A_161 = tpu.memref_slice %arg3[%dma_wait3A_159, %dma_wait3A_160] : memref<100000x64xf32, #tpu.memory_space<hbm>> -> memref<128x64xf32, #tpu.memory_space<hbm>>
      tpu.wait_dma2 semaphore(%arg11 : memref<!tpu.dma_semaphore, #tpu.memory_space<semaphore_mem>>) src(%dma_wait3A_161 : memref<128x64xf32, #tpu.memory_space<hbm>>) dst(%dma_wait3A_158 : memref<128x64xf32, #tpu.memory_space<vmem>>)
      %lt3A_162 = arith.constant 199 : i32
      %lt3A_163 = arith.cmpi slt, %add3A_146, %lt3A_162 : i32
      %convert_element_type3A_164 = arith.extui %lt3A_163 : i1 to i32
      %cond3A_165 = arith.constant 0 : i32
      %cond3A_166 = arith.cmpi ne, %convert_element_type3A_164, %cond3A_165 : i32
      scf.if %cond3A_166 {
        %add3A_210 = arith.constant 1 : i32
        %add3A_211 = arith.addi %add3A_146, %add3A_210 : i32
        %shift_right_logical3A = arith.constant 3 : i32
        %shift_right_logical3A_212 = arith.shrui %add3A_211, %shift_right_logical3A : i32
        %and3A = arith.constant 7 : i32
        %and3A_213 = arith.andi %add3A_211, %and3A : i32
        %dma_start3A_214 = arith.constant 0 : i32
        %dma_start3A_215 = arith.constant 0 : i32
        %dma_start3A_216 = arith.constant 0 : i32
        %dma_start3A_217 = tpu.memref_slice %arg7[%dma_start3A_214, %dma_start3A_215, %dma_start3A_216] : memref<2x128x64xf32, #tpu.memory_space<vmem>> -> memref<1x128x64xf32, #tpu.memory_space<vmem>>
        %dma_start3A_218 = tpu.memref_squeeze %dma_start3A_217 : memref<1x128x64xf32, #tpu.memory_space<vmem>> -> memref<128x64xf32, #tpu.memory_space<vmem>>
        %dma_start3A_219 = arith.constant 0 : i32
        %dma_start3A_220 = tpu.memref_slice %arg6[%shift_right_logical3A_212, %and3A_213, %dma_start3A_219] : memref<25x8x128xi32, #tpu.memory_space<vmem>> -> memref<1x1x128xi32, #tpu.memory_space<vmem>>
        %dma_start3A_221 = tpu.memref_squeeze %dma_start3A_220 : memref<1x1x128xi32, #tpu.memory_space<vmem>> -> memref<128xi32, #tpu.memory_space<vmem>>
        %dma_start3A_222 = arith.constant 0 : i32
        %dma_start3A_223 = arith.constant 0 : i32
        %dma_start3A_224 = tpu.memref_slice %arg3[%dma_start3A_222, %dma_start3A_223] : memref<100000x64xf32, #tpu.memory_space<hbm>> -> memref<100000x64xf32, #tpu.memory_space<hbm>>
        tpu.enqueue_indirect_dma source(%dma_start3A_224 : memref<100000x64xf32, #tpu.memory_space<hbm>>) target(%dma_start3A_218 : memref<128x64xf32, #tpu.memory_space<vmem>>) offsets(%dma_start3A_221 : memref<128xi32, #tpu.memory_space<vmem>>) semaphore(%arg11 : memref<!tpu.dma_semaphore, #tpu.memory_space<semaphore_mem>>)
      } else {
      }
      %gt3A_167 = arith.constant 0 : i32
      %gt3A_168 = arith.cmpi sgt, %scan3A_81, %gt3A_167 : i32
      %convert_element_type3A_169 = arith.extui %gt3A_168 : i1 to i32
      %cond3A_170 = arith.constant 1 : i32
      %cond3A_171 = arith.constant 0 : i32
      %cond3A_172 = arith.cmpi ne, %convert_element_type3A_169, %cond3A_171 : i32
      scf.if %cond3A_172 {
        %dma_wait3A_210 = arith.constant 0 : i32
        %dma_wait3A_211 = arith.constant 0 : i32
        %dma_wait3A_212 = arith.constant 0 : i32
        %dma_wait3A_213 = arith.constant 0 : i32
        %dma_wait3A_214 = tpu.memref_slice %arg9[%cond3A_170, %dma_wait3A_212, %dma_wait3A_213] : memref<2x8x1024xf32, #tpu.memory_space<vmem>> -> memref<1x8x1024xf32, #tpu.memory_space<vmem>>
        %dma_wait3A_215 = tpu.memref_squeeze %dma_wait3A_214 : memref<1x8x1024xf32, #tpu.memory_space<vmem>> -> memref<8x1024xf32, #tpu.memory_space<vmem>>
        %dma_wait3A_216 = arith.constant 0 : i32
        %dma_wait3A_217 = arith.constant 0 : i32
        %dma_wait3A_218 = tpu.memref_slice %arg5[%dma_wait3A_210, %dma_wait3A_216, %dma_wait3A_211, %dma_wait3A_217] : memref<200x8x32x1024xf32, #tpu.memory_space<hbm>> -> memref<1x8x1x1024xf32, #tpu.memory_space<hbm>>
        %dma_wait3A_219 = tpu.memref_squeeze %dma_wait3A_218 : memref<1x8x1x1024xf32, #tpu.memory_space<hbm>> -> memref<8x1024xf32, #tpu.memory_space<hbm>>
        %dma_wait3A_220 = arith.constant 0 : i32
        %dma_wait3A_221 = arith.constant 0 : i32
        %dma_wait3A_222 = tpu.memref_slice %arg9[%cond3A_170, %dma_wait3A_220, %dma_wait3A_221] : memref<2x8x1024xf32, #tpu.memory_space<vmem>> -> memref<1x8x1024xf32, #tpu.memory_space<vmem>>
        %dma_wait3A_223 = tpu.memref_squeeze %dma_wait3A_222 : memref<1x8x1024xf32, #tpu.memory_space<vmem>> -> memref<8x1024xf32, #tpu.memory_space<vmem>>
        %dma_wait3A_224 = arith.constant 0 : i32
        %dma_wait3A_225 = arith.constant 0 : i32
        %dma_wait3A_226 = tpu.memref_slice %arg5[%dma_wait3A_210, %dma_wait3A_224, %dma_wait3A_211, %dma_wait3A_225] : memref<200x8x32x1024xf32, #tpu.memory_space<hbm>> -> memref<1x8x1x1024xf32, #tpu.memory_space<hbm>>
        %dma_wait3A_227 = tpu.memref_squeeze %dma_wait3A_226 : memref<1x8x1x1024xf32, #tpu.memory_space<hbm>> -> memref<8x1024xf32, #tpu.memory_space<hbm>>
        tpu.wait_dma2 semaphore(%arg13 : memref<!tpu.dma_semaphore, #tpu.memory_space<semaphore_mem>>) src(%dma_wait3A_227 : memref<8x1024xf32, #tpu.memory_space<hbm>>) dst(%dma_wait3A_223 : memref<8x1024xf32, #tpu.memory_space<vmem>>)
      } else {
      }
      %get3A_173 = arith.index_cast %add3A_146 : i32 to index
      %get3A_174 = arith.constant 0 : index
      %get3A_175 = tpu.vector_load %arg10[%get3A_173, %get3A_174] {strides = array<i32>} : memref<200x64xf32, #tpu.memory_space<vmem>>, vector<16xf32>,
      %get3A_176 = arith.index_cast %add3A_146 : i32 to index
      %get3A_177 = arith.constant 16 : index
      %get3A_178 = tpu.vector_load %arg10[%get3A_176, %get3A_177] {strides = array<i32>} : memref<200x64xf32, #tpu.memory_space<vmem>>, vector<16xf32>,
      %get3A_179 = arith.index_cast %add3A_146 : i32 to index
      %get3A_180 = arith.constant 32 : index
      %get3A_181 = tpu.vector_load %arg10[%get3A_179, %get3A_180] {strides = array<i32>} : memref<200x64xf32, #tpu.memory_space<vmem>>, vector<16xf32>,
      %get3A_182 = arith.index_cast %add3A_146 : i32 to index
      %get3A_183 = arith.constant 48 : index
      %get3A_184 = tpu.vector_load %arg10[%get3A_182, %get3A_183] {strides = array<i32>} : memref<200x64xf32, #tpu.memory_space<vmem>>, vector<16xf32>,
      %parallel_loop3A_185 = arith.constant 0 : i32
      %parallel_loop3A_186 = arith.constant 128 : i32
      %parallel_loop3A_187 = arith.constant 4 : i32
      %parallel_loop3A_188 = arith.constant 1 : i32
      scf.for %parallel_loop3A_210 = %parallel_loop3A_185 to %parallel_loop3A_186 step %parallel_loop3A_187  : i32 {
        %parallel_loop3A_211 = arith.constant 0 : i32
        %parallel_loop3A_212 = arith.addi %parallel_loop3A_210, %parallel_loop3A_211 : i32
        %parallel_loop3A_213 = arith.constant 0 : i32
        %parallel_loop3A_214 = arith.constant 0 : i32
        %parallel_loop3A_215 = tpu.memref_slice %arg7[%parallel_loop3A_188, %parallel_loop3A_213, %parallel_loop3A_214] : memref<2x128x64xf32, #tpu.memory_space<vmem>> -> memref<1x128x64xf32, #tpu.memory_space<vmem>>
        %parallel_loop3A_216 = tpu.memref_squeeze %parallel_loop3A_215 : memref<1x128x64xf32, #tpu.memory_space<vmem>> -> memref<128x64xf32, #tpu.memory_space<vmem>>
        %parallel_loop3A_217 = arith.index_cast %parallel_loop3A_212 : i32 to index
        %parallel_loop3A_218 = arith.constant 0 : index
        %parallel_loop3A_219 = tpu.vector_load %parallel_loop3A_216[%parallel_loop3A_217, %parallel_loop3A_218] {strides = array<i32>} : memref<128x64xf32, #tpu.memory_space<vmem>>, vector<16xf32>,
        %parallel_loop3A_220 = arith.addf %parallel_loop3A_219, %get3A_175 : vector<16xf32>
        %parallel_loop3A_221 = vector.broadcast %parallel_loop3A_212 : i32 to vector<16xi32>
        %parallel_loop3A_222 = arith.addi %add3A_8, %parallel_loop3A_221 : vector<16xi32>
        tpu.vector_store_idx %arg8[%parallel_loop3A_222], %parallel_loop3A_220 : memref<9216xf32, #tpu.memory_space<vmem>>[vector<16xi32>], vector<16xf32>,
        %parallel_loop3A_223 = arith.constant 0 : i32
        %parallel_loop3A_224 = arith.constant 0 : i32
        %parallel_loop3A_225 = tpu.memref_slice %arg7[%parallel_loop3A_188, %parallel_loop3A_223, %parallel_loop3A_224] : memref<2x128x64xf32, #tpu.memory_space<vmem>> -> memref<1x128x64xf32, #tpu.memory_space<vmem>>
        %parallel_loop3A_226 = tpu.memref_squeeze %parallel_loop3A_225 : memref<1x128x64xf32, #tpu.memory_space<vmem>> -> memref<128x64xf32, #tpu.memory_space<vmem>>
        %parallel_loop3A_227 = arith.index_cast %parallel_loop3A_212 : i32 to index
        %parallel_loop3A_228 = arith.constant 16 : index
        %parallel_loop3A_229 = tpu.vector_load %parallel_loop3A_226[%parallel_loop3A_227, %parallel_loop3A_228] {strides = array<i32>} : memref<128x64xf32, #tpu.memory_space<vmem>>, vector<16xf32>,
        %parallel_loop3A_230 = arith.addf %parallel_loop3A_229, %get3A_178 : vector<16xf32>
        %parallel_loop3A_231 = vector.broadcast %parallel_loop3A_212 : i32 to vector<16xi32>
        %parallel_loop3A_232 = arith.addi %add3A_14, %parallel_loop3A_231 : vector<16xi32>
        tpu.vector_store_idx %arg8[%parallel_loop3A_232], %parallel_loop3A_230 : memref<9216xf32, #tpu.memory_space<vmem>>[vector<16xi32>], vector<16xf32>,
        %parallel_loop3A_233 = arith.constant 0 : i32
        %parallel_loop3A_234 = arith.constant 0 : i32
        %parallel_loop3A_235 = tpu.memref_slice %arg7[%parallel_loop3A_188, %parallel_loop3A_233, %parallel_loop3A_234] : memref<2x128x64xf32, #tpu.memory_space<vmem>> -> memref<1x128x64xf32, #tpu.memory_space<vmem>>
        %parallel_loop3A_236 = tpu.memref_squeeze %parallel_loop3A_235 : memref<1x128x64xf32, #tpu.memory_space<vmem>> -> memref<128x64xf32, #tpu.memory_space<vmem>>
        %parallel_loop3A_237 = arith.index_cast %parallel_loop3A_212 : i32 to index
        %parallel_loop3A_238 = arith.constant 32 : index
        %parallel_loop3A_239 = tpu.vector_load %parallel_loop3A_236[%parallel_loop3A_237, %parallel_loop3A_238] {strides = array<i32>} : memref<128x64xf32, #tpu.memory_space<vmem>>, vector<16xf32>,
        %parallel_loop3A_240 = arith.addf %parallel_loop3A_239, %get3A_181 : vector<16xf32>
        %parallel_loop3A_241 = vector.broadcast %parallel_loop3A_212 : i32 to vector<16xi32>
        %parallel_loop3A_242 = arith.addi %add3A_20, %parallel_loop3A_241 : vector<16xi32>
        tpu.vector_store_idx %arg8[%parallel_loop3A_242], %parallel_loop3A_240 : memref<9216xf32, #tpu.memory_space<vmem>>[vector<16xi32>], vector<16xf32>,
        %parallel_loop3A_243 = arith.constant 0 : i32
        %parallel_loop3A_244 = arith.constant 0 : i32
        %parallel_loop3A_245 = tpu.memref_slice %arg7[%parallel_loop3A_188, %parallel_loop3A_243, %parallel_loop3A_244] : memref<2x128x64xf32, #tpu.memory_space<vmem>> -> memref<1x128x64xf32, #tpu.memory_space<vmem>>
        %parallel_loop3A_246 = tpu.memref_squeeze %parallel_loop3A_245 : memref<1x128x64xf32, #tpu.memory_space<vmem>> -> memref<128x64xf32, #tpu.memory_space<vmem>>
        %parallel_loop3A_247 = arith.index_cast %parallel_loop3A_212 : i32 to index
        %parallel_loop3A_248 = arith.constant 48 : index
        %parallel_loop3A_249 = tpu.vector_load %parallel_loop3A_246[%parallel_loop3A_247, %parallel_loop3A_248] {strides = array<i32>} : memref<128x64xf32, #tpu.memory_space<vmem>>, vector<16xf32>,
        %parallel_loop3A_250 = arith.addf %parallel_loop3A_249, %get3A_184 : vector<16xf32>
        %parallel_loop3A_251 = vector.broadcast %parallel_loop3A_212 : i32 to vector<16xi32>
        %parallel_loop3A_252 = arith.addi %add3A_26, %parallel_loop3A_251 : vector<16xi32>
        tpu.vector_store_idx %arg8[%parallel_loop3A_252], %parallel_loop3A_250 : memref<9216xf32, #tpu.memory_space<vmem>>[vector<16xi32>], vector<16xf32>,
        %parallel_loop3A_253 = arith.constant 1 : i32
        %parallel_loop3A_254 = arith.addi %parallel_loop3A_210, %parallel_loop3A_253 : i32
        %parallel_loop3A_255 = arith.constant 0 : i32
        %parallel_loop3A_256 = arith.constant 0 : i32
        %parallel_loop3A_257 = tpu.memref_slice %arg7[%parallel_loop3A_188, %parallel_loop3A_255, %parallel_loop3A_256] : memref<2x128x64xf32, #tpu.memory_space<vmem>> -> memref<1x128x64xf32, #tpu.memory_space<vmem>>
        %parallel_loop3A_258 = tpu.memref_squeeze %parallel_loop3A_257 : memref<1x128x64xf32, #tpu.memory_space<vmem>> -> memref<128x64xf32, #tpu.memory_space<vmem>>
        %parallel_loop3A_259 = arith.index_cast %parallel_loop3A_254 : i32 to index
        %parallel_loop3A_260 = arith.constant 0 : index
        %parallel_loop3A_261 = tpu.vector_load %parallel_loop3A_258[%parallel_loop3A_259, %parallel_loop3A_260] {strides = array<i32>} : memref<128x64xf32, #tpu.memory_space<vmem>>, vector<16xf32>,
        %parallel_loop3A_262 = arith.addf %parallel_loop3A_261, %get3A_175 : vector<16xf32>
        %parallel_loop3A_263 = vector.broadcast %parallel_loop3A_254 : i32 to vector<16xi32>
        %parallel_loop3A_264 = arith.addi %add3A_8, %parallel_loop3A_263 : vector<16xi32>
        tpu.vector_store_idx %arg8[%parallel_loop3A_264], %parallel_loop3A_262 : memref<9216xf32, #tpu.memory_space<vmem>>[vector<16xi32>], vector<16xf32>,
        %parallel_loop3A_265 = arith.constant 0 : i32
        %parallel_loop3A_266 = arith.constant 0 : i32
        %parallel_loop3A_267 = tpu.memref_slice %arg7[%parallel_loop3A_188, %parallel_loop3A_265, %parallel_loop3A_266] : memref<2x128x64xf32, #tpu.memory_space<vmem>> -> memref<1x128x64xf32, #tpu.memory_space<vmem>>
        %parallel_loop3A_268 = tpu.memref_squeeze %parallel_loop3A_267 : memref<1x128x64xf32, #tpu.memory_space<vmem>> -> memref<128x64xf32, #tpu.memory_space<vmem>>
        %parallel_loop3A_269 = arith.index_cast %parallel_loop3A_254 : i32 to index
        %parallel_loop3A_270 = arith.constant 16 : index
        %parallel_loop3A_271 = tpu.vector_load %parallel_loop3A_268[%parallel_loop3A_269, %parallel_loop3A_270] {strides = array<i32>} : memref<128x64xf32, #tpu.memory_space<vmem>>, vector<16xf32>,
        %parallel_loop3A_272 = arith.addf %parallel_loop3A_271, %get3A_178 : vector<16xf32>
        %parallel_loop3A_273 = vector.broadcast %parallel_loop3A_254 : i32 to vector<16xi32>
        %parallel_loop3A_274 = arith.addi %add3A_14, %parallel_loop3A_273 : vector<16xi32>
        tpu.vector_store_idx %arg8[%parallel_loop3A_274], %parallel_loop3A_272 : memref<9216xf32, #tpu.memory_space<vmem>>[vector<16xi32>], vector<16xf32>,
        %parallel_loop3A_275 = arith.constant 0 : i32
        %parallel_loop3A_276 = arith.constant 0 : i32
        %parallel_loop3A_277 = tpu.memref_slice %arg7[%parallel_loop3A_188, %parallel_loop3A_275, %parallel_loop3A_276] : memref<2x128x64xf32, #tpu.memory_space<vmem>> -> memref<1x128x64xf32, #tpu.memory_space<vmem>>
        %parallel_loop3A_278 = tpu.memref_squeeze %parallel_loop3A_277 : memref<1x128x64xf32, #tpu.memory_space<vmem>> -> memref<128x64xf32, #tpu.memory_space<vmem>>
        %parallel_loop3A_279 = arith.index_cast %parallel_loop3A_254 : i32 to index
        %parallel_loop3A_280 = arith.constant 32 : index
        %parallel_loop3A_281 = tpu.vector_load %parallel_loop3A_278[%parallel_loop3A_279, %parallel_loop3A_280] {strides = array<i32>} : memref<128x64xf32, #tpu.memory_space<vmem>>, vector<16xf32>,
        %parallel_loop3A_282 = arith.addf %parallel_loop3A_281, %get3A_181 : vector<16xf32>
        %parallel_loop3A_283 = vector.broadcast %parallel_loop3A_254 : i32 to vector<16xi32>
        %parallel_loop3A_284 = arith.addi %add3A_20, %parallel_loop3A_283 : vector<16xi32>
        tpu.vector_store_idx %arg8[%parallel_loop3A_284], %parallel_loop3A_282 : memref<9216xf32, #tpu.memory_space<vmem>>[vector<16xi32>], vector<16xf32>,
        %parallel_loop3A_285 = arith.constant 0 : i32
        %parallel_loop3A_286 = arith.constant 0 : i32
        %parallel_loop3A_287 = tpu.memref_slice %arg7[%parallel_loop3A_188, %parallel_loop3A_285, %parallel_loop3A_286] : memref<2x128x64xf32, #tpu.memory_space<vmem>> -> memref<1x128x64xf32, #tpu.memory_space<vmem>>
        %parallel_loop3A_288 = tpu.memref_squeeze %parallel_loop3A_287 : memref<1x128x64xf32, #tpu.memory_space<vmem>> -> memref<128x64xf32, #tpu.memory_space<vmem>>
        %parallel_loop3A_289 = arith.index_cast %parallel_loop3A_254 : i32 to index
        %parallel_loop3A_290 = arith.constant 48 : index
        %parallel_loop3A_291 = tpu.vector_load %parallel_loop3A_288[%parallel_loop3A_289, %parallel_loop3A_290] {strides = array<i32>} : memref<128x64xf32, #tpu.memory_space<vmem>>, vector<16xf32>,
        %parallel_loop3A_292 = arith.addf %parallel_loop3A_291, %get3A_184 : vector<16xf32>
        %parallel_loop3A_293 = vector.broadcast %parallel_loop3A_254 : i32 to vector<16xi32>
        %parallel_loop3A_294 = arith.addi %add3A_26, %parallel_loop3A_293 : vector<16xi32>
        tpu.vector_store_idx %arg8[%parallel_loop3A_294], %parallel_loop3A_292 : memref<9216xf32, #tpu.memory_space<vmem>>[vector<16xi32>], vector<16xf32>,
        %parallel_loop3A_295 = arith.constant 2 : i32
        %parallel_loop3A_296 = arith.addi %parallel_loop3A_210, %parallel_loop3A_295 : i32
        %parallel_loop3A_297 = arith.constant 0 : i32
        %parallel_loop3A_298 = arith.constant 0 : i32
        %parallel_loop3A_299 = tpu.memref_slice %arg7[%parallel_loop3A_188, %parallel_loop3A_297, %parallel_loop3A_298] : memref<2x128x64xf32, #tpu.memory_space<vmem>> -> memref<1x128x64xf32, #tpu.memory_space<vmem>>
        %parallel_loop3A_300 = tpu.memref_squeeze %parallel_loop3A_299 : memref<1x128x64xf32, #tpu.memory_space<vmem>> -> memref<128x64xf32, #tpu.memory_space<vmem>>
        %parallel_loop3A_301 = arith.index_cast %parallel_loop3A_296 : i32 to index
        %parallel_loop3A_302 = arith.constant 0 : index
        %parallel_loop3A_303 = tpu.vector_load %parallel_loop3A_300[%parallel_loop3A_301, %parallel_loop3A_302] {strides = array<i32>} : memref<128x64xf32, #tpu.memory_space<vmem>>, vector<16xf32>,
        %parallel_loop3A_304 = arith.addf %parallel_loop3A_303, %get3A_175 : vector<16xf32>
        %parallel_loop3A_305 = vector.broadcast %parallel_loop3A_296 : i32 to vector<16xi32>
        %parallel_loop3A_306 = arith.addi %add3A_8, %parallel_loop3A_305 : vector<16xi32>
        tpu.vector_store_idx %arg8[%parallel_loop3A_306], %parallel_loop3A_304 : memref<9216xf32, #tpu.memory_space<vmem>>[vector<16xi32>], vector<16xf32>,
        %parallel_loop3A_307 = arith.constant 0 : i32
        %parallel_loop3A_308 = arith.constant 0 : i32
        %parallel_loop3A_309 = tpu.memref_slice %arg7[%parallel_loop3A_188, %parallel_loop3A_307, %parallel_loop3A_308] : memref<2x128x64xf32, #tpu.memory_space<vmem>> -> memref<1x128x64xf32, #tpu.memory_space<vmem>>
        %parallel_loop3A_310 = tpu.memref_squeeze %parallel_loop3A_309 : memref<1x128x64xf32, #tpu.memory_space<vmem>> -> memref<128x64xf32, #tpu.memory_space<vmem>>
        %parallel_loop3A_311 = arith.index_cast %parallel_loop3A_296 : i32 to index
        %parallel_loop3A_312 = arith.constant 16 : index
        %parallel_loop3A_313 = tpu.vector_load %parallel_loop3A_310[%parallel_loop3A_311, %parallel_loop3A_312] {strides = array<i32>} : memref<128x64xf32, #tpu.memory_space<vmem>>, vector<16xf32>,
        %parallel_loop3A_314 = arith.addf %parallel_loop3A_313, %get3A_178 : vector<16xf32>
        %parallel_loop3A_315 = vector.broadcast %parallel_loop3A_296 : i32 to vector<16xi32>
        %parallel_loop3A_316 = arith.addi %add3A_14, %parallel_loop3A_315 : vector<16xi32>
        tpu.vector_store_idx %arg8[%parallel_loop3A_316], %parallel_loop3A_314 : memref<9216xf32, #tpu.memory_space<vmem>>[vector<16xi32>], vector<16xf32>,
        %parallel_loop3A_317 = arith.constant 0 : i32
        %parallel_loop3A_318 = arith.constant 0 : i32
        %parallel_loop3A_319 = tpu.memref_slice %arg7[%parallel_loop3A_188, %parallel_loop3A_317, %parallel_loop3A_318] : memref<2x128x64xf32, #tpu.memory_space<vmem>> -> memref<1x128x64xf32, #tpu.memory_space<vmem>>
        %parallel_loop3A_320 = tpu.memref_squeeze %parallel_loop3A_319 : memref<1x128x64xf32, #tpu.memory_space<vmem>> -> memref<128x64xf32, #tpu.memory_space<vmem>>
        %parallel_loop3A_321 = arith.index_cast %parallel_loop3A_296 : i32 to index
        %parallel_loop3A_322 = arith.constant 32 : index
        %parallel_loop3A_323 = tpu.vector_load %parallel_loop3A_320[%parallel_loop3A_321, %parallel_loop3A_322] {strides = array<i32>} : memref<128x64xf32, #tpu.memory_space<vmem>>, vector<16xf32>,
        %parallel_loop3A_324 = arith.addf %parallel_loop3A_323, %get3A_181 : vector<16xf32>
        %parallel_loop3A_325 = vector.broadcast %parallel_loop3A_296 : i32 to vector<16xi32>
        %parallel_loop3A_326 = arith.addi %add3A_20, %parallel_loop3A_325 : vector<16xi32>
        tpu.vector_store_idx %arg8[%parallel_loop3A_326], %parallel_loop3A_324 : memref<9216xf32, #tpu.memory_space<vmem>>[vector<16xi32>], vector<16xf32>,
        %parallel_loop3A_327 = arith.constant 0 : i32
        %parallel_loop3A_328 = arith.constant 0 : i32
        %parallel_loop3A_329 = tpu.memref_slice %arg7[%parallel_loop3A_188, %parallel_loop3A_327, %parallel_loop3A_328] : memref<2x128x64xf32, #tpu.memory_space<vmem>> -> memref<1x128x64xf32, #tpu.memory_space<vmem>>
        %parallel_loop3A_330 = tpu.memref_squeeze %parallel_loop3A_329 : memref<1x128x64xf32, #tpu.memory_space<vmem>> -> memref<128x64xf32, #tpu.memory_space<vmem>>
        %parallel_loop3A_331 = arith.index_cast %parallel_loop3A_296 : i32 to index
        %parallel_loop3A_332 = arith.constant 48 : index
        %parallel_loop3A_333 = tpu.vector_load %parallel_loop3A_330[%parallel_loop3A_331, %parallel_loop3A_332] {strides = array<i32>} : memref<128x64xf32, #tpu.memory_space<vmem>>, vector<16xf32>,
        %parallel_loop3A_334 = arith.addf %parallel_loop3A_333, %get3A_184 : vector<16xf32>
        %parallel_loop3A_335 = vector.broadcast %parallel_loop3A_296 : i32 to vector<16xi32>
        %parallel_loop3A_336 = arith.addi %add3A_26, %parallel_loop3A_335 : vector<16xi32>
        tpu.vector_store_idx %arg8[%parallel_loop3A_336], %parallel_loop3A_334 : memref<9216xf32, #tpu.memory_space<vmem>>[vector<16xi32>], vector<16xf32>,
        %parallel_loop3A_337 = arith.constant 3 : i32
        %parallel_loop3A_338 = arith.addi %parallel_loop3A_210, %parallel_loop3A_337 : i32
        %parallel_loop3A_339 = arith.constant 0 : i32
        %parallel_loop3A_340 = arith.constant 0 : i32
        %parallel_loop3A_341 = tpu.memref_slice %arg7[%parallel_loop3A_188, %parallel_loop3A_339, %parallel_loop3A_340] : memref<2x128x64xf32, #tpu.memory_space<vmem>> -> memref<1x128x64xf32, #tpu.memory_space<vmem>>
        %parallel_loop3A_342 = tpu.memref_squeeze %parallel_loop3A_341 : memref<1x128x64xf32, #tpu.memory_space<vmem>> -> memref<128x64xf32, #tpu.memory_space<vmem>>
        %parallel_loop3A_343 = arith.index_cast %parallel_loop3A_338 : i32 to index
        %parallel_loop3A_344 = arith.constant 0 : index
        %parallel_loop3A_345 = tpu.vector_load %parallel_loop3A_342[%parallel_loop3A_343, %parallel_loop3A_344] {strides = array<i32>} : memref<128x64xf32, #tpu.memory_space<vmem>>, vector<16xf32>,
        %parallel_loop3A_346 = arith.addf %parallel_loop3A_345, %get3A_175 : vector<16xf32>
        %parallel_loop3A_347 = vector.broadcast %parallel_loop3A_338 : i32 to vector<16xi32>
        %parallel_loop3A_348 = arith.addi %add3A_8, %parallel_loop3A_347 : vector<16xi32>
        tpu.vector_store_idx %arg8[%parallel_loop3A_348], %parallel_loop3A_346 : memref<9216xf32, #tpu.memory_space<vmem>>[vector<16xi32>], vector<16xf32>,
        %parallel_loop3A_349 = arith.constant 0 : i32
        %parallel_loop3A_350 = arith.constant 0 : i32
        %parallel_loop3A_351 = tpu.memref_slice %arg7[%parallel_loop3A_188, %parallel_loop3A_349, %parallel_loop3A_350] : memref<2x128x64xf32, #tpu.memory_space<vmem>> -> memref<1x128x64xf32, #tpu.memory_space<vmem>>
        %parallel_loop3A_352 = tpu.memref_squeeze %parallel_loop3A_351 : memref<1x128x64xf32, #tpu.memory_space<vmem>> -> memref<128x64xf32, #tpu.memory_space<vmem>>
        %parallel_loop3A_353 = arith.index_cast %parallel_loop3A_338 : i32 to index
        %parallel_loop3A_354 = arith.constant 16 : index
        %parallel_loop3A_355 = tpu.vector_load %parallel_loop3A_352[%parallel_loop3A_353, %parallel_loop3A_354] {strides = array<i32>} : memref<128x64xf32, #tpu.memory_space<vmem>>, vector<16xf32>,
        %parallel_loop3A_356 = arith.addf %parallel_loop3A_355, %get3A_178 : vector<16xf32>
        %parallel_loop3A_357 = vector.broadcast %parallel_loop3A_338 : i32 to vector<16xi32>
        %parallel_loop3A_358 = arith.addi %add3A_14, %parallel_loop3A_357 : vector<16xi32>
        tpu.vector_store_idx %arg8[%parallel_loop3A_358], %parallel_loop3A_356 : memref<9216xf32, #tpu.memory_space<vmem>>[vector<16xi32>], vector<16xf32>,
        %parallel_loop3A_359 = arith.constant 0 : i32
        %parallel_loop3A_360 = arith.constant 0 : i32
        %parallel_loop3A_361 = tpu.memref_slice %arg7[%parallel_loop3A_188, %parallel_loop3A_359, %parallel_loop3A_360] : memref<2x128x64xf32, #tpu.memory_space<vmem>> -> memref<1x128x64xf32, #tpu.memory_space<vmem>>
        %parallel_loop3A_362 = tpu.memref_squeeze %parallel_loop3A_361 : memref<1x128x64xf32, #tpu.memory_space<vmem>> -> memref<128x64xf32, #tpu.memory_space<vmem>>
        %parallel_loop3A_363 = arith.index_cast %parallel_loop3A_338 : i32 to index
        %parallel_loop3A_364 = arith.constant 32 : index
        %parallel_loop3A_365 = tpu.vector_load %parallel_loop3A_362[%parallel_loop3A_363, %parallel_loop3A_364] {strides = array<i32>} : memref<128x64xf32, #tpu.memory_space<vmem>>, vector<16xf32>,
        %parallel_loop3A_366 = arith.addf %parallel_loop3A_365, %get3A_181 : vector<16xf32>
        %parallel_loop3A_367 = vector.broadcast %parallel_loop3A_338 : i32 to vector<16xi32>
        %parallel_loop3A_368 = arith.addi %add3A_20, %parallel_loop3A_367 : vector<16xi32>
        tpu.vector_store_idx %arg8[%parallel_loop3A_368], %parallel_loop3A_366 : memref<9216xf32, #tpu.memory_space<vmem>>[vector<16xi32>], vector<16xf32>,
        %parallel_loop3A_369 = arith.constant 0 : i32
        %parallel_loop3A_370 = arith.constant 0 : i32
        %parallel_loop3A_371 = tpu.memref_slice %arg7[%parallel_loop3A_188, %parallel_loop3A_369, %parallel_loop3A_370] : memref<2x128x64xf32, #tpu.memory_space<vmem>> -> memref<1x128x64xf32, #tpu.memory_space<vmem>>
        %parallel_loop3A_372 = tpu.memref_squeeze %parallel_loop3A_371 : memref<1x128x64xf32, #tpu.memory_space<vmem>> -> memref<128x64xf32, #tpu.memory_space<vmem>>
        %parallel_loop3A_373 = arith.index_cast %parallel_loop3A_338 : i32 to index
        %parallel_loop3A_374 = arith.constant 48 : index
        %parallel_loop3A_375 = tpu.vector_load %parallel_loop3A_372[%parallel_loop3A_373, %parallel_loop3A_374] {strides = array<i32>} : memref<128x64xf32, #tpu.memory_space<vmem>>, vector<16xf32>,
        %parallel_loop3A_376 = arith.addf %parallel_loop3A_375, %get3A_184 : vector<16xf32>
        %parallel_loop3A_377 = vector.broadcast %parallel_loop3A_338 : i32 to vector<16xi32>
        %parallel_loop3A_378 = arith.addi %add3A_26, %parallel_loop3A_377 : vector<16xi32>
        tpu.vector_store_idx %arg8[%parallel_loop3A_378], %parallel_loop3A_376 : memref<9216xf32, #tpu.memory_space<vmem>>[vector<16xi32>], vector<16xf32>,
      } {sc.loop_unroll_factor = 1 : i64, sc.parallel_access}
      %parallel_loop3A_189 = arith.constant 0 : i32
      %parallel_loop3A_190 = arith.constant 64 : i32
      %parallel_loop3A_191 = arith.constant 2 : i32
      %parallel_loop3A_192 = arith.constant 1 : i32
      scf.for %parallel_loop3A_210 = %parallel_loop3A_189 to %parallel_loop3A_190 step %parallel_loop3A_191  : i32 {
        %parallel_loop3A_211 = arith.constant 0 : i32
        %parallel_loop3A_212 = arith.addi %parallel_loop3A_210, %parallel_loop3A_211 : i32
        %parallel_loop3A_213 = arith.constant 144 : i32
        %parallel_loop3A_214 = arith.muli %parallel_loop3A_212, %parallel_loop3A_213 : i32
        %parallel_loop3A_215 = arith.constant 15 : i32
        %parallel_loop3A_216 = arith.andi %parallel_loop3A_212, %parallel_loop3A_215 : i32
        %parallel_loop3A_217 = arith.addi %parallel_loop3A_214, %parallel_loop3A_216 : i32
        %parallel_loop3A_218 = arith.constant 3 : i32
        %parallel_loop3A_219 = arith.shrui %parallel_loop3A_212, %parallel_loop3A_218 : i32
        %parallel_loop3A_220 = arith.constant 7 : i32
        %parallel_loop3A_221 = arith.andi %parallel_loop3A_212, %parallel_loop3A_220 : i32
        %parallel_loop3A_222 = arith.constant 7 : i32
        %parallel_loop3A_223 = arith.shli %parallel_loop3A_221, %parallel_loop3A_222 : i32
        %parallel_loop3A_224 = arith.constant 0 : i32
        %parallel_loop3A_225 = arith.addi %parallel_loop3A_217, %parallel_loop3A_224 : i32
        %parallel_loop3A_226 = arith.index_cast %parallel_loop3A_225 : i32 to index
        %parallel_loop3A_227 = tpu.vector_load %arg8[%parallel_loop3A_226] {strides = array<i32>} : memref<9216xf32, #tpu.memory_space<vmem>>, vector<16xf32>,
        %parallel_loop3A_228 = arith.constant 0 : i32
        %parallel_loop3A_229 = arith.addi %parallel_loop3A_223, %parallel_loop3A_228 : i32
        %parallel_loop3A_230 = arith.constant 0 : i32
        %parallel_loop3A_231 = arith.constant 0 : i32
        %parallel_loop3A_232 = tpu.memref_slice %arg9[%parallel_loop3A_192, %parallel_loop3A_230, %parallel_loop3A_231] : memref<2x8x1024xf32, #tpu.memory_space<vmem>> -> memref<1x8x1024xf32, #tpu.memory_space<vmem>>
        %parallel_loop3A_233 = tpu.memref_squeeze %parallel_loop3A_232 : memref<1x8x1024xf32, #tpu.memory_space<vmem>> -> memref<8x1024xf32, #tpu.memory_space<vmem>>
        %parallel_loop3A_234 = arith.index_cast %parallel_loop3A_219 : i32 to index
        %parallel_loop3A_235 = arith.index_cast %parallel_loop3A_229 : i32 to index
        %parallel_loop3A_236 = tpu.vector_load %parallel_loop3A_233[%parallel_loop3A_234, %parallel_loop3A_235] {strides = array<i32>} : memref<8x1024xf32, #tpu.memory_space<vmem>>, vector<16xf32>,
        tpu.vector_store %parallel_loop3A_233[%parallel_loop3A_234, %parallel_loop3A_235], %parallel_loop3A_227 {strides = array<i32>} : memref<8x1024xf32, #tpu.memory_space<vmem>>, vector<16xf32>,
        %parallel_loop3A_237 = arith.constant 16 : i32
        %parallel_loop3A_238 = arith.addi %parallel_loop3A_217, %parallel_loop3A_237 : i32
        %parallel_loop3A_239 = arith.index_cast %parallel_loop3A_238 : i32 to index
        %parallel_loop3A_240 = tpu.vector_load %arg8[%parallel_loop3A_239] {strides = array<i32>} : memref<9216xf32, #tpu.memory_space<vmem>>, vector<16xf32>,
        %parallel_loop3A_241 = arith.constant 16 : i32
        %parallel_loop3A_242 = arith.addi %parallel_loop3A_223, %parallel_loop3A_241 : i32
        %parallel_loop3A_243 = arith.constant 0 : i32
        %parallel_loop3A_244 = arith.constant 0 : i32
        %parallel_loop3A_245 = tpu.memref_slice %arg9[%parallel_loop3A_192, %parallel_loop3A_243, %parallel_loop3A_244] : memref<2x8x1024xf32, #tpu.memory_space<vmem>> -> memref<1x8x1024xf32, #tpu.memory_space<vmem>>
        %parallel_loop3A_246 = tpu.memref_squeeze %parallel_loop3A_245 : memref<1x8x1024xf32, #tpu.memory_space<vmem>> -> memref<8x1024xf32, #tpu.memory_space<vmem>>
        %parallel_loop3A_247 = arith.index_cast %parallel_loop3A_219 : i32 to index
        %parallel_loop3A_248 = arith.index_cast %parallel_loop3A_242 : i32 to index
        %parallel_loop3A_249 = tpu.vector_load %parallel_loop3A_246[%parallel_loop3A_247, %parallel_loop3A_248] {strides = array<i32>} : memref<8x1024xf32, #tpu.memory_space<vmem>>, vector<16xf32>,
        tpu.vector_store %parallel_loop3A_246[%parallel_loop3A_247, %parallel_loop3A_248], %parallel_loop3A_240 {strides = array<i32>} : memref<8x1024xf32, #tpu.memory_space<vmem>>, vector<16xf32>,
        %parallel_loop3A_250 = arith.constant 32 : i32
        %parallel_loop3A_251 = arith.addi %parallel_loop3A_217, %parallel_loop3A_250 : i32
        %parallel_loop3A_252 = arith.index_cast %parallel_loop3A_251 : i32 to index
        %parallel_loop3A_253 = tpu.vector_load %arg8[%parallel_loop3A_252] {strides = array<i32>} : memref<9216xf32, #tpu.memory_space<vmem>>, vector<16xf32>,
        %parallel_loop3A_254 = arith.constant 32 : i32
        %parallel_loop3A_255 = arith.addi %parallel_loop3A_223, %parallel_loop3A_254 : i32
        %parallel_loop3A_256 = arith.constant 0 : i32
        %parallel_loop3A_257 = arith.constant 0 : i32
        %parallel_loop3A_258 = tpu.memref_slice %arg9[%parallel_loop3A_192, %parallel_loop3A_256, %parallel_loop3A_257] : memref<2x8x1024xf32, #tpu.memory_space<vmem>> -> memref<1x8x1024xf32, #tpu.memory_space<vmem>>
        %parallel_loop3A_259 = tpu.memref_squeeze %parallel_loop3A_258 : memref<1x8x1024xf32, #tpu.memory_space<vmem>> -> memref<8x1024xf32, #tpu.memory_space<vmem>>
        %parallel_loop3A_260 = arith.index_cast %parallel_loop3A_219 : i32 to index
        %parallel_loop3A_261 = arith.index_cast %parallel_loop3A_255 : i32 to index
        %parallel_loop3A_262 = tpu.vector_load %parallel_loop3A_259[%parallel_loop3A_260, %parallel_loop3A_261] {strides = array<i32>} : memref<8x1024xf32, #tpu.memory_space<vmem>>, vector<16xf32>,
        tpu.vector_store %parallel_loop3A_259[%parallel_loop3A_260, %parallel_loop3A_261], %parallel_loop3A_253 {strides = array<i32>} : memref<8x1024xf32, #tpu.memory_space<vmem>>, vector<16xf32>,
        %parallel_loop3A_263 = arith.constant 48 : i32
        %parallel_loop3A_264 = arith.addi %parallel_loop3A_217, %parallel_loop3A_263 : i32
        %parallel_loop3A_265 = arith.index_cast %parallel_loop3A_264 : i32 to index
        %parallel_loop3A_266 = tpu.vector_load %arg8[%parallel_loop3A_265] {strides = array<i32>} : memref<9216xf32, #tpu.memory_space<vmem>>, vector<16xf32>,
        %parallel_loop3A_267 = arith.constant 48 : i32
        %parallel_loop3A_268 = arith.addi %parallel_loop3A_223, %parallel_loop3A_267 : i32
        %parallel_loop3A_269 = arith.constant 0 : i32
        %parallel_loop3A_270 = arith.constant 0 : i32
        %parallel_loop3A_271 = tpu.memref_slice %arg9[%parallel_loop3A_192, %parallel_loop3A_269, %parallel_loop3A_270] : memref<2x8x1024xf32, #tpu.memory_space<vmem>> -> memref<1x8x1024xf32, #tpu.memory_space<vmem>>
        %parallel_loop3A_272 = tpu.memref_squeeze %parallel_loop3A_271 : memref<1x8x1024xf32, #tpu.memory_space<vmem>> -> memref<8x1024xf32, #tpu.memory_space<vmem>>
        %parallel_loop3A_273 = arith.index_cast %parallel_loop3A_219 : i32 to index
        %parallel_loop3A_274 = arith.index_cast %parallel_loop3A_268 : i32 to index
        %parallel_loop3A_275 = tpu.vector_load %parallel_loop3A_272[%parallel_loop3A_273, %parallel_loop3A_274] {strides = array<i32>} : memref<8x1024xf32, #tpu.memory_space<vmem>>, vector<16xf32>,
        tpu.vector_store %parallel_loop3A_272[%parallel_loop3A_273, %parallel_loop3A_274], %parallel_loop3A_266 {strides = array<i32>} : memref<8x1024xf32, #tpu.memory_space<vmem>>, vector<16xf32>,
        %parallel_loop3A_276 = arith.constant 64 : i32
        %parallel_loop3A_277 = arith.addi %parallel_loop3A_217, %parallel_loop3A_276 : i32
        %parallel_loop3A_278 = arith.index_cast %parallel_loop3A_277 : i32 to index
        %parallel_loop3A_279 = tpu.vector_load %arg8[%parallel_loop3A_278] {strides = array<i32>} : memref<9216xf32, #tpu.memory_space<vmem>>, vector<16xf32>,
        %parallel_loop3A_280 = arith.constant 64 : i32
        %parallel_loop3A_281 = arith.addi %parallel_loop3A_223, %parallel_loop3A_280 : i32
        %parallel_loop3A_282 = arith.constant 0 : i32
        %parallel_loop3A_283 = arith.constant 0 : i32
        %parallel_loop3A_284 = tpu.memref_slice %arg9[%parallel_loop3A_192, %parallel_loop3A_282, %parallel_loop3A_283] : memref<2x8x1024xf32, #tpu.memory_space<vmem>> -> memref<1x8x1024xf32, #tpu.memory_space<vmem>>
        %parallel_loop3A_285 = tpu.memref_squeeze %parallel_loop3A_284 : memref<1x8x1024xf32, #tpu.memory_space<vmem>> -> memref<8x1024xf32, #tpu.memory_space<vmem>>
        %parallel_loop3A_286 = arith.index_cast %parallel_loop3A_219 : i32 to index
        %parallel_loop3A_287 = arith.index_cast %parallel_loop3A_281 : i32 to index
        %parallel_loop3A_288 = tpu.vector_load %parallel_loop3A_285[%parallel_loop3A_286, %parallel_loop3A_287] {strides = array<i32>} : memref<8x1024xf32, #tpu.memory_space<vmem>>, vector<16xf32>,
        tpu.vector_store %parallel_loop3A_285[%parallel_loop3A_286, %parallel_loop3A_287], %parallel_loop3A_279 {strides = array<i32>} : memref<8x1024xf32, #tpu.memory_space<vmem>>, vector<16xf32>,
        %parallel_loop3A_289 = arith.constant 80 : i32
        %parallel_loop3A_290 = arith.addi %parallel_loop3A_217, %parallel_loop3A_289 : i32
        %parallel_loop3A_291 = arith.index_cast %parallel_loop3A_290 : i32 to index
        %parallel_loop3A_292 = tpu.vector_load %arg8[%parallel_loop3A_291] {strides = array<i32>} : memref<9216xf32, #tpu.memory_space<vmem>>, vector<16xf32>,
        %parallel_loop3A_293 = arith.constant 80 : i32
        %parallel_loop3A_294 = arith.addi %parallel_loop3A_223, %parallel_loop3A_293 : i32
        %parallel_loop3A_295 = arith.constant 0 : i32
        %parallel_loop3A_296 = arith.constant 0 : i32
        %parallel_loop3A_297 = tpu.memref_slice %arg9[%parallel_loop3A_192, %parallel_loop3A_295, %parallel_loop3A_296] : memref<2x8x1024xf32, #tpu.memory_space<vmem>> -> memref<1x8x1024xf32, #tpu.memory_space<vmem>>
        %parallel_loop3A_298 = tpu.memref_squeeze %parallel_loop3A_297 : memref<1x8x1024xf32, #tpu.memory_space<vmem>> -> memref<8x1024xf32, #tpu.memory_space<vmem>>
        %parallel_loop3A_299 = arith.index_cast %parallel_loop3A_219 : i32 to index
        %parallel_loop3A_300 = arith.index_cast %parallel_loop3A_294 : i32 to index
        %parallel_loop3A_301 = tpu.vector_load %parallel_loop3A_298[%parallel_loop3A_299, %parallel_loop3A_300] {strides = array<i32>} : memref<8x1024xf32, #tpu.memory_space<vmem>>, vector<16xf32>,
        tpu.vector_store %parallel_loop3A_298[%parallel_loop3A_299, %parallel_loop3A_300], %parallel_loop3A_292 {strides = array<i32>} : memref<8x1024xf32, #tpu.memory_space<vmem>>, vector<16xf32>,
        %parallel_loop3A_302 = arith.constant 96 : i32
        %parallel_loop3A_303 = arith.addi %parallel_loop3A_217, %parallel_loop3A_302 : i32
        %parallel_loop3A_304 = arith.index_cast %parallel_loop3A_303 : i32 to index
        %parallel_loop3A_305 = tpu.vector_load %arg8[%parallel_loop3A_304] {strides = array<i32>} : memref<9216xf32, #tpu.memory_space<vmem>>, vector<16xf32>,
        %parallel_loop3A_306 = arith.constant 96 : i32
        %parallel_loop3A_307 = arith.addi %parallel_loop3A_223, %parallel_loop3A_306 : i32
        %parallel_loop3A_308 = arith.constant 0 : i32
        %parallel_loop3A_309 = arith.constant 0 : i32
        %parallel_loop3A_310 = tpu.memref_slice %arg9[%parallel_loop3A_192, %parallel_loop3A_308, %parallel_loop3A_309] : memref<2x8x1024xf32, #tpu.memory_space<vmem>> -> memref<1x8x1024xf32, #tpu.memory_space<vmem>>
        %parallel_loop3A_311 = tpu.memref_squeeze %parallel_loop3A_310 : memref<1x8x1024xf32, #tpu.memory_space<vmem>> -> memref<8x1024xf32, #tpu.memory_space<vmem>>
        %parallel_loop3A_312 = arith.index_cast %parallel_loop3A_219 : i32 to index
        %parallel_loop3A_313 = arith.index_cast %parallel_loop3A_307 : i32 to index
        %parallel_loop3A_314 = tpu.vector_load %parallel_loop3A_311[%parallel_loop3A_312, %parallel_loop3A_313] {strides = array<i32>} : memref<8x1024xf32, #tpu.memory_space<vmem>>, vector<16xf32>,
        tpu.vector_store %parallel_loop3A_311[%parallel_loop3A_312, %parallel_loop3A_313], %parallel_loop3A_305 {strides = array<i32>} : memref<8x1024xf32, #tpu.memory_space<vmem>>, vector<16xf32>,
        %parallel_loop3A_315 = arith.constant 112 : i32
        %parallel_loop3A_316 = arith.addi %parallel_loop3A_217, %parallel_loop3A_315 : i32
        %parallel_loop3A_317 = arith.index_cast %parallel_loop3A_316 : i32 to index
        %parallel_loop3A_318 = tpu.vector_load %arg8[%parallel_loop3A_317] {strides = array<i32>} : memref<9216xf32, #tpu.memory_space<vmem>>, vector<16xf32>,
        %parallel_loop3A_319 = arith.constant 112 : i32
        %parallel_loop3A_320 = arith.addi %parallel_loop3A_223, %parallel_loop3A_319 : i32
        %parallel_loop3A_321 = arith.constant 0 : i32
        %parallel_loop3A_322 = arith.constant 0 : i32
        %parallel_loop3A_323 = tpu.memref_slice %arg9[%parallel_loop3A_192, %parallel_loop3A_321, %parallel_loop3A_322] : memref<2x8x1024xf32, #tpu.memory_space<vmem>> -> memref<1x8x1024xf32, #tpu.memory_space<vmem>>
        %parallel_loop3A_324 = tpu.memref_squeeze %parallel_loop3A_323 : memref<1x8x1024xf32, #tpu.memory_space<vmem>> -> memref<8x1024xf32, #tpu.memory_space<vmem>>
        %parallel_loop3A_325 = arith.index_cast %parallel_loop3A_219 : i32 to index
        %parallel_loop3A_326 = arith.index_cast %parallel_loop3A_320 : i32 to index
        %parallel_loop3A_327 = tpu.vector_load %parallel_loop3A_324[%parallel_loop3A_325, %parallel_loop3A_326] {strides = array<i32>} : memref<8x1024xf32, #tpu.memory_space<vmem>>, vector<16xf32>,
        tpu.vector_store %parallel_loop3A_324[%parallel_loop3A_325, %parallel_loop3A_326], %parallel_loop3A_318 {strides = array<i32>} : memref<8x1024xf32, #tpu.memory_space<vmem>>, vector<16xf32>,
        %parallel_loop3A_328 = arith.constant 1 : i32
        %parallel_loop3A_329 = arith.addi %parallel_loop3A_210, %parallel_loop3A_328 : i32
        %parallel_loop3A_330 = arith.constant 144 : i32
        %parallel_loop3A_331 = arith.muli %parallel_loop3A_329, %parallel_loop3A_330 : i32
        %parallel_loop3A_332 = arith.constant 15 : i32
        %parallel_loop3A_333 = arith.andi %parallel_loop3A_329, %parallel_loop3A_332 : i32
        %parallel_loop3A_334 = arith.addi %parallel_loop3A_331, %parallel_loop3A_333 : i32
        %parallel_loop3A_335 = arith.constant 3 : i32
        %parallel_loop3A_336 = arith.shrui %parallel_loop3A_329, %parallel_loop3A_335 : i32
        %parallel_loop3A_337 = arith.constant 7 : i32
        %parallel_loop3A_338 = arith.andi %parallel_loop3A_329, %parallel_loop3A_337 : i32
        %parallel_loop3A_339 = arith.constant 7 : i32
        %parallel_loop3A_340 = arith.shli %parallel_loop3A_338, %parallel_loop3A_339 : i32
        %parallel_loop3A_341 = arith.constant 0 : i32
        %parallel_loop3A_342 = arith.addi %parallel_loop3A_334, %parallel_loop3A_341 : i32
        %parallel_loop3A_343 = arith.index_cast %parallel_loop3A_342 : i32 to index
        %parallel_loop3A_344 = tpu.vector_load %arg8[%parallel_loop3A_343] {strides = array<i32>} : memref<9216xf32, #tpu.memory_space<vmem>>, vector<16xf32>,
        %parallel_loop3A_345 = arith.constant 0 : i32
        %parallel_loop3A_346 = arith.addi %parallel_loop3A_340, %parallel_loop3A_345 : i32
        %parallel_loop3A_347 = arith.constant 0 : i32
        %parallel_loop3A_348 = arith.constant 0 : i32
        %parallel_loop3A_349 = tpu.memref_slice %arg9[%parallel_loop3A_192, %parallel_loop3A_347, %parallel_loop3A_348] : memref<2x8x1024xf32, #tpu.memory_space<vmem>> -> memref<1x8x1024xf32, #tpu.memory_space<vmem>>
        %parallel_loop3A_350 = tpu.memref_squeeze %parallel_loop3A_349 : memref<1x8x1024xf32, #tpu.memory_space<vmem>> -> memref<8x1024xf32, #tpu.memory_space<vmem>>
        %parallel_loop3A_351 = arith.index_cast %parallel_loop3A_336 : i32 to index
        %parallel_loop3A_352 = arith.index_cast %parallel_loop3A_346 : i32 to index
        %parallel_loop3A_353 = tpu.vector_load %parallel_loop3A_350[%parallel_loop3A_351, %parallel_loop3A_352] {strides = array<i32>} : memref<8x1024xf32, #tpu.memory_space<vmem>>, vector<16xf32>,
        tpu.vector_store %parallel_loop3A_350[%parallel_loop3A_351, %parallel_loop3A_352], %parallel_loop3A_344 {strides = array<i32>} : memref<8x1024xf32, #tpu.memory_space<vmem>>, vector<16xf32>,
        %parallel_loop3A_354 = arith.constant 16 : i32
        %parallel_loop3A_355 = arith.addi %parallel_loop3A_334, %parallel_loop3A_354 : i32
        %parallel_loop3A_356 = arith.index_cast %parallel_loop3A_355 : i32 to index
        %parallel_loop3A_357 = tpu.vector_load %arg8[%parallel_loop3A_356] {strides = array<i32>} : memref<9216xf32, #tpu.memory_space<vmem>>, vector<16xf32>,
        %parallel_loop3A_358 = arith.constant 16 : i32
        %parallel_loop3A_359 = arith.addi %parallel_loop3A_340, %parallel_loop3A_358 : i32
        %parallel_loop3A_360 = arith.constant 0 : i32
        %parallel_loop3A_361 = arith.constant 0 : i32
        %parallel_loop3A_362 = tpu.memref_slice %arg9[%parallel_loop3A_192, %parallel_loop3A_360, %parallel_loop3A_361] : memref<2x8x1024xf32, #tpu.memory_space<vmem>> -> memref<1x8x1024xf32, #tpu.memory_space<vmem>>
        %parallel_loop3A_363 = tpu.memref_squeeze %parallel_loop3A_362 : memref<1x8x1024xf32, #tpu.memory_space<vmem>> -> memref<8x1024xf32, #tpu.memory_space<vmem>>
        %parallel_loop3A_364 = arith.index_cast %parallel_loop3A_336 : i32 to index
        %parallel_loop3A_365 = arith.index_cast %parallel_loop3A_359 : i32 to index
        %parallel_loop3A_366 = tpu.vector_load %parallel_loop3A_363[%parallel_loop3A_364, %parallel_loop3A_365] {strides = array<i32>} : memref<8x1024xf32, #tpu.memory_space<vmem>>, vector<16xf32>,
        tpu.vector_store %parallel_loop3A_363[%parallel_loop3A_364, %parallel_loop3A_365], %parallel_loop3A_357 {strides = array<i32>} : memref<8x1024xf32, #tpu.memory_space<vmem>>, vector<16xf32>,
        %parallel_loop3A_367 = arith.constant 32 : i32
        %parallel_loop3A_368 = arith.addi %parallel_loop3A_334, %parallel_loop3A_367 : i32
        %parallel_loop3A_369 = arith.index_cast %parallel_loop3A_368 : i32 to index
        %parallel_loop3A_370 = tpu.vector_load %arg8[%parallel_loop3A_369] {strides = array<i32>} : memref<9216xf32, #tpu.memory_space<vmem>>, vector<16xf32>,
        %parallel_loop3A_371 = arith.constant 32 : i32
        %parallel_loop3A_372 = arith.addi %parallel_loop3A_340, %parallel_loop3A_371 : i32
        %parallel_loop3A_373 = arith.constant 0 : i32
        %parallel_loop3A_374 = arith.constant 0 : i32
        %parallel_loop3A_375 = tpu.memref_slice %arg9[%parallel_loop3A_192, %parallel_loop3A_373, %parallel_loop3A_374] : memref<2x8x1024xf32, #tpu.memory_space<vmem>> -> memref<1x8x1024xf32, #tpu.memory_space<vmem>>
        %parallel_loop3A_376 = tpu.memref_squeeze %parallel_loop3A_375 : memref<1x8x1024xf32, #tpu.memory_space<vmem>> -> memref<8x1024xf32, #tpu.memory_space<vmem>>
        %parallel_loop3A_377 = arith.index_cast %parallel_loop3A_336 : i32 to index
        %parallel_loop3A_378 = arith.index_cast %parallel_loop3A_372 : i32 to index
        %parallel_loop3A_379 = tpu.vector_load %parallel_loop3A_376[%parallel_loop3A_377, %parallel_loop3A_378] {strides = array<i32>} : memref<8x1024xf32, #tpu.memory_space<vmem>>, vector<16xf32>,
        tpu.vector_store %parallel_loop3A_376[%parallel_loop3A_377, %parallel_loop3A_378], %parallel_loop3A_370 {strides = array<i32>} : memref<8x1024xf32, #tpu.memory_space<vmem>>, vector<16xf32>,
        %parallel_loop3A_380 = arith.constant 48 : i32
        %parallel_loop3A_381 = arith.addi %parallel_loop3A_334, %parallel_loop3A_380 : i32
        %parallel_loop3A_382 = arith.index_cast %parallel_loop3A_381 : i32 to index
        %parallel_loop3A_383 = tpu.vector_load %arg8[%parallel_loop3A_382] {strides = array<i32>} : memref<9216xf32, #tpu.memory_space<vmem>>, vector<16xf32>,
        %parallel_loop3A_384 = arith.constant 48 : i32
        %parallel_loop3A_385 = arith.addi %parallel_loop3A_340, %parallel_loop3A_384 : i32
        %parallel_loop3A_386 = arith.constant 0 : i32
        %parallel_loop3A_387 = arith.constant 0 : i32
        %parallel_loop3A_388 = tpu.memref_slice %arg9[%parallel_loop3A_192, %parallel_loop3A_386, %parallel_loop3A_387] : memref<2x8x1024xf32, #tpu.memory_space<vmem>> -> memref<1x8x1024xf32, #tpu.memory_space<vmem>>
        %parallel_loop3A_389 = tpu.memref_squeeze %parallel_loop3A_388 : memref<1x8x1024xf32, #tpu.memory_space<vmem>> -> memref<8x1024xf32, #tpu.memory_space<vmem>>
        %parallel_loop3A_390 = arith.index_cast %parallel_loop3A_336 : i32 to index
        %parallel_loop3A_391 = arith.index_cast %parallel_loop3A_385 : i32 to index
        %parallel_loop3A_392 = tpu.vector_load %parallel_loop3A_389[%parallel_loop3A_390, %parallel_loop3A_391] {strides = array<i32>} : memref<8x1024xf32, #tpu.memory_space<vmem>>, vector<16xf32>,
        tpu.vector_store %parallel_loop3A_389[%parallel_loop3A_390, %parallel_loop3A_391], %parallel_loop3A_383 {strides = array<i32>} : memref<8x1024xf32, #tpu.memory_space<vmem>>, vector<16xf32>,
        %parallel_loop3A_393 = arith.constant 64 : i32
        %parallel_loop3A_394 = arith.addi %parallel_loop3A_334, %parallel_loop3A_393 : i32
        %parallel_loop3A_395 = arith.index_cast %parallel_loop3A_394 : i32 to index
        %parallel_loop3A_396 = tpu.vector_load %arg8[%parallel_loop3A_395] {strides = array<i32>} : memref<9216xf32, #tpu.memory_space<vmem>>, vector<16xf32>,
        %parallel_loop3A_397 = arith.constant 64 : i32
        %parallel_loop3A_398 = arith.addi %parallel_loop3A_340, %parallel_loop3A_397 : i32
        %parallel_loop3A_399 = arith.constant 0 : i32
        %parallel_loop3A_400 = arith.constant 0 : i32
        %parallel_loop3A_401 = tpu.memref_slice %arg9[%parallel_loop3A_192, %parallel_loop3A_399, %parallel_loop3A_400] : memref<2x8x1024xf32, #tpu.memory_space<vmem>> -> memref<1x8x1024xf32, #tpu.memory_space<vmem>>
        %parallel_loop3A_402 = tpu.memref_squeeze %parallel_loop3A_401 : memref<1x8x1024xf32, #tpu.memory_space<vmem>> -> memref<8x1024xf32, #tpu.memory_space<vmem>>
        %parallel_loop3A_403 = arith.index_cast %parallel_loop3A_336 : i32 to index
        %parallel_loop3A_404 = arith.index_cast %parallel_loop3A_398 : i32 to index
        %parallel_loop3A_405 = tpu.vector_load %parallel_loop3A_402[%parallel_loop3A_403, %parallel_loop3A_404] {strides = array<i32>} : memref<8x1024xf32, #tpu.memory_space<vmem>>, vector<16xf32>,
        tpu.vector_store %parallel_loop3A_402[%parallel_loop3A_403, %parallel_loop3A_404], %parallel_loop3A_396 {strides = array<i32>} : memref<8x1024xf32, #tpu.memory_space<vmem>>, vector<16xf32>,
        %parallel_loop3A_406 = arith.constant 80 : i32
        %parallel_loop3A_407 = arith.addi %parallel_loop3A_334, %parallel_loop3A_406 : i32
        %parallel_loop3A_408 = arith.index_cast %parallel_loop3A_407 : i32 to index
        %parallel_loop3A_409 = tpu.vector_load %arg8[%parallel_loop3A_408] {strides = array<i32>} : memref<9216xf32, #tpu.memory_space<vmem>>, vector<16xf32>,
        %parallel_loop3A_410 = arith.constant 80 : i32
        %parallel_loop3A_411 = arith.addi %parallel_loop3A_340, %parallel_loop3A_410 : i32
        %parallel_loop3A_412 = arith.constant 0 : i32
        %parallel_loop3A_413 = arith.constant 0 : i32
        %parallel_loop3A_414 = tpu.memref_slice %arg9[%parallel_loop3A_192, %parallel_loop3A_412, %parallel_loop3A_413] : memref<2x8x1024xf32, #tpu.memory_space<vmem>> -> memref<1x8x1024xf32, #tpu.memory_space<vmem>>
        %parallel_loop3A_415 = tpu.memref_squeeze %parallel_loop3A_414 : memref<1x8x1024xf32, #tpu.memory_space<vmem>> -> memref<8x1024xf32, #tpu.memory_space<vmem>>
        %parallel_loop3A_416 = arith.index_cast %parallel_loop3A_336 : i32 to index
        %parallel_loop3A_417 = arith.index_cast %parallel_loop3A_411 : i32 to index
        %parallel_loop3A_418 = tpu.vector_load %parallel_loop3A_415[%parallel_loop3A_416, %parallel_loop3A_417] {strides = array<i32>} : memref<8x1024xf32, #tpu.memory_space<vmem>>, vector<16xf32>,
        tpu.vector_store %parallel_loop3A_415[%parallel_loop3A_416, %parallel_loop3A_417], %parallel_loop3A_409 {strides = array<i32>} : memref<8x1024xf32, #tpu.memory_space<vmem>>, vector<16xf32>,
        %parallel_loop3A_419 = arith.constant 96 : i32
        %parallel_loop3A_420 = arith.addi %parallel_loop3A_334, %parallel_loop3A_419 : i32
        %parallel_loop3A_421 = arith.index_cast %parallel_loop3A_420 : i32 to index
        %parallel_loop3A_422 = tpu.vector_load %arg8[%parallel_loop3A_421] {strides = array<i32>} : memref<9216xf32, #tpu.memory_space<vmem>>, vector<16xf32>,
        %parallel_loop3A_423 = arith.constant 96 : i32
        %parallel_loop3A_424 = arith.addi %parallel_loop3A_340, %parallel_loop3A_423 : i32
        %parallel_loop3A_425 = arith.constant 0 : i32
        %parallel_loop3A_426 = arith.constant 0 : i32
        %parallel_loop3A_427 = tpu.memref_slice %arg9[%parallel_loop3A_192, %parallel_loop3A_425, %parallel_loop3A_426] : memref<2x8x1024xf32, #tpu.memory_space<vmem>> -> memref<1x8x1024xf32, #tpu.memory_space<vmem>>
        %parallel_loop3A_428 = tpu.memref_squeeze %parallel_loop3A_427 : memref<1x8x1024xf32, #tpu.memory_space<vmem>> -> memref<8x1024xf32, #tpu.memory_space<vmem>>
        %parallel_loop3A_429 = arith.index_cast %parallel_loop3A_336 : i32 to index
        %parallel_loop3A_430 = arith.index_cast %parallel_loop3A_424 : i32 to index
        %parallel_loop3A_431 = tpu.vector_load %parallel_loop3A_428[%parallel_loop3A_429, %parallel_loop3A_430] {strides = array<i32>} : memref<8x1024xf32, #tpu.memory_space<vmem>>, vector<16xf32>,
        tpu.vector_store %parallel_loop3A_428[%parallel_loop3A_429, %parallel_loop3A_430], %parallel_loop3A_422 {strides = array<i32>} : memref<8x1024xf32, #tpu.memory_space<vmem>>, vector<16xf32>,
        %parallel_loop3A_432 = arith.constant 112 : i32
        %parallel_loop3A_433 = arith.addi %parallel_loop3A_334, %parallel_loop3A_432 : i32
        %parallel_loop3A_434 = arith.index_cast %parallel_loop3A_433 : i32 to index
        %parallel_loop3A_435 = tpu.vector_load %arg8[%parallel_loop3A_434] {strides = array<i32>} : memref<9216xf32, #tpu.memory_space<vmem>>, vector<16xf32>,
        %parallel_loop3A_436 = arith.constant 112 : i32
        %parallel_loop3A_437 = arith.addi %parallel_loop3A_340, %parallel_loop3A_436 : i32
        %parallel_loop3A_438 = arith.constant 0 : i32
        %parallel_loop3A_439 = arith.constant 0 : i32
        %parallel_loop3A_440 = tpu.memref_slice %arg9[%parallel_loop3A_192, %parallel_loop3A_438, %parallel_loop3A_439] : memref<2x8x1024xf32, #tpu.memory_space<vmem>> -> memref<1x8x1024xf32, #tpu.memory_space<vmem>>
        %parallel_loop3A_441 = tpu.memref_squeeze %parallel_loop3A_440 : memref<1x8x1024xf32, #tpu.memory_space<vmem>> -> memref<8x1024xf32, #tpu.memory_space<vmem>>
        %parallel_loop3A_442 = arith.index_cast %parallel_loop3A_336 : i32 to index
        %parallel_loop3A_443 = arith.index_cast %parallel_loop3A_437 : i32 to index
        %parallel_loop3A_444 = tpu.vector_load %parallel_loop3A_441[%parallel_loop3A_442, %parallel_loop3A_443] {strides = array<i32>} : memref<8x1024xf32, #tpu.memory_space<vmem>>, vector<16xf32>,
        tpu.vector_store %parallel_loop3A_441[%parallel_loop3A_442, %parallel_loop3A_443], %parallel_loop3A_435 {strides = array<i32>} : memref<8x1024xf32, #tpu.memory_space<vmem>>, vector<16xf32>,
      } {sc.loop_unroll_factor = 1 : i64, sc.parallel_access}
      %dma_start3A_193 = arith.constant 1 : i32
      %dma_start3A_194 = arith.constant 0 : i32
      %dma_start3A_195 = arith.constant 0 : i32
      %dma_start3A_196 = tpu.memref_slice %arg9[%dma_start3A_193, %dma_start3A_194, %dma_start3A_195] : memref<2x8x1024xf32, #tpu.memory_space<vmem>> -> memref<1x8x1024xf32, #tpu.memory_space<vmem>>
      %dma_start3A_197 = tpu.memref_squeeze %dma_start3A_196 : memref<1x8x1024xf32, #tpu.memory_space<vmem>> -> memref<8x1024xf32, #tpu.memory_space<vmem>>
      %dma_start3A_198 = arith.constant 0 : i32
      %dma_start3A_199 = arith.constant 0 : i32
      %dma_start3A_200 = tpu.memref_slice %arg5[%add3A_146, %dma_start3A_198, %add3A, %dma_start3A_199] : memref<200x8x32x1024xf32, #tpu.memory_space<hbm>> -> memref<1x8x1x1024xf32, #tpu.memory_space<hbm>>
      %dma_start3A_201 = tpu.memref_squeeze %dma_start3A_200 : memref<1x8x1x1024xf32, #tpu.memory_space<hbm>> -> memref<8x1024xf32, #tpu.memory_space<hbm>>
      %dma_start3A_202 = arith.constant 0 : i32
      %dma_start3A_203 = arith.constant 0 : i32
      %dma_start3A_204 = tpu.memref_slice %arg5[%add3A_146, %dma_start3A_202, %add3A, %dma_start3A_203] : memref<200x8x32x1024xf32, #tpu.memory_space<hbm>> -> memref<1x8x1x1024xf32, #tpu.memory_space<hbm>>
      %dma_start3A_205 = tpu.memref_squeeze %dma_start3A_204 : memref<1x8x1x1024xf32, #tpu.memory_space<hbm>> -> memref<8x1024xf32, #tpu.memory_space<hbm>>
      %dma_start3A_206 = arith.constant 0 : i32
      %dma_start3A_207 = arith.constant 0 : i32
      %dma_start3A_208 = tpu.memref_slice %arg9[%dma_start3A_193, %dma_start3A_206, %dma_start3A_207] : memref<2x8x1024xf32, #tpu.memory_space<vmem>> -> memref<1x8x1024xf32, #tpu.memory_space<vmem>>
      %dma_start3A_209 = tpu.memref_squeeze %dma_start3A_208 : memref<1x8x1024xf32, #tpu.memory_space<vmem>> -> memref<8x1024xf32, #tpu.memory_space<vmem>>
      tpu.enqueue_dma source(%dma_start3A_209 : memref<8x1024xf32, #tpu.memory_space<vmem>>) target(%dma_start3A_205 : memref<8x1024xf32, #tpu.memory_space<hbm>>) target_semaphore(%arg13 : memref<!tpu.dma_semaphore, #tpu.memory_space<semaphore_mem>>)
    }
    %scan3A_43 = arith.constant 100 : i32
    %dma_wait3A = arith.constant 0 : i32
    %dma_wait3A_44 = arith.constant 0 : i32
    %dma_wait3A_45 = arith.constant 0 : i32
    %dma_wait3A_46 = arith.constant 0 : i32
    %dma_wait3A_47 = arith.constant 0 : i32
    %dma_wait3A_48 = tpu.memref_slice %arg9[%dma_wait3A_45, %dma_wait3A_46, %dma_wait3A_47] : memref<2x8x1024xf32, #tpu.memory_space<vmem>> -> memref<1x8x1024xf32, #tpu.memory_space<vmem>>
    %dma_wait3A_49 = tpu.memref_squeeze %dma_wait3A_48 : memref<1x8x1024xf32, #tpu.memory_space<vmem>> -> memref<8x1024xf32, #tpu.memory_space<vmem>>
    %dma_wait3A_50 = arith.constant 0 : i32
    %dma_wait3A_51 = arith.constant 0 : i32
    %dma_wait3A_52 = tpu.memref_slice %arg5[%dma_wait3A, %dma_wait3A_50, %dma_wait3A_44, %dma_wait3A_51] : memref<200x8x32x1024xf32, #tpu.memory_space<hbm>> -> memref<1x8x1x1024xf32, #tpu.memory_space<hbm>>
    %dma_wait3A_53 = tpu.memref_squeeze %dma_wait3A_52 : memref<1x8x1x1024xf32, #tpu.memory_space<hbm>> -> memref<8x1024xf32, #tpu.memory_space<hbm>>
    %dma_wait3A_54 = arith.constant 0 : i32
    %dma_wait3A_55 = arith.constant 0 : i32
    %dma_wait3A_56 = tpu.memref_slice %arg9[%dma_wait3A_45, %dma_wait3A_54, %dma_wait3A_55] : memref<2x8x1024xf32, #tpu.memory_space<vmem>> -> memref<1x8x1024xf32, #tpu.memory_space<vmem>>
    %dma_wait3A_57 = tpu.memref_squeeze %dma_wait3A_56 : memref<1x8x1024xf32, #tpu.memory_space<vmem>> -> memref<8x1024xf32, #tpu.memory_space<vmem>>
    %dma_wait3A_58 = arith.constant 0 : i32
    %dma_wait3A_59 = arith.constant 0 : i32
    %dma_wait3A_60 = tpu.memref_slice %arg5[%dma_wait3A, %dma_wait3A_58, %dma_wait3A_44, %dma_wait3A_59] : memref<200x8x32x1024xf32, #tpu.memory_space<hbm>> -> memref<1x8x1x1024xf32, #tpu.memory_space<hbm>>
    %dma_wait3A_61 = tpu.memref_squeeze %dma_wait3A_60 : memref<1x8x1x1024xf32, #tpu.memory_space<hbm>> -> memref<8x1024xf32, #tpu.memory_space<hbm>>
    tpu.wait_dma2 semaphore(%arg12 : memref<!tpu.dma_semaphore, #tpu.memory_space<semaphore_mem>>) src(%dma_wait3A_61 : memref<8x1024xf32, #tpu.memory_space<hbm>>) dst(%dma_wait3A_57 : memref<8x1024xf32, #tpu.memory_space<vmem>>)
    %dma_wait3A_62 = arith.constant 0 : i32
    %dma_wait3A_63 = arith.constant 0 : i32
    %dma_wait3A_64 = arith.constant 1 : i32
    %dma_wait3A_65 = arith.constant 0 : i32
    %dma_wait3A_66 = arith.constant 0 : i32
    %dma_wait3A_67 = tpu.memref_slice %arg9[%dma_wait3A_64, %dma_wait3A_65, %dma_wait3A_66] : memref<2x8x1024xf32, #tpu.memory_space<vmem>> -> memref<1x8x1024xf32, #tpu.memory_space<vmem>>
    %dma_wait3A_68 = tpu.memref_squeeze %dma_wait3A_67 : memref<1x8x1024xf32, #tpu.memory_space<vmem>> -> memref<8x1024xf32, #tpu.memory_space<vmem>>
    %dma_wait3A_69 = arith.constant 0 : i32
    %dma_wait3A_70 = arith.constant 0 : i32
    %dma_wait3A_71 = tpu.memref_slice %arg5[%dma_wait3A_62, %dma_wait3A_69, %dma_wait3A_63, %dma_wait3A_70] : memref<200x8x32x1024xf32, #tpu.memory_space<hbm>> -> memref<1x8x1x1024xf32, #tpu.memory_space<hbm>>
    %dma_wait3A_72 = tpu.memref_squeeze %dma_wait3A_71 : memref<1x8x1x1024xf32, #tpu.memory_space<hbm>> -> memref<8x1024xf32, #tpu.memory_space<hbm>>
    %dma_wait3A_73 = arith.constant 0 : i32
    %dma_wait3A_74 = arith.constant 0 : i32
    %dma_wait3A_75 = tpu.memref_slice %arg9[%dma_wait3A_64, %dma_wait3A_73, %dma_wait3A_74] : memref<2x8x1024xf32, #tpu.memory_space<vmem>> -> memref<1x8x1024xf32, #tpu.memory_space<vmem>>
    %dma_wait3A_76 = tpu.memref_squeeze %dma_wait3A_75 : memref<1x8x1024xf32, #tpu.memory_space<vmem>> -> memref<8x1024xf32, #tpu.memory_space<vmem>>
    %dma_wait3A_77 = arith.constant 0 : i32
    %dma_wait3A_78 = arith.constant 0 : i32
    %dma_wait3A_79 = tpu.memref_slice %arg5[%dma_wait3A_62, %dma_wait3A_77, %dma_wait3A_63, %dma_wait3A_78] : memref<200x8x32x1024xf32, #tpu.memory_space<hbm>> -> memref<1x8x1x1024xf32, #tpu.memory_space<hbm>>
    %dma_wait3A_80 = tpu.memref_squeeze %dma_wait3A_79 : memref<1x8x1x1024xf32, #tpu.memory_space<hbm>> -> memref<8x1024xf32, #tpu.memory_space<hbm>>
    tpu.wait_dma2 semaphore(%arg13 : memref<!tpu.dma_semaphore, #tpu.memory_space<semaphore_mem>>) src(%dma_wait3A_80 : memref<8x1024xf32, #tpu.memory_space<hbm>>) dst(%dma_wait3A_76 : memref<8x1024xf32, #tpu.memory_space<vmem>>)
    return
  }
}

</mosaic_0001>

<sc_bundles>
// kernel: kernel.3.cloned.1.call-start
scs
__scs_entry_jumppad:
0x0: {  	(pc) =	sbr.rel $0x88, $3  }
0x1: {  	(tag) =	ssettag $0x0;
	lr =	simm.s32 $0x1  }
0x2: {  	[smem:$0x3F9E] =	sst lr;
	_ =	strace $0xD0000000  }
0x3: {  	_ = 	snop  }
0x4: {  	_ = 	snop  }
0x5: {  	_ = 	snop  }
0x6: {  	_ = 	snop  }
0x7: {  	_ = 	snop  }
__scs_overlays_trampoline_lowered:
0x8: {  	[smem:$0x3FAD] =	sst s0  }
0x9: {  	[smem:$0x3FAE] =	sst s1  }
0xa: {  	[smem:$0x3FAF] =	sst s2  }
0xb: {  	[smem:$0x3FB0] =	sst s3  }
0xc: {  	[smem:$0x3FB1] =	sst s4  }
0xd: {  	[smem:$0x3FB2] =	sst s5  }
0xe: {  	[smem:$0x3FB3] =	sst s6  }
0xf: {  	[smem:$0x3FB4] =	sst s7  }
0x10: {  	[smem:$0x3FB5] =	sst s8  }
0x11: {  	[smem:$0x3FB6] =	sst s9;
	s0 =	simm.s32 @!p0 $0x0  }
0x12: {  	s1 =	sld [smem:$0x3F9C];
	s0 =	simm.s32 @p0 $0x1  }
0x13: {  	[smem:$0x3FB7] =	sst s0;
	s0 =	simm.s32 @!p1 $0x0  }
0x14: {  	s2 =	sld [smem:$0x3F9B];
	s0 =	simm.s32 @p1 $0x1  }
0x15: {  	[smem:$0x3FB8] =	sst s0;
	s0 =	simm.s32 @!p2 $0x0  }
0x16: {  	s3 =	sld [smem:$0x3FDB];
	s0 =	simm.s32 @p2 $0x1  }
0x17: {  	s4 =	simm.s32 $0x1BF5;
	[smem:$0x3FBA] =	sst s0  }
0x18: {  	s0 =	sld [smem:$0x3F9D];
	_ =	swait.ge [sflag:s4], $0x0  }
0x19: {  	s7 =	sld [smem:$0x3F9E]  }
0x1a: {  	s8 =	sadd.s32 $0xFFFFE003, lr  }
0x1b: {  	s9 =	sadd.s32 $0xFFFFFEF7, lr;
	s5 =	simm.s32 $0xFFFFFFFF;
	p2 =	slt.u32 s8, $0xFFFFF086  }
0x1c: {  	p1 =	slt.u32 s9, $0xF7A;
	s5 =	simm.s32 @!p2 $0x0  }
0x1d: {  	s5 =	simm.s32 @p1 $0x1;
	p0 =	seq.s32 s7, s2  }
0x1e: {  	s7 =	smul.u32 @!p0 $0xF7A, s2;
	p2 =	seq.s32 @!p0 s5, $0x0  }
0x1f: {  	s9 =	smul.u32 $0xF7A, s1;
	s8 =	simm.s32 @!p0 $0x1BF5;
	p2 =	por !p2, p0  }
0x20: {  	[sflag:s8] =	ssyncset.s32 @!p0 $0xFFFFF086;
	s6 =	sadd.s32 @!p0 s3, s7;
	s7 =	simm.s32 @!p0 $0x108  }
0x21: {  	s3 =	sadd.s32 s3, s9;
	s6 =	sadd.s32 @!p0 $0x88, s6;
	s7 =	simm.s32 @p2 $0x1082  }
0x22: {  	[simem:s7], [sflag:s8] =	dma.local @!p0 [hbm:s6], $0xF7A  }
0x23: {  	s9 =	sor.u32 $0xD0000000, s2;
	s6 =	simm.s32 $0x108;
	_ =	swait.ge @!p0 [sflag:s8], $0x0  }
0x24: {  	s3 =	sadd.s32 $0x88, s3;
	s6 =	simm.s32 @!p1 $0x1082;
	[sflag:s4] =	ssyncset.s32 $0xFFFFF086  }
0x25: {  	[simem:s6], [sflag:s4] =	dma.local [hbm:s3], $0xF7A  }
0x26: {  	[smem:$0x3F9E] =	sst s1;
	(tag) =	ssettag s2;
	_ =	strace s9  }
0x27: {  	s1 =	sld [smem:$0x3FAE]  }
0x28: {  	s2 =	sld [smem:$0x3FAF]  }
0x29: {  	s4 =	sld [smem:$0x3FB1]  }
0x2a: {  	p0 =	seq.s32 s5, $0x0;
	s5 =	sld [smem:$0x3FB2]  }
0x2b: {  	s6 =	sld [smem:$0x3FB3]  }
0x2c: {  	s7 =	sld [smem:$0x3FB4]  }
0x2d: {  	s3 =	simm.s32 $0x108;
	s8 =	sld [smem:$0x3FB5]  }
0x2e: {  	s3 =	simm.s32 @!p0 $0x1082;
	s9 =	sld [smem:$0x3FB6]  }
0x2f: {  	lr =	sadd.s32 s0, s3;
	s0 =	sld [smem:$0x3FAD]  }
0x30: {  	s3 =	sld [smem:$0x3FB0]  }
0x31: {  	[smem:$0x3FB9] =	sst s10  }
0x32: {  	s10 =	sld [smem:$0x3FB7];
	_ =	sdelay $0x3  }
0x33: {  	p0 =	seq.s32 s10, $0x1;
	s10 =	sld [smem:$0x3FB9];
	_ =	sdelay $0x3  }
0x34: {  	[smem:$0x3FB9] =	sst s10  }
0x35: {  	s10 =	sld [smem:$0x3FB8];
	_ =	sdelay $0x3  }
0x36: {  	p1 =	seq.s32 s10, $0x1;
	s10 =	sld [smem:$0x3FB9];
	_ =	sdelay $0x3  }
0x37: {  	[smem:$0x3FB9] =	sst s10  }
0x38: {  	s10 =	sld [smem:$0x3FBA]  }
0x39: {  	_ = 	snop;
	(pc) =	sbr.ind lr, $3  }
0x3a: {  	_ = 	snop  }
0x3b: {  	_ = 	snop  }
0x3c: {  	p2 =	seq.s32 s10, $0x1;
	s10 =	sld [smem:$0x3FB9]  }
0x3d: {  	_ =	shalt  }
0x3e: {  	_ =	shalt  }
0x3f: {  	_ =	shalt  }
0x40: {  	_ =	shalt  }
0x41: {  	_ =	shalt  }
0x42: {  	_ =	shalt  }
0x43: {  	_ =	shalt  }
0x44: {  	_ =	shalt  }
0x45: {  	_ =	shalt  }
0x46: {  	_ =	shalt  }
0x47: {  	_ =	shalt  }
0x48: {  	_ =	shalt  }
0x49: {  	_ =	shalt  }
0x4a: {  	_ =	shalt  }
0x4b: {  	_ =	shalt  }
0x4c: {  	_ =	shalt  }
0x4d: {  	_ =	shalt  }
0x4e: {  	_ =	shalt  }
0x4f: {  	_ =	shalt  }
0x50: {  	_ =	shalt  }
0x51: {  	_ =	shalt  }
0x52: {  	_ =	shalt  }
0x53: {  	_ =	shalt  }
0x54: {  	_ =	shalt  }
0x55: {  	_ =	shalt  }
0x56: {  	_ =	shalt  }
0x57: {  	_ =	shalt  }
0x58: {  	_ =	shalt  }
0x59: {  	_ =	shalt  }
0x5a: {  	_ =	shalt  }
0x5b: {  	_ =	shalt  }
0x5c: {  	_ =	shalt  }
0x5d: {  	_ =	shalt  }
0x5e: {  	_ =	shalt  }
0x5f: {  	_ =	shalt  }
0x60: {  	_ =	shalt  }
0x61: {  	_ =	shalt  }
0x62: {  	_ =	shalt  }
0x63: {  	_ =	shalt  }
0x64: {  	_ =	shalt  }
0x65: {  	_ =	shalt  }
0x66: {  	_ =	shalt  }
0x67: {  	_ =	shalt  }
0x68: {  	_ =	shalt  }
0x69: {  	_ =	shalt  }
0x6a: {  	_ =	shalt  }
0x6b: {  	_ =	shalt  }
0x6c: {  	_ =	shalt  }
0x6d: {  	_ =	shalt  }
0x6e: {  	_ =	shalt  }
0x6f: {  	_ =	shalt  }
0x70: {  	_ =	shalt  }
0x71: {  	_ =	shalt  }
0x72: {  	_ =	shalt  }
0x73: {  	_ =	shalt  }
0x74: {  	_ =	shalt  }
0x75: {  	_ =	shalt  }
0x76: {  	_ =	shalt  }
0x77: {  	_ =	shalt  }
0x78: {  	_ =	shalt  }
0x79: {  	_ =	shalt  }
0x7a: {  	_ =	shalt  }
0x7b: {  	_ =	shalt  }
0x7c: {  	_ =	shalt  }
0x7d: {  	_ =	shalt  }
0x7e: {  	_ =	shalt  }
0x7f: {  	_ =	shalt  }
0x80: {  	_ =	shalt  }
0x81: {  	_ =	shalt  }
0x82: {  	_ =	shalt  }
0x83: {  	_ =	shalt  }
0x84: {  	_ =	shalt  }
0x85: {  	_ =	shalt  }
0x86: {  	_ =	shalt  }
0x87: {  	_ =	shalt  }
.Lfunc_end0:
.L_simem_size_0:
called_computation_lowered:
.L_overlay_start_0:
0x88: {  	s2 =	sld [smem:$0x3FD9]  }
0x89: {  	s3 =	sld [smem:$0x3FFE];
	_ =	sdelay $0x1  }
0x8a: {  	s1 =	srdreg.scid  }
0x8b: {  	s0 =	sand.u32 $0x1, s1  }
0x8c: {  	s17 =	sshll.u32 s0, $0xA;
	s2 =	sadd.s32 s3, s2  }
0x8d: {  	s2 =	sadd.s32 s2, s17  }
0x8e: {  	[smem:$0x3FC5] =	sst s2  }
0x8f: {  	_ = 	snop  }
0x90: {  	s2 =	sld [smem:$0x3FC9]  }
0x91: {  	s18 =	sld [smem:$0x3FD0];
	(tm) =	ssettm $0x1  }
0x92: {  	s4 =	sld [smem:$0x3FFB];
	_ =	sdelay $0x3  }
0x93: {  	_ =	strace s4  }
0x94: {  	s4 =	sld [smem:$0x3FFC];
	_ =	sdelay $0x3  }
0x95: {  	_ =	strace s4  }
0x96: {  	s4 =	sld [smem:$0x3FFD];
	_ =	sdelay $0x3  }
0x97: {  	_ =	strace s4  }
0x98: {  	_ =	strace $0x8FFFFFFF  }
0x99: {  	s19 =	sld [smem:$0x3FDB];
	_ =	sdelay $0x1  }
0x9a: {  	s5 =	simm.s32 $_scs_section_size  }
0x9b: {  	s6 =	simm.s32 $_size__tile_overlayer_lowered;
	s7 =	simm.s32 $_tile_overlayer_lowered  }
0x9c: {  	s22 =	simm.s32 $0x1BFF;
	s21 =	sshll.u32 s7, $0x1;
	s4 =	sadd.s32 s5, s19  }
0x9d: {  	s8 =	simm.s32 $0x0;
	s20 =	sshll.u32 s6, $0x1;
	s6 =	sadd.s32 s21, s4  }
0x9e: {  	[timem:s8], [sflag:s22] =	dma.local [hbm:s6], s20  }
0x9f: {  	_ =	swait.ge [sflag:s22], s20  }
0xa0: {  	s5 =	ssub.s32 $0x0, s20;
	[sflag:s22] =	ssyncset.done $0x0  }
0xa1: {  	[sflag:s22] =	ssyncadd.s32 s5;
	_ =	sdelay $0x1  }
0xa2: {  	s23 =	simm.s32 $0x1B8B  }
0xa3: {  	_ =	swait.ge [sflag:s23], $0x1  }
0xa4: {  	[sflag:s23] =	ssyncset.done $0x0  }
0xa5: {  	s25 =	simm.s32 $0x1B8E;
	s24 =	sld [smem:$0x3FFE];
	[sflag:s23] =	ssyncadd.s32 $0xFFFFFFFF  }
0xa6: {  	s26 =	simm.s32 $execute0_lowered;
	[smem:$0x3FD2] =	sst s25  }
0xa7: {  	s6 =	sshll.u32 s26, $0x1;
	_ =	strace $0x80000046;
	[dreg:$0x1] =	wrdreg $0xFFFFFFFF  }
0xa8: {  	s28 =	simm.s32 $_size_execute0_lowered;
	s4 =	sadd.s32 s4, s6;
	[dreg:$0x0] =	wrdreg $0x0  }
0xa9: {  	s6 =	sshll.u32 s28, $0x1;
	[dreg:$0x2] =	wrdreg s4  }
0xaa: {  	[dreg:$0x3] =	wrdreg s6  }
0xab: {  	[dreg:$0x4] =	wrdreg $0xC0  }
0xac: {  	_ =	task [dreg:s8], $0x5FFFF  }
0xad: {  	[dreg:$0x1] =	wrdreg $0xFFFFFFFF  }
0xae: {  	[dreg:$0x0] =	wrdreg $0x60  }
0xaf: {  	[dreg:$0x2] =	wrdreg s2  }
0xb0: {  	[dreg:$0x3] =	wrdreg s24  }
0xb1: {  	[dreg:$0x4] =	wrdreg s18  }
0xb2: {  	[dreg:$0x5] =	wrdreg $0x9  }
0xb3: {  	_ =	task.clear_ibuf [dreg:s8], $0x6FFFF;
	_ =	strace $0x90000046  }
0xb4: {  	s29 =	simm.s32 $0x9;
	_ =	strace $0x80000048  }
0xb5: {  	_ =	swait.ge [sflag:s29], $0x1  }
0xb6: {  	[sflag:s29] =	ssyncadd.s32 $0xFFFFFFFF  }
0xb7: {  	_ =	strace $0x90000048  }
0xb8: {  	_ =	sfence  }
0xb9: {  	s30 =	sld [smem:$0x0];
	_ =	sdelay $0x2  }
0xba: {  	s31 =	sshll.u32 s1, $0xD;
	s1 =	sshrl.u32 s1, $0x2  }
0xbb: {  	s3 =	sand.u32 $0x4000, s31;
	s1 =	sadd.s32 s1, s30  }
0xbc: {  	s0 =	sor.u32 s3, s0;
	s1 =	sshll.u32 s1, $0x11  }
0xbd: {  	s0 =	sor.u32 s1, s0  }
0xbe: {  	s0 =	sadd.s32 $0x8F2B, s0  }
0xbf: {  	[sflag:s0] =	ssyncadd.remote.s32 $0x1  }
0xc0: {  	_ =	sfence.sel $0xFFFF  }
0xc1: {  	[dreg:$0x0] =	wrdreg $0xFFFFFFFF;
	(pc) =	sbr.abs _section_cstart, $3  }
0xc2: {  	[dreg:$0x1] =	wrdreg $0xFFFFFFFF  }
0xc3: {  	_ =	task.clear_ibuf [dreg:s8], $0x2FFFF;
	_ =	strace $0x9FFFFFFF  }
0xc4: {  	(tm) =	ssettm $0x7FFFFFFF  }
0xc5: {  	_ =	shalt  }
tec
execute0_lowered:
.L_overlay_start_1:
0x0: {  	(tag) =	ssettag $0x1  }
0x1: {  	s0 =	rddreg [dreg:$0x0]  }
0x2: {  	s1 =	rddreg [dreg:$0x1];
	s2 =	simm.s32 $0x0;
	s28 =	srdreg.scid  }
0x3: {  	s4 =	stileid.u32;
	[smem:$0x7FF] =	sst s2  }
0x4: {  	s2 =	sand.u32 $0x1, s28;
	s4 =	sshll.u32 s4, $0xB;
	s5 =	sadd.s32 $0xC00, s1  }
0x5: {  	s1 =	sadd.s32 $0x400, s1;
	s3 =	ssub.s32 $0x2, s2;
	s2 =	sshll.u32 s2, $0xA  }
0x6: {  	_ =	strace $0x80000047;
	[dreg:$0x10] =	wrdreg s5;
	s2 =	sor.u32 s2, s4  }
0x7: {  	v0 =	vlaneseq.u32;
	s29 =	sshrl.u32 s3, $0x1;
	[dreg:$0x11] =	wrdreg s2;
	s2 =	sshrl.u32 s2, $0x3  }
0x8: {  	v0 =	vmul.u32 $0x91, v0;
	[dreg:$0x12] =	wrdreg s1;
	s30 =	ssub.s32 s3, s29;
	s0 =	sadd.s32 s0, s2  }
0x9: {  	s31 =	smax.u32 s30, $0x1;
	[dreg:$0x13] =	wrdreg s0  }
0xa: {  	v1 =	vadd.s32 $0x900, v0;
	v2 =	vadd.s32 $0x1200, v0;
	v3 =	vadd.s32 $0x1B00, v0;
	s2 =	simm.s32 $0x0;
	[dreg:$0x14] =	wrdreg s31  }
.LBB2_1:
0xb: {  	[dreg:$0x15] =	wrdreg s2;
	s0 =	simm.s32 $0x0  }
0xc: {  	s1 =	rddreg [dreg:$0x12];
	s25 =	simm.s32 $0x10800;
	s26 =	simm.s32 $0x4  }
0xd: {  	[tilespmem:s25], [sflag:$0x4] =	stream.linear.gather [hbm4b:s1+s0], $0x3200, $0x38;
	[tilespmem:$0x13A00] =	vst v63  }
0xe: {  	_ =	swait.ge [sflag:s26], $0x3200  }
0xf: {  	s3 =	simm.s32 $0x400;
	[sflag:s26] =	ssyncset.done $0x0  }
0x10: {  	s4 =	simm.s32 $0x8000;
	s28 =	rddreg [dreg:$0x13];
	[sflag:s26] =	ssyncadd.s32 $0xFFFFCE00  }
0x11: {  	[tilespmem:s0], [sflag:$0x4] =	stream.strided.gather [hbm4b:s28+s3], $0x6400, s4, s3, $0x38;
	[tilespmem:$0x13A00] =	vst v63  }
0x12: {  	_ =	swait.ge [sflag:s26], $0x6400  }
0x13: {  	s30 =	simm.s32 $0x80;
	s31 =	simm.s32 $0x6400;
	[sflag:s26] =	ssyncset.done $0x0  }
0x14: {  	s10 =	simm.s32 $0x0;
	s29 =	rddreg [dreg:$0x10];
	[sflag:s26] =	ssyncadd.s32 $0xFFFF9C00  }
0x15: {  	[tilespmem:s31], [sflag:$0x1] =	stream.indirect.gather [hbm4b:s29+s30], $0x40, s0, s30, $0xb8;
	[tilespmem:$0x13A00] =	vst v63  }
.LBB2_2:
0x16: {  	s1 =	simm.s32 $0x1;
	s0 =	sshll.u32 s10, $0x8;
	s2 =	simm.s32 $0x80  }
0x17: {  	s3 =	simm.s32 $0x8400;
	p0 =	seq.s32 s10, $0x0;
	_ =	swait.ge [sflag:s1], $0x2000  }
0x18: {  	[dreg:$0x17] =	wrdreg s0;
	s0 =	sand.u32 $0x7F00, s0;
	[sflag:s1] =	ssyncset.done $0x0  }
0x19: {  	s0 =	sor.u32 $0x80, s0;
	s16 =	rddreg [dreg:$0x10];
	[sflag:s1] =	ssyncadd.s32 $0xFFFFE000  }
0x1a: {  	[tilespmem:s3], [sflag:$0x1] =	stream.indirect.gather [hbm4b:s16+s2], $0x40, s0, s2, $0xb8;
	[tilespmem:$0x13A00] =	vst v63  }
0x1b: {  	s0 =	simm.s32 @!p0 $0x2  }
0x1c: {  	_ =	swait.ge @!p0 [sflag:s0], $0x2000  }
0x1d: {  	s17 =	sshll.u32 s10, $0x7;
	[sflag:s0] =	ssyncset.done @!p0 $0x0  }
0x1e: {  	s18 =	sand.u32 $0x3FFFFF80, s17;
	[sflag:s0] =	ssyncadd.s32 @!p0 $0xFFFFE000  }
0x1f: {  	s28 =	simm.s32 $0x6480;
	v7 =	vld [tilespmem:s18+$0x10800]  }
0x20: {  	v4 =	vld [tilespmem:s28+$0xFFFFFF80]  }
0x21: {  	s19 =	simm.s32 $0x0  }
0x22: {  	v8 =	vadd.s32 s19, v0;
	_ =	sdelay $0x2  }
0x23: {  	v6 =	vld [tilespmem:s18+$0x10810];
	v9 =	vadd.f32 v4, v7  }
0x24: {  	s22 =	simm.s32 $0xA400;
	v5 =	vld [tilespmem:s18+$0x10820]  }
0x25: {  	v4 =	vld [tilespmem:s18+$0x10830];
	[tilespmem:v8+s22+$0x0] =	vst.idx.msk $0xffff, v9  }
0x26: {  	v8 =	vld [tilespmem:s28+$0xFFFFFF90];
	_ =	sdelay $0x1  }
0x27: {  	v9 =	vadd.s32 s19, v1;
	_ =	sdelay $0x2  }
0x28: {  	v8 =	vadd.f32 v8, v6  }
0x29: {  	s7 =	simm.s32 $0x6580  }
0x2a: {  	[tilespmem:v9+s22+$0x0] =	vst.idx.msk $0xffff, v8;
	v8 =	vld [tilespmem:s7+$0xFFFFFF80]  }
0x2b: {  	s20 =	simm.s32 $0x4;
	v9 =	vld [tilespmem:s28+$0xFFFFFFA0]  }
0x2c: {  	v10 =	vadd.s32 s20, v0  }
0x2d: {  	v11 =	vadd.s32 s19, v2;
	_ =	sdelay $0x1  }
0x2e: {  	v8 =	vadd.f32 v8, v7  }
0x2f: {  	v9 =	vadd.f32 v9, v5  }
0x30: {  	[tilespmem:v10+s22+$0x0] =	vst.idx.msk $0xffff, v8  }
0x31: {  	v8 =	vld [tilespmem:s7+$0xFFFFFF90];
	[tilespmem:v11+s22+$0x0] =	vst.idx.msk $0xffff, v9  }
0x32: {  	v9 =	vld [tilespmem:s28+$0xFFFFFFB0]  }
0x33: {  	v10 =	vadd.s32 s20, v1  }
0x34: {  	v11 =	vadd.s32 s19, v3;
	_ =	sdelay $0x1  }
0x35: {  	v8 =	vadd.f32 v8, v6  }
0x36: {  	s11 =	simm.s32 $0x6680;
	v9 =	vadd.f32 v9, v4  }
0x37: {  	[tilespmem:v10+s22+$0x0] =	vst.idx.msk $0xffff, v8;
	v8 =	vld [tilespmem:s11+$0xFFFFFF80]  }
0x38: {  	s21 =	simm.s32 $0x8;
	[tilespmem:v11+s22+$0x0] =	vst.idx.msk $0xffff, v9;
	v9 =	vld [tilespmem:s7+$0xFFFFFFA0]  }
0x39: {  	v10 =	vadd.s32 s21, v0;
	v11 =	vld [tilespmem:s28+$0xFFFFFFC0]  }
0x3a: {  	s23 =	simm.s32 $0x1;
	v12 =	vadd.s32 s20, v2  }
0x3b: {  	v13 =	vadd.s32 s23, v0  }
0x3c: {  	v8 =	vadd.f32 v8, v7  }
0x3d: {  	v9 =	vadd.f32 v9, v5  }
0x3e: {  	[tilespmem:v10+s22+$0x0] =	vst.idx.msk $0xffff, v8;
	v8 =	vadd.f32 v11, v7  }
0x3f: {  	v10 =	vld [tilespmem:s11+$0xFFFFFF90];
	[tilespmem:v12+s22+$0x0] =	vst.idx.msk $0xffff, v9  }
0x40: {  	v9 =	vld [tilespmem:s7+$0xFFFFFFB0];
	[tilespmem:v13+s22+$0x0] =	vst.idx.msk $0xffff, v8  }
0x41: {  	v8 =	vadd.s32 s21, v1;
	v11 =	vld [tilespmem:s28+$0xFFFFFFD0]  }
0x42: {  	v12 =	vadd.s32 s20, v3  }
0x43: {  	v13 =	vadd.s32 s23, v1  }
0x44: {  	v10 =	vadd.f32 v10, v6  }
0x45: {  	s14 =	simm.s32 $0x6780;
	v9 =	vadd.f32 v9, v4  }
0x46: {  	[tilespmem:v8+s22+$0x0] =	vst.idx.msk $0xffff, v10;
	v8 =	vadd.f32 v11, v6;
	v10 =	vld [tilespmem:s14+$0xFFFFFF80]  }
0x47: {  	s4 =	simm.s32 $0xC;
	[tilespmem:v12+s22+$0x0] =	vst.idx.msk $0xffff, v9;
	v9 =	vld [tilespmem:s11+$0xFFFFFFA0]  }
0x48: {  	[tilespmem:v13+s22+$0x0] =	vst.idx.msk $0xffff, v8;
	v8 =	vadd.s32 s4, v0;
	v11 =	vld [tilespmem:s7+$0xFFFFFFC0]  }
0x49: {  	s24 =	simm.s32 $0x5;
	v12 =	vadd.s32 s21, v2;
	v13 =	vld [tilespmem:s28+$0xFFFFFFE0]  }
0x4a: {  	v14 =	vadd.s32 s24, v0  }
0x4b: {  	v15 =	vadd.s32 s23, v2;
	v10 =	vadd.f32 v10, v7  }
0x4c: {  	v9 =	vadd.f32 v9, v5  }
0x4d: {  	[tilespmem:v8+s22+$0x0] =	vst.idx.msk $0xffff, v10;
	v8 =	vadd.f32 v11, v7  }
0x4e: {  	[tilespmem:v12+s22+$0x0] =	vst.idx.msk $0xffff, v9;
	v9 =	vadd.f32 v13, v5  }
0x4f: {  	v10 =	vld [tilespmem:s14+$0xFFFFFF90];
	[tilespmem:v14+s22+$0x0] =	vst.idx.msk $0xffff, v8  }
0x50: {  	s25 =	simm.s32 $0x8;
	v11 =	vld [tilespmem:s11+$0xFFFFFFB0];
	[tilespmem:v15+s22+$0x0] =	vst.idx.msk $0xffff, v9  }
0x51: {  	v8 =	vadd.s32 s4, v1;
	v12 =	vld [tilespmem:s7+$0xFFFFFFD0];
	[dreg:$0x4] =	wrdreg s25  }
0x52: {  	v9 =	vadd.s32 s21, v3;
	v13 =	vld [tilespmem:s28+$0xFFFFFFF0]  }
0x53: {  	v14 =	vadd.s32 s24, v1  }
0x54: {  	v15 =	vadd.s32 s23, v3;
	v10 =	vadd.f32 v10, v6  }
0x55: {  	s6 =	simm.s32 $0x6880;
	v11 =	vadd.f32 v11, v4  }
0x56: {  	[tilespmem:v8+s22+$0x0] =	vst.idx.msk $0xffff, v10;
	v8 =	vadd.f32 v12, v6;
	v10 =	vld [tilespmem:s6+$0xFFFFFF80]  }
0x57: {  	s12 =	simm.s32 $0x10;
	[tilespmem:v9+s22+$0x0] =	vst.idx.msk $0xffff, v11;
	v11 =	vld [tilespmem:s14+$0xFFFFFFA0];
	v9 =	vadd.f32 v13, v4  }
0x58: {  	[tilespmem:v14+s22+$0x0] =	vst.idx.msk $0xffff, v8;
	v8 =	vadd.s32 s12, v0;
	v12 =	vld [tilespmem:s11+$0xFFFFFFC0]  }
0x59: {  	s5 =	simm.s32 $0x9;
	v13 =	vld [tilespmem:s7+$0xFFFFFFE0];
	[tilespmem:v15+s22+$0x0] =	vst.idx.msk $0xffff, v9;
	v9 =	vadd.s32 s4, v2  }
0x5a: {  	v14 =	vadd.s32 s5, v0  }
0x5b: {  	v16 =	vadd.s32 s24, v2;
	v15 =	vld [tilespmem:s28+$0x0];
	v10 =	vadd.f32 v10, v7  }
0x5c: {  	s26 =	simm.s32 $0x2;
	v11 =	vadd.f32 v11, v5  }
0x5d: {  	v17 =	vadd.s32 s26, v0;
	[tilespmem:v8+s22+$0x0] =	vst.idx.msk $0xffff, v10;
	v8 =	vadd.f32 v12, v7  }
0x5e: {  	[tilespmem:v9+s22+$0x0] =	vst.idx.msk $0xffff, v11;
	v9 =	vadd.f32 v13, v5  }
0x5f: {  	v10 =	vld [tilespmem:s6+$0xFFFFFF90];
	[tilespmem:v14+s22+$0x0] =	vst.idx.msk $0xffff, v8  }
0x60: {  	s8 =	simm.s32 $0xC;
	v11 =	vld [tilespmem:s14+$0xFFFFFFB0];
	v8 =	vadd.f32 v15, v7;
	[tilespmem:v16+s22+$0x0] =	vst.idx.msk $0xffff, v9  }
0x61: {  	v12 =	vadd.s32 s12, v1;
	v13 =	vld [tilespmem:s11+$0xFFFFFFD0];
	[dreg:$0x6] =	wrdreg s8  }
0x62: {  	v9 =	vadd.s32 s4, v3;
	v14 =	vld [tilespmem:s7+$0xFFFFFFF0];
	[tilespmem:v17+s22+$0x0] =	vst.idx.msk $0xffff, v8  }
0x63: {  	v8 =	vadd.s32 s5, v1;
	v15 =	vld [tilespmem:s28+$0x10]  }
0x64: {  	v16 =	vadd.s32 s24, v3;
	v10 =	vadd.f32 v10, v6  }
0x65: {  	s8 =	simm.s32 $0x6980;
	v17 =	vadd.s32 s26, v1;
	v11 =	vadd.f32 v11, v4  }
0x66: {  	[tilespmem:v12+s22+$0x0] =	vst.idx.msk $0xffff, v10;
	v10 =	vadd.f32 v13, v6;
	v12 =	vld [tilespmem:s8+$0xFFFFFF80]  }
0x67: {  	s9 =	simm.s32 $0x14;
	[tilespmem:v9+s22+$0x0] =	vst.idx.msk $0xffff, v11;
	v11 =	vld [tilespmem:s6+$0xFFFFFFA0];
	v9 =	vadd.f32 v14, v4  }
0x68: {  	[tilespmem:v8+s22+$0x0] =	vst.idx.msk $0xffff, v10;
	v10 =	vadd.s32 s9, v0;
	v13 =	vld [tilespmem:s14+$0xFFFFFFC0];
	v8 =	vadd.f32 v15, v6  }
0x69: {  	s13 =	simm.s32 $0xD;
	v14 =	vld [tilespmem:s11+$0xFFFFFFE0];
	[tilespmem:v16+s22+$0x0] =	vst.idx.msk $0xffff, v9;
	v9 =	vadd.s32 s12, v2  }
0x6a: {  	[tilespmem:v17+s22+$0x0] =	vst.idx.msk $0xffff, v8;
	v8 =	vadd.s32 s13, v0  }
0x6b: {  	v12 =	vadd.f32 v12, v7;
	v16 =	vadd.s32 s5, v2;
	v15 =	vld [tilespmem:s7+$0x0]  }
0x6c: {  	s17 =	simm.s32 $0x6;
	v17 =	vld [tilespmem:s28+$0x20];
	v11 =	vadd.f32 v11, v5  }
0x6d: {  	v18 =	vadd.s32 s17, v0;
	[tilespmem:v10+s22+$0x0] =	vst.idx.msk $0xffff, v12;
	v10 =	vadd.f32 v13, v7  }
0x6e: {  	v12 =	vadd.s32 s26, v2;
	[tilespmem:v9+s22+$0x0] =	vst.idx.msk $0xffff, v11;
	v9 =	vadd.f32 v14, v5  }
0x6f: {  	v13 =	vld [tilespmem:s8+$0xFFFFFF90];
	[tilespmem:v8+s22+$0x0] =	vst.idx.msk $0xffff, v10  }
0x70: {  	s18 =	simm.s32 $0x10;
	v11 =	vld [tilespmem:s6+$0xFFFFFFB0];
	v8 =	vadd.f32 v15, v7;
	[tilespmem:v16+s22+$0x0] =	vst.idx.msk $0xffff, v9  }
0x71: {  	v10 =	vadd.s32 s9, v1;
	v14 =	vld [tilespmem:s14+$0xFFFFFFD0];
	v9 =	vadd.f32 v17, v5;
	[dreg:$0x8] =	wrdreg s18  }
0x72: {  	v15 =	vadd.s32 s12, v3;
	v16 =	vld [tilespmem:s11+$0xFFFFFFF0];
	[tilespmem:v18+s22+$0x0] =	vst.idx.msk $0xffff, v8  }
0x73: {  	v8 =	vadd.s32 s13, v1;
	[tilespmem:v12+s22+$0x0] =	vst.idx.msk $0xffff, v9;
	v17 =	vld [tilespmem:s7+$0x10]  }
0x74: {  	v9 =	vadd.f32 v13, v6;
	v12 =	vadd.s32 s5, v3;
	v13 =	vld [tilespmem:s28+$0x30]  }
0x75: {  	s19 =	simm.s32 $0x6A80;
	v18 =	vadd.s32 s17, v1;
	v11 =	vadd.f32 v11, v4  }
0x76: {  	[tilespmem:v10+s22+$0x0] =	vst.idx.msk $0xffff, v9;
	v10 =	vadd.s32 s26, v3;
	v9 =	vadd.f32 v14, v6;
	v14 =	vld [tilespmem:s19+$0xFFFFFF80]  }
0x77: {  	s18 =	simm.s32 $0x18;
	[tilespmem:v15+s22+$0x0] =	vst.idx.msk $0xffff, v11;
	v15 =	vld [tilespmem:s8+$0xFFFFFFA0];
	v11 =	vadd.f32 v16, v4  }
0x78: {  	[tilespmem:v8+s22+$0x0] =	vst.idx.msk $0xffff, v9;
	v9 =	vadd.s32 s18, v0;
	v16 =	vld [tilespmem:s6+$0xFFFFFFC0];
	v8 =	vadd.f32 v17, v6  }
0x79: {  	s15 =	simm.s32 $0x11;
	[tilespmem:v12+s22+$0x0] =	vst.idx.msk $0xffff, v11;
	v11 =	vadd.f32 v13, v4;
	v12 =	vadd.s32 s9, v2  }
0x7a: {  	v13 =	vld [tilespmem:s14+$0xFFFFFFE0];
	[tilespmem:v18+s22+$0x0] =	vst.idx.msk $0xffff, v8;
	v8 =	vadd.s32 s15, v0  }
0x7b: {  	v17 =	vld [tilespmem:s11+$0x0];
	[tilespmem:v10+s22+$0x0] =	vst.idx.msk $0xffff, v11;
	v10 =	vadd.f32 v14, v7  }
0x7c: {  	s5 =	simm.s32 $0xA;
	v11 =	vadd.s32 s13, v2;
	v14 =	vld [tilespmem:s7+$0x20];
	v15 =	vadd.f32 v15, v5  }
0x7d: {  	v18 =	vadd.s32 s5, v0;
	v19 =	vld [tilespmem:s28+$0x40];
	[tilespmem:v9+s22+$0x0] =	vst.idx.msk $0xffff, v10;
	v9 =	vadd.f32 v16, v7  }
0x7e: {  	s20 =	simm.s32 $0x3;
	v10 =	vadd.s32 s17, v2;
	v16 =	vld [tilespmem:s19+$0xFFFFFF90];
	[tilespmem:v12+s22+$0x0] =	vst.idx.msk $0xffff, v15  }
0x7f: {  	v12 =	vadd.f32 v13, v5;
	v13 =	vadd.s32 s20, v0;
	v15 =	vld [tilespmem:s8+$0xFFFFFFB0];
	[tilespmem:v8+s22+$0x0] =	vst.idx.msk $0xffff, v9  }
0x80: {  	v8 =	vadd.f32 v17, v7;
	v9 =	vadd.s32 s18, v1;
	v17 =	vld [tilespmem:s6+$0xFFFFFFD0]  }
0x81: {  	s23 =	simm.s32 $0x6B80;
	[tilespmem:v11+s22+$0x0] =	vst.idx.msk $0xffff, v12;
	v11 =	vadd.f32 v14, v5;
	v12 =	vadd.s32 s9, v3  }
0x82: {  	v20 =	vld [tilespmem:s23+$0xFFFFFF80];
	[tilespmem:v18+s22+$0x0] =	vst.idx.msk $0xffff, v8;
	v8 =	vadd.f32 v19, v7;
	v18 =	vadd.s32 s15, v1  }
0x83: {  	v14 =	vld [tilespmem:s14+$0xFFFFFFF0];
	[tilespmem:v10+s22+$0x0] =	vst.idx.msk $0xffff, v11;
	v10 =	vadd.f32 v16, v6  }
0x84: {  	v19 =	vld [tilespmem:s11+$0x10];
	[tilespmem:v13+s22+$0x0] =	vst.idx.msk $0xffff, v8;
	v8 =	vadd.f32 v15, v4  }
0x85: {  	v11 =	vadd.s32 s13, v3;
	v16 =	vld [tilespmem:s7+$0x30];
	[tilespmem:v9+s22+$0x0] =	vst.idx.msk $0xffff, v10;
	v9 =	vadd.f32 v17, v6  }
0x86: {  	v13 =	vadd.s32 s5, v1;
	v15 =	vld [tilespmem:s28+$0x50];
	[tilespmem:v12+s22+$0x0] =	vst.idx.msk $0xffff, v8  }
0x87: {  	v10 =	vadd.s32 s17, v3;
	v22 =	vld [tilespmem:s19+$0xFFFFFFA0];
	[tilespmem:v18+s22+$0x0] =	vst.idx.msk $0xffff, v9  }
0x88: {  	v21 =	vadd.s32 s20, v1;
	s21 =	sshll.u32 s10, $0x1;
	s9 =	simm.s32 $0x1C;
	v8 =	vadd.f32 v14, v4;
	v23 =	vld [tilespmem:s8+$0xFFFFFFC0];
	[dreg:$0x16] =	wrdreg s10  }
0x89: {  	s30 =	simm.s32 $0x6580;
	v9 =	vadd.f32 v19, v6;
	v18 =	vadd.s32 s9, v0;
	[dreg:$0x19] =	wrdreg s21  }
0x8a: {  	s31 =	simm.s32 $0xA400;
	s29 =	simm.s32 $0x6B80;
	s16 =	simm.s32 $0x14;
	[tilespmem:v11+s22+$0x0] =	vst.idx.msk $0xffff, v8;
	v8 =	vadd.f32 v16, v4  }
0x8b: {  	s2 =	simm.s32 $0x6980;
	s0 =	simm.s32 $0x6880;
	s25 =	simm.s32 $0x20;
	[tilespmem:v13+s22+$0x0] =	vst.idx.msk $0xffff, v9;
	v9 =	vadd.f32 v15, v6  }
0x8c: {  	s24 =	simm.s32 $0x15;
	s4 =	simm.s32 $0xE;
	s26 =	simm.s32 $0x6A80;
	v14 =	vld [tilespmem:s6+$0xFFFFFFE0];
	[tilespmem:v10+s22+$0x0] =	vst.idx.msk $0xffff, v8;
	v8 =	vadd.f32 v20, v7  }
0x8d: {  	s20 =	simm.s32 $0xA400;
	s13 =	simm.s32 $0x3;
	s17 =	simm.s32 $0xA400;
	v12 =	vld [tilespmem:s14+$0x0];
	[tilespmem:v21+s22+$0x0] =	vst.idx.msk $0xffff, v9  }
0x8e: {  	v17 =	vadd.s32 s18, v2;
	s19 =	simm.s32 $0xA400;
	s10 =	simm.s32 $0xA400;
	v10 =	vld [tilespmem:s11+$0x20];
	[tilespmem:v18+s22+$0x0] =	vst.idx.msk $0xffff, v8;
	s22 =	simm.s32 $0x6480  }
0x8f: {  	s21 =	simm.s32 $0xA400;
	s6 =	simm.s32 $0x6780;
	v16 =	vadd.s32 s24, v0;
	v15 =	vadd.s32 s15, v2;
	v13 =	vadd.s32 s4, v0;
	v9 =	vld [tilespmem:s7+$0x40];
	[dreg:$0xa] =	wrdreg s22  }
0x90: {  	v11 =	vadd.s32 s5, v2;
	s14 =	simm.s32 $0x6680;
	s11 =	simm.s32 $0x7;
	v19 =	vadd.f32 v22, v5;
	v18 =	vadd.f32 v23, v7;
	v8 =	vld [tilespmem:s28+$0x60];
	s28 =	simm.s32 $0xA400  }
.LBB2_3:
0x91: {  	_ =	sdelay $0x1  }
0x92: {  	v20 =	vld [tilespmem:s23+$0xFFFFFF90];
	v14 =	vadd.f32 v14, v5;
	s22 =	smov.u32 s10;
	[tilespmem:v17+s19+$0x0] =	vst.idx.msk $0xffff, v19;
	v17 =	vadd.s32 s11, v0  }
0x93: {  	s10 =	smov.u32 s17;
	v12 =	vadd.f32 v12, v7;
	s17 =	smov.u32 s21;
	s21 =	smov.u32 s31;
	v19 =	vld [tilespmem:s26+$0xFFFFFFB0];
	[tilespmem:v16+s20+$0x0] =	vst.idx.msk $0xffff, v18;
	v16 =	vadd.s32 s13, v2  }
0x94: {  	p1 =	slt.u32 s25, $0x7C;
	s3 =	simm.s32 $0xA400;
	s7 =	rddreg [dreg:$0x4];
	v10 =	vadd.f32 v10, v5;
	v18 =	vadd.s32 s9, v1;
	v21 =	vld [tilespmem:s2+$0xFFFFFFD0];
	[tilespmem:v15+s21+$0x0] =	vst.idx.msk $0xffff, v14  }
0x95: {  	s1 =	smov.u32 s20;
	s31 =	rddreg [dreg:$0x6];
	s12 =	smov.u32 s3;
	v9 =	vadd.f32 v9, v7;
	v15 =	vld [tilespmem:s0+$0xFFFFFFF0];
	[tilespmem:v13+s17+$0x0] =	vst.idx.msk $0xffff, v12  }
0x96: {  	s8 =	smov.u32 s7;
	s3 =	smov.u32 s31;
	s7 =	rddreg [dreg:$0x8];
	v14 =	vadd.s32 s18, v3;
	v8 =	vadd.f32 v8, v5;
	v13 =	vld [tilespmem:s6+$0x10];
	[tilespmem:v11+s10+$0x0] =	vst.idx.msk $0xffff, v10  }
0x97: {  	s23 =	sadd.s32 $0x100, s23;
	s20 =	smov.u32 s19;
	[dreg:$0x4] =	wrdreg s3;
	v12 =	vadd.s32 s24, v1;
	v10 =	vadd.f32 v20, v6;
	v20 =	vld [tilespmem:s14+$0x30];
	[tilespmem:v17+s22+$0x0] =	vst.idx.msk $0xffff, v9  }
0x98: {  	s31 =	smov.u32 s7;
	s19 =	smov.u32 s16;
	s3 =	smov.u32 s18;
	v11 =	vadd.s32 s15, v3;
	v22 =	vld [tilespmem:s30+$0x50];
	[tilespmem:v16+s28+$0x0] =	vst.idx.msk $0xffff, v8  }
0x99: {  	v23 =	vadd.s32 s11, v1;
	s7 =	smov.u32 s30;
	s15 =	smov.u32 s24;
	s24 =	rddreg [dreg:$0xa];
	v9 =	vadd.f32 v19, v4;
	v19 =	vadd.s32 s4, v1;
	[tilespmem:v18+s12+$0x0] =	vst.idx.msk $0xffff, v10  }
0x9a: {  	v25 =	vadd.s32 s13, v3;
	s13 =	smov.u32 s11;
	s11 =	sadd.s32 $0x3, s8;
	[dreg:$0x8] =	wrdreg s19;
	v8 =	vadd.f32 v21, v6;
	v10 =	vadd.s32 s5, v3;
	v18 =	vld [tilespmem:s24+$0x70]  }
0x9b: {  	s18 =	smov.u32 s9;
	s9 =	smov.u32 s25;
	s19 =	smov.u32 s28;
	v63 =	vld [tilespmem:s23+$0xFFFFFF80];
	[tilespmem:v14+s20+$0x0] =	vst.idx.msk $0xffff, v9;
	v9 =	vadd.f32 v15, v4  }
0x9c: {  	s16 =	smov.u32 s3;
	[dreg:$0x6] =	wrdreg s31;
	s5 =	smov.u32 s26;
	v24 =	vld [tilespmem:s29+$0xFFFFFFA0];
	[tilespmem:v12+s1+$0x0] =	vst.idx.msk $0xffff, v8;
	v8 =	vadd.f32 v13, v6  }
0x9d: {  	v26 =	vadd.s32 s25, v0;
	s25 =	sadd.s32 $0x4, s25;
	s30 =	smov.u32 s6;
	s6 =	smov.u32 s2;
	v27 =	vld [tilespmem:s5+$0xFFFFFFC0];
	[tilespmem:v11+s21+$0x0] =	vst.idx.msk $0xffff, v9;
	v9 =	vadd.f32 v20, v4  }
0x9e: {  	[dreg:$0xa] =	wrdreg s7;
	s28 =	smov.u32 s14;
	s14 =	smov.u32 s0;
	v14 =	vld [tilespmem:s6+$0xFFFFFFE0];
	[tilespmem:v19+s17+$0x0] =	vst.idx.msk $0xffff, v8;
	v8 =	vadd.f32 v22, v6  }
.Ltmp0:
0x9f: {  	s26 =	smov.u32 s29;
	s0 =	smov.u32 s6;
	v12 =	vld [tilespmem:s14+$0x0];
	[tilespmem:v10+s10+$0x0] =	vst.idx.msk $0xffff, v9;
	v11 =	vadd.f32 v18, v4;
	(pc) =	sbr.rel @p1 .LBB2_3-.Ltmp0, $4  }
0xa0: {  	s2 =	smov.u32 s5;
	s24 =	sadd.s32 $0x1, s3;
	s5 =	smov.u32 s4;
	v18 =	vadd.f32 v63, v7;
	v10 =	vld [tilespmem:s30+$0x20];
	[tilespmem:v23+s22+$0x0] =	vst.idx.msk $0xffff, v8  }
0xa1: {  	v17 =	vadd.s32 s18, v2;
	s4 =	sadd.s32 $0x2, s31;
	v9 =	vld [tilespmem:s28+$0x40];
	[tilespmem:v25+s19+$0x0] =	vst.idx.msk $0xffff, v11;
	s19 =	smov.u32 s12;
	s12 =	simm.s32 $0xA400  }
0xa2: {  	v15 =	vadd.s32 s15, v2;
	s29 =	smov.u32 s23;
	v16 =	vadd.s32 s24, v0;
	s31 =	smov.u32 s1;
	s6 =	smov.u32 s14;
	v13 =	vadd.s32 s4, v0;
	[tilespmem:v26+s12+$0x0] =	vst.idx.msk $0xffff, v18  }
0xa3: {  	s14 =	smov.u32 s30;
	s30 =	smov.u32 s28;
	v19 =	vadd.f32 v24, v5;
	s28 =	smov.u32 s22;
	v11 =	vadd.s32 s5, v2;
	v18 =	vadd.f32 v27, v7;
	v8 =	vld [tilespmem:s7+$0x60]  }
0xa4: {  	v20 =	vld [tilespmem:s23+$0xFFFFFF90];
	_ =	sdelay $0x1  }
0xa5: {  	v21 =	vadd.s32 s9, v1;
	_ =	sdelay $0x2  }
0xa6: {  	v20 =	vadd.f32 v20, v6  }
0xa7: {  	s25 =	simm.s32 $0xA400  }
0xa8: {  	[tilespmem:v21+s25+$0x0] =	vst.idx.msk $0xffff, v20  }
0xa9: {  	v20 =	vld [tilespmem:s29+$0xFFFFFFA0];
	_ =	sdelay $0x1  }
0xaa: {  	v51 =	vadd.s32 s9, v2  }
0xab: {  	[tilespmem:v17+s19+$0x0] =	vst.idx.msk $0xffff, v19  }
0xac: {  	v17 =	vld [tilespmem:s26+$0xFFFFFFB0]  }
0xad: {  	v20 =	vadd.f32 v20, v5  }
0xae: {  	v53 =	vadd.s32 s18, v3  }
0xaf: {  	[tilespmem:v51+s25+$0x0] =	vst.idx.msk $0xffff, v20  }
0xb0: {  	v52 =	vld [tilespmem:s29+$0xFFFFFFB0]  }
0xb1: {  	v17 =	vadd.f32 v17, v4  }
0xb2: {  	v54 =	vadd.s32 s9, v3  }
0xb3: {  	[tilespmem:v53+s19+$0x0] =	vst.idx.msk $0xffff, v17  }
0xb4: {  	v17 =	vld [tilespmem:s26+$0xFFFFFFC0]  }
0xb5: {  	s22 =	sadd.s32 $0x1, s18;
	v19 =	vadd.f32 v52, v4  }
0xb6: {  	v55 =	vadd.s32 s22, v0  }
0xb7: {  	[tilespmem:v54+s25+$0x0] =	vst.idx.msk $0xffff, v19  }
0xb8: {  	v19 =	vld [tilespmem:s29+$0xFFFFFFC0]  }
0xb9: {  	s12 =	sadd.s32 $0x1, s9;
	v17 =	vadd.f32 v17, v7  }
0xba: {  	v56 =	vadd.s32 s12, v0;
	[tilespmem:v16+s20+$0x0] =	vst.idx.msk $0xffff, v18  }
0xbb: {  	v18 =	vld [tilespmem:s2+$0xFFFFFFD0];
	[tilespmem:v55+s19+$0x0] =	vst.idx.msk $0xffff, v17  }
0xbc: {  	v17 =	vld [tilespmem:s26+$0xFFFFFFD0]  }
0xbd: {  	v58 =	vadd.s32 s24, v1;
	v57 =	vadd.f32 v19, v7  }
0xbe: {  	v60 =	vadd.s32 s22, v1  }
0xbf: {  	[tilespmem:v56+s25+$0x0] =	vst.idx.msk $0xffff, v57  }
0xc0: {  	v18 =	vadd.f32 v18, v6;
	v59 =	vld [tilespmem:s29+$0xFFFFFFD0]  }
0xc1: {  	v17 =	vadd.f32 v17, v6  }
0xc2: {  	v61 =	vadd.s32 s12, v1;
	[tilespmem:v58+s20+$0x0] =	vst.idx.msk $0xffff, v18  }
0xc3: {  	v18 =	vld [tilespmem:s2+$0xFFFFFFE0];
	[tilespmem:v60+s19+$0x0] =	vst.idx.msk $0xffff, v17  }
0xc4: {  	v17 =	vld [tilespmem:s26+$0xFFFFFFE0]  }
0xc5: {  	v63 =	vadd.s32 s24, v2;
	v62 =	vadd.f32 v59, v6  }
0xc6: {  	v25 =	vadd.s32 s22, v2  }
0xc7: {  	v14 =	vadd.f32 v14, v5;
	[tilespmem:v61+s25+$0x0] =	vst.idx.msk $0xffff, v62  }
0xc8: {  	v18 =	vadd.f32 v18, v5;
	v24 =	vld [tilespmem:s29+$0xFFFFFFE0]  }
0xc9: {  	[tilespmem:v15+s31+$0x0] =	vst.idx.msk $0xffff, v14;
	v27 =	vadd.f32 v17, v5  }
0xca: {  	v26 =	vadd.s32 s12, v2;
	v15 =	vld [tilespmem:s0+$0xFFFFFFF0];
	[tilespmem:v63+s20+$0x0] =	vst.idx.msk $0xffff, v18  }
0xcb: {  	v29 =	vld [tilespmem:s2+$0xFFFFFFF0];
	[tilespmem:v25+s19+$0x0] =	vst.idx.msk $0xffff, v27  }
0xcc: {  	v30 =	vadd.s32 s15, v3;
	v31 =	vld [tilespmem:s26+$0xFFFFFFF0]  }
0xcd: {  	v32 =	vadd.s32 s24, v3;
	v28 =	vadd.f32 v24, v5  }
0xce: {  	v34 =	vadd.s32 s22, v3  }
0xcf: {  	v15 =	vadd.f32 v15, v4;
	[tilespmem:v26+s25+$0x0] =	vst.idx.msk $0xffff, v28  }
0xd0: {  	v17 =	vadd.f32 v29, v4;
	v33 =	vld [tilespmem:s29+$0xFFFFFFF0]  }
0xd1: {  	[tilespmem:v30+s31+$0x0] =	vst.idx.msk $0xffff, v15;
	v36 =	vadd.f32 v31, v4  }
0xd2: {  	v35 =	vadd.s32 s12, v3;
	[tilespmem:v32+s20+$0x0] =	vst.idx.msk $0xffff, v17  }
0xd3: {  	[tilespmem:v34+s19+$0x0] =	vst.idx.msk $0xffff, v36  }
0xd4: {  	v15 =	vld [tilespmem:s0+$0x0];
	s1 =	rddreg [dreg:$0x8]  }
0xd5: {  	s15 =	sadd.s32 $0x2, s1;
	v37 =	vadd.f32 v33, v4  }
0xd6: {  	v17 =	vld [tilespmem:s2+$0x0];
	v38 =	vadd.s32 s15, v0  }
0xd7: {  	s23 =	sadd.s32 $0x2, s16;
	v39 =	vld [tilespmem:s26+$0x0];
	[tilespmem:v35+s25+$0x0] =	vst.idx.msk $0xffff, v37  }
0xd8: {  	s3 =	sadd.s32 $0x2, s18;
	v12 =	vadd.f32 v12, v7;
	v40 =	vadd.s32 s23, v0;
	v41 =	vld [tilespmem:s29+$0x0]  }
0xd9: {  	s8 =	sadd.s32 $0x2, s9;
	v42 =	vadd.s32 s3, v0;
	v15 =	vadd.f32 v15, v7  }
0xda: {  	v43 =	vadd.s32 s8, v0;
	[tilespmem:v13+s21+$0x0] =	vst.idx.msk $0xffff, v12  }
0xdb: {  	v44 =	vadd.f32 v17, v7;
	v13 =	vld [tilespmem:s6+$0x10];
	[tilespmem:v38+s31+$0x0] =	vst.idx.msk $0xffff, v15  }
0xdc: {  	v45 =	vadd.f32 v39, v7;
	v15 =	vld [tilespmem:s0+$0x10]  }
0xdd: {  	v47 =	vadd.s32 s4, v1;
	[tilespmem:v40+s20+$0x0] =	vst.idx.msk $0xffff, v44;
	v46 =	vadd.f32 v41, v7  }
0xde: {  	v48 =	vld [tilespmem:s2+$0x10];
	[tilespmem:v42+s19+$0x0] =	vst.idx.msk $0xffff, v45;
	v49 =	vadd.s32 s15, v1  }
0xdf: {  	v50 =	vld [tilespmem:s26+$0x10];
	[tilespmem:v43+s25+$0x0] =	vst.idx.msk $0xffff, v46  }
0xe0: {  	v51 =	vadd.s32 s23, v1;
	v13 =	vadd.f32 v13, v6;
	v52 =	vld [tilespmem:s29+$0x10]  }
0xe1: {  	v53 =	vadd.s32 s3, v1;
	v15 =	vadd.f32 v15, v6  }
0xe2: {  	v54 =	vadd.s32 s8, v1;
	[tilespmem:v47+s21+$0x0] =	vst.idx.msk $0xffff, v13  }
0xe3: {  	v55 =	vadd.f32 v48, v6;
	v16 =	vld [tilespmem:s6+$0x20];
	[tilespmem:v49+s31+$0x0] =	vst.idx.msk $0xffff, v15  }
0xe4: {  	v56 =	vadd.f32 v50, v6;
	v15 =	vld [tilespmem:s0+$0x20]  }
0xe5: {  	v58 =	vadd.s32 s4, v2;
	[tilespmem:v51+s20+$0x0] =	vst.idx.msk $0xffff, v55;
	v57 =	vadd.f32 v52, v6  }
0xe6: {  	v60 =	vadd.s32 s15, v2;
	v59 =	vld [tilespmem:s2+$0x20];
	[tilespmem:v53+s19+$0x0] =	vst.idx.msk $0xffff, v56  }
0xe7: {  	v10 =	vadd.f32 v10, v5;
	v61 =	vld [tilespmem:s26+$0x20];
	[tilespmem:v54+s25+$0x0] =	vst.idx.msk $0xffff, v57  }
0xe8: {  	v62 =	vadd.s32 s23, v2;
	v16 =	vadd.f32 v16, v5;
	v63 =	vld [tilespmem:s29+$0x20]  }
0xe9: {  	v24 =	vadd.s32 s3, v2;
	[tilespmem:v11+s17+$0x0] =	vst.idx.msk $0xffff, v10;
	v25 =	vadd.f32 v15, v5  }
0xea: {  	v26 =	vadd.s32 s8, v2;
	v27 =	vld [tilespmem:s14+$0x30];
	[tilespmem:v58+s21+$0x0] =	vst.idx.msk $0xffff, v16  }
0xeb: {  	v28 =	vadd.f32 v59, v5;
	v16 =	vld [tilespmem:s6+$0x30];
	[tilespmem:v60+s31+$0x0] =	vst.idx.msk $0xffff, v25  }
0xec: {  	v30 =	vadd.s32 s5, v3;
	v29 =	vadd.f32 v61, v5;
	v31 =	vld [tilespmem:s0+$0x30]  }
0xed: {  	v33 =	vadd.s32 s4, v3;
	[tilespmem:v62+s20+$0x0] =	vst.idx.msk $0xffff, v28;
	v32 =	vadd.f32 v63, v5  }
0xee: {  	v35 =	vadd.s32 s15, v3;
	v34 =	vld [tilespmem:s2+$0x30];
	[tilespmem:v24+s19+$0x0] =	vst.idx.msk $0xffff, v29  }
0xef: {  	v38 =	vadd.f32 v27, v4;
	v36 =	vld [tilespmem:s26+$0x30];
	[tilespmem:v26+s25+$0x0] =	vst.idx.msk $0xffff, v32  }
0xf0: {  	v37 =	vadd.s32 s23, v3;
	v16 =	vadd.f32 v16, v4;
	v39 =	vld [tilespmem:s29+$0x30]  }
0xf1: {  	v40 =	vadd.s32 s3, v3;
	[tilespmem:v30+s17+$0x0] =	vst.idx.msk $0xffff, v38;
	v41 =	vadd.f32 v31, v4  }
0xf2: {  	v42 =	vadd.s32 s8, v3;
	[tilespmem:v33+s21+$0x0] =	vst.idx.msk $0xffff, v16  }
0xf3: {  	v45 =	vadd.s32 s11, v0;
	v43 =	vld [tilespmem:s14+$0x40];
	v44 =	vadd.f32 v34, v4;
	s12 =	rddreg [dreg:$0x4];
	[tilespmem:v35+s31+$0x0] =	vst.idx.msk $0xffff, v41  }
0xf4: {  	s7 =	smov.u32 s14;
	v47 =	vadd.f32 v36, v4;
	v46 =	vld [tilespmem:s6+$0x40];
	s14 =	sadd.s32 $0x3, s12;
	s15 =	rddreg [dreg:$0x6]  }
0xf5: {  	v49 =	vld [tilespmem:s0+$0x40];
	[tilespmem:v37+s20+$0x0] =	vst.idx.msk $0xffff, v44;
	v48 =	vadd.s32 s14, v0;
	s4 =	sadd.s32 $0x3, s15;
	v50 =	vadd.f32 v39, v4  }
0xf6: {  	v9 =	vadd.f32 v9, v7;
	s22 =	sadd.s32 $0x3, s1;
	[tilespmem:v40+s19+$0x0] =	vst.idx.msk $0xffff, v47;
	v52 =	vld [tilespmem:s2+$0x40];
	v51 =	vadd.s32 s4, v0  }
0xf7: {  	s23 =	sadd.s32 $0x3, s16;
	v53 =	vadd.s32 s22, v0;
	v20 =	vld [tilespmem:s26+$0x40];
	[tilespmem:v42+s25+$0x0] =	vst.idx.msk $0xffff, v50  }
0xf8: {  	s8 =	sadd.s32 $0x3, s18;
	v55 =	vadd.s32 s23, v0;
	v54 =	vadd.f32 v43, v7;
	[tilespmem:v45+s10+$0x0] =	vst.idx.msk $0xffff, v9;
	v56 =	vld [tilespmem:s29+$0x40]  }
0xf9: {  	v58 =	vadd.s32 s8, v0;
	v57 =	vadd.f32 v46, v7;
	s12 =	sadd.s32 $0x3, s9;
	v59 =	vld [tilespmem:s30+$0x50]  }
0xfa: {  	v61 =	vadd.s32 s12, v0;
	v60 =	vadd.f32 v49, v7;
	[tilespmem:v48+s17+$0x0] =	vst.idx.msk $0xffff, v54  }
0xfb: {  	v24 =	vadd.s32 s11, v1;
	v63 =	vadd.f32 v52, v7;
	v62 =	vld [tilespmem:s7+$0x50];
	[tilespmem:v51+s21+$0x0] =	vst.idx.msk $0xffff, v57  }
0xfc: {  	v39 =	vadd.s32 s13, v2;
	v26 =	vadd.f32 v20, v7;
	[tilespmem:v53+s31+$0x0] =	vst.idx.msk $0xffff, v60;
	v25 =	vld [tilespmem:s6+$0x50]  }
0xfd: {  	v27 =	vadd.s32 s14, v1;
	v28 =	vld [tilespmem:s0+$0x50];
	[tilespmem:v55+s20+$0x0] =	vst.idx.msk $0xffff, v63;
	v7 =	vadd.f32 v56, v7  }
0xfe: {  	v29 =	vadd.s32 s4, v1;
	v30 =	vadd.f32 v59, v6;
	[tilespmem:v58+s19+$0x0] =	vst.idx.msk $0xffff, v26;
	v14 =	vld [tilespmem:s2+$0x50]  }
0xff: {  	v8 =	vadd.f32 v8, v5;
	v31 =	vadd.s32 s22, v1;
	v32 =	vld [tilespmem:s26+$0x50];
	[tilespmem:v61+s25+$0x0] =	vst.idx.msk $0xffff, v7  }
0x100: {  	v33 =	vadd.s32 s23, v1;
	[tilespmem:v24+s10+$0x0] =	vst.idx.msk $0xffff, v30;
	v7 =	vadd.f32 v62, v6;
	v34 =	vld [tilespmem:s29+$0x50]  }
0x101: {  	v36 =	vadd.s32 s8, v1;
	[tilespmem:v39+s28+$0x0] =	vst.idx.msk $0xffff, v8;
	v35 =	vadd.f32 v25, v6  }
0x102: {  	v38 =	vadd.s32 s12, v1;
	v37 =	vld [tilespmem:s30+$0x60];
	[tilespmem:v27+s17+$0x0] =	vst.idx.msk $0xffff, v7;
	v7 =	vadd.f32 v28, v6  }
0x103: {  	v41 =	vadd.f32 v14, v6;
	[tilespmem:v29+s21+$0x0] =	vst.idx.msk $0xffff, v35;
	v40 =	vld [tilespmem:s7+$0x60]  }
0x104: {  	v42 =	vadd.s32 s11, v2;
	v43 =	vld [tilespmem:s6+$0x60];
	[tilespmem:v31+s31+$0x0] =	vst.idx.msk $0xffff, v7;
	v7 =	vadd.f32 v32, v6  }
0x105: {  	v44 =	vadd.s32 s14, v2;
	[tilespmem:v33+s20+$0x0] =	vst.idx.msk $0xffff, v41;
	v45 =	vld [tilespmem:s0+$0x60];
	v6 =	vadd.f32 v34, v6  }
0x106: {  	v46 =	vadd.s32 s4, v2;
	v12 =	vld [tilespmem:s2+$0x60];
	[tilespmem:v36+s19+$0x0] =	vst.idx.msk $0xffff, v7  }
0x107: {  	v47 =	vadd.s32 s22, v2;
	v7 =	vadd.f32 v37, v5;
	v48 =	vld [tilespmem:s26+$0x60];
	[tilespmem:v38+s25+$0x0] =	vst.idx.msk $0xffff, v6  }
0x108: {  	v8 =	vadd.s32 s23, v2;
	v6 =	vadd.f32 v40, v5;
	v11 =	vld [tilespmem:s29+$0x60];
	s24 =	rddreg [dreg:$0xa]  }
0x109: {  	v50 =	vadd.s32 s8, v2;
	[tilespmem:v42+s10+$0x0] =	vst.idx.msk $0xffff, v7;
	v7 =	vadd.f32 v43, v5;
	v49 =	vld [tilespmem:s24+$0x70]  }
0x10a: {  	v52 =	vadd.s32 s12, v2;
	v51 =	vld [tilespmem:s30+$0x70];
	[tilespmem:v44+s17+$0x0] =	vst.idx.msk $0xffff, v6;
	v6 =	vadd.f32 v45, v5  }
0x10b: {  	v53 =	vadd.s32 s13, v3;
	v54 =	vld [tilespmem:s7+$0x70];
	[tilespmem:v46+s21+$0x0] =	vst.idx.msk $0xffff, v7;
	v7 =	vadd.f32 v12, v5  }
0x10c: {  	v55 =	vadd.s32 s11, v3;
	v56 =	vld [tilespmem:s6+$0x70];
	[tilespmem:v47+s31+$0x0] =	vst.idx.msk $0xffff, v6;
	v6 =	vadd.f32 v48, v5  }
0x10d: {  	v57 =	vadd.s32 s14, v3;
	v58 =	vld [tilespmem:s0+$0x70];
	[tilespmem:v8+s20+$0x0] =	vst.idx.msk $0xffff, v7;
	v5 =	vadd.f32 v11, v5  }
0x10e: {  	v8 =	vadd.s32 s4, v3;
	v59 =	vld [tilespmem:s2+$0x70];
	[tilespmem:v50+s19+$0x0] =	vst.idx.msk $0xffff, v6;
	v7 =	vadd.f32 v49, v4  }
0x10f: {  	v60 =	vadd.s32 s22, v3;
	v6 =	vadd.f32 v51, v4;
	v61 =	vld [tilespmem:s26+$0x70];
	[tilespmem:v52+s25+$0x0] =	vst.idx.msk $0xffff, v5  }
0x110: {  	v5 =	vadd.f32 v54, v4;
	[tilespmem:v53+s28+$0x0] =	vst.idx.msk $0xffff, v7;
	v7 =	vadd.s32 s23, v3;
	v16 =	vld [tilespmem:s29+$0x70]  }
0x111: {  	v62 =	vadd.s32 s8, v3;
	[tilespmem:v55+s10+$0x0] =	vst.idx.msk $0xffff, v6;
	v6 =	vadd.f32 v56, v4  }
0x112: {  	v63 =	vadd.s32 s12, v3;
	s29 =	simm.s32 $0x0;
	[tilespmem:v57+s17+$0x0] =	vst.idx.msk $0xffff, v5;
	v5 =	vadd.f32 v58, v4  }
0x113: {  	s26 =	simm.s32 $0x0;
	s3 =	sand.u32 $0x3, s29;
	[tilespmem:v8+s21+$0x0] =	vst.idx.msk $0xffff, v6;
	v6 =	vadd.f32 v59, v4  }
0x114: {  	s0 =	sand.u32 $0x20, s26;
	s1 =	sshll.u32 s3, $0x3;
	[tilespmem:v60+s31+$0x0] =	vst.idx.msk $0xffff, v5;
	v5 =	vadd.f32 v61, v4  }
0x115: {  	s0 =	sor.u32 s1, s0;
	[tilespmem:v7+s20+$0x0] =	vst.idx.msk $0xffff, v6;
	v4 =	vadd.f32 v16, v4  }
0x116: {  	s0 =	sshrl.u32 s0, $0x2;
	[tilespmem:v62+s19+$0x0] =	vst.idx.msk $0xffff, v5  }
0x117: {  	s4 =	sadd.s32 $0xA400, s0;
	[tilespmem:v63+s25+$0x0] =	vst.idx.msk $0xffff, v4  }
0x118: {  	v4 =	vld [tilespmem:s4+$0x0]  }
0x119: {  	s8 =	simm.s32 $0x0  }
0x11a: {  	s10 =	sand.u32 $0x1C00, s8  }
0x11b: {  	s3 =	sand.u32 $0x300, s8;
	s0 =	sadd.s32 $0xC800, s10  }
0x11c: {  	s11 =	sor.u32 s3, s0  }
0x11d: {  	[tilespmem:s11+$0x0] =	vst v4  }
0x11e: {  	v4 =	vld [tilespmem:s4+$0x10];
	_ =	sdelay $0x4  }
0x11f: {  	[tilespmem:s11+$0x10] =	vst v4  }
0x120: {  	v4 =	vld [tilespmem:s4+$0x20];
	_ =	sdelay $0x1  }
0x121: {  	s13 =	simm.s32 $0x1  }
0x122: {  	s14 =	simm.s32 $0x8;
	s2 =	sand.u32 $0x3, s13  }
0x123: {  	s2 =	sshll.u32 s2, $0x3;
	s3 =	sand.u32 $0x20, s14  }
0x124: {  	s2 =	sor.u32 s2, s3;
	[tilespmem:s11+$0x20] =	vst v4  }
0x125: {  	s2 =	sshrl.u32 s2, $0x2;
	v4 =	vld [tilespmem:s4+$0x30]  }
0x126: {  	s2 =	sadd.s32 $0xA520, s2  }
0x127: {  	v5 =	vld [tilespmem:s2+$0x0]  }
0x128: {  	s15 =	simm.s32 $0x100  }
0x129: {  	s16 =	sand.u32 $0x1C00, s15  }
0x12a: {  	s17 =	sand.u32 $0x300, s15;
	s3 =	sadd.s32 $0xC800, s16;
	[tilespmem:s11+$0x30] =	vst v4  }
0x12b: {  	s7 =	sor.u32 s17, s3;
	v4 =	vld [tilespmem:s4+$0x40]  }
0x12c: {  	[tilespmem:s7+$0x0] =	vst v5  }
0x12d: {  	v5 =	vld [tilespmem:s2+$0x10];
	_ =	sdelay $0x2  }
0x12e: {  	[tilespmem:s11+$0x40] =	vst v4  }
0x12f: {  	v4 =	vld [tilespmem:s4+$0x50]  }
0x130: {  	[tilespmem:s7+$0x10] =	vst v5  }
0x131: {  	v5 =	vld [tilespmem:s2+$0x20];
	_ =	sdelay $0x1  }
0x132: {  	s18 =	simm.s32 $0x2  }
0x133: {  	s5 =	sand.u32 $0x3, s18;
	s19 =	simm.s32 $0x10;
	[tilespmem:s11+$0x50] =	vst v4  }
0x134: {  	s5 =	sshll.u32 s5, $0x3;
	s6 =	sand.u32 $0x20, s19;
	v4 =	vld [tilespmem:s4+$0x60]  }
0x135: {  	s5 =	sor.u32 s5, s6;
	[tilespmem:s7+$0x20] =	vst v5  }
0x136: {  	s5 =	sshrl.u32 s5, $0x2;
	v5 =	vld [tilespmem:s2+$0x30]  }
0x137: {  	s20 =	simm.s32 $0x200;
	s10 =	sadd.s32 $0xA640, s5  }
0x138: {  	s21 =	sand.u32 $0x1C00, s20;
	v6 =	vld [tilespmem:s10+$0x0]  }
0x139: {  	s23 =	sadd.s32 $0xC800, s21;
	[tilespmem:s11+$0x60] =	vst v4  }
0x13a: {  	[dreg:$0xc] =	wrdreg s23  }
0x13b: {  	s22 =	sand.u32 $0x300, s20;
	[tilespmem:s7+$0x30] =	vst v5;
	v4 =	vld [tilespmem:s4+$0x70]  }
0x13c: {  	s24 =	sand.u32 $0xF, s29;
	s12 =	sor.u32 s22, s23;
	v5 =	vld [tilespmem:s2+$0x40]  }
0x13d: {  	s23 =	sadd.s32 $0x0, s24;
	[tilespmem:s12+$0x0] =	vst v6  }
0x13e: {  	s25 =	simm.s32 $0x1;
	s26 =	sadd.s32 $0x91, s23;
	v6 =	vld [tilespmem:s10+$0x10]  }
0x13f: {  	s31 =	sand.u32 $0x7, s25;
	s6 =	sand.u32 $0x3FF8, s26  }
0x140: {  	s18 =	sor.u32 s31, s6;
	[tilespmem:s11+$0x70] =	vst v4  }
0x141: {  	[tilespmem:s7+$0x40] =	vst v5;
	v4 =	vld [tilespmem:s18+$0xA400]  }
0x142: {  	v5 =	vld [tilespmem:s2+$0x50]  }
0x143: {  	s29 =	simm.s32 $0x80;
	[tilespmem:s12+$0x10] =	vst v6  }
0x144: {  	s4 =	sand.u32 $0x380, s29;
	s11 =	sadd.s32 $0xA1, s23;
	v6 =	vld [tilespmem:s10+$0x20]  }
0x145: {  	s1 =	simm.s32 $0x3;
	s0 =	sor.u32 s4, s0;
	s13 =	sand.u32 $0x7FE8, s11  }
0x146: {  	s5 =	simm.s32 $0x18;
	s6 =	sand.u32 $0x3, s1;
	s4 =	sor.u32 s31, s13;
	[tilespmem:s0+$0x0] =	vst v4  }
0x147: {  	s8 =	sand.u32 $0x20, s5;
	s6 =	sshll.u32 s6, $0x3;
	[tilespmem:s7+$0x50] =	vst v5;
	v4 =	vld [tilespmem:s4+$0xA400]  }
0x148: {  	s6 =	sor.u32 s6, s8;
	v5 =	vld [tilespmem:s2+$0x60]  }
0x149: {  	s14 =	sshrl.u32 s6, $0x2;
	[tilespmem:s12+$0x20] =	vst v6  }
0x14a: {  	s8 =	sadd.s32 $0xA760, s14;
	v6 =	vld [tilespmem:s10+$0x30]  }
0x14b: {  	s15 =	simm.s32 $0x300;
	v7 =	vld [tilespmem:s8+$0x0]  }
0x14c: {  	s16 =	sand.u32 $0x1C00, s15;
	[tilespmem:s0+$0x10] =	vst v4  }
0x14d: {  	s19 =	sadd.s32 $0xC800, s16;
	[tilespmem:s7+$0x60] =	vst v5  }
0x14e: {  	s17 =	sand.u32 $0x300, s15;
	v4 =	vld [tilespmem:s18+$0xA420];
	[dreg:$0xe] =	wrdreg s19  }
0x14f: {  	s20 =	simm.s32 $0x2;
	s9 =	sor.u32 s17, s19;
	[tilespmem:s12+$0x30] =	vst v6;
	v5 =	vld [tilespmem:s2+$0x70]  }
0x150: {  	s21 =	sand.u32 $0xF, s20;
	[tilespmem:s9+$0x0] =	vst v7;
	v6 =	vld [tilespmem:s10+$0x40]  }
0x151: {  	s22 =	sadd.s32 $0xC1, s23;
	s6 =	sadd.s32 $0x120, s21;
	v7 =	vld [tilespmem:s8+$0x10]  }
0x152: {  	s24 =	simm.s32 $0x3;
	s26 =	sand.u32 $0x7FE8, s22;
	s25 =	sadd.s32 $0x91, s6  }
0x153: {  	s29 =	sor.u32 s31, s26;
	s13 =	sand.u32 $0x3FF8, s25;
	s2 =	sand.u32 $0x7, s24;
	[tilespmem:s0+$0x20] =	vst v4  }
0x154: {  	v4 =	vld [tilespmem:s29+$0xA400];
	[tilespmem:s7+$0x70] =	vst v5;
	s7 =	sor.u32 s2, s13  }
0x155: {  	[tilespmem:s12+$0x40] =	vst v6;
	v5 =	vld [tilespmem:s7+$0xA400]  }
0x156: {  	[tilespmem:s9+$0x10] =	vst v7;
	v6 =	vld [tilespmem:s10+$0x50]  }
0x157: {  	s5 =	simm.s32 $0x20;
	s1 =	simm.s32 $0x180;
	v7 =	vld [tilespmem:s8+$0x20]  }
0x158: {  	s11 =	sand.u32 $0x380, s1;
	s16 =	sadd.s32 $0xA1, s6;
	s4 =	simm.s32 $0x4  }
0x159: {  	s3 =	sor.u32 s11, s3;
	s17 =	sand.u32 $0x7FE8, s16;
	s13 =	sand.u32 $0x3, s4;
	[tilespmem:s0+$0x30] =	vst v4  }
0x15a: {  	s14 =	sand.u32 $0x20, s5;
	s11 =	sor.u32 s2, s17;
	s13 =	sshll.u32 s13, $0x3;
	v4 =	vld [tilespmem:s18+$0xA440];
	[tilespmem:s3+$0x0] =	vst v5  }
0x15b: {  	s13 =	sor.u32 s13, s14;
	[tilespmem:s12+$0x50] =	vst v6;
	v5 =	vld [tilespmem:s11+$0xA400]  }
0x15c: {  	s19 =	sshrl.u32 s13, $0x2;
	[tilespmem:s9+$0x20] =	vst v7;
	v6 =	vld [tilespmem:s10+$0x60]  }
0x15d: {  	s20 =	sadd.s32 $0xE1, s23;
	s15 =	sadd.s32 $0xA880, s19;
	v7 =	vld [tilespmem:s8+$0x30]  }
0x15e: {  	v8 =	vld [tilespmem:s15+$0x0];
	s11 =	sand.u32 $0x7FE8, s20  }
0x15f: {  	s21 =	simm.s32 $0x400;
	s11 =	sor.u32 s31, s11;
	[tilespmem:s0+$0x40] =	vst v4  }
0x160: {  	s22 =	sand.u32 $0x1C00, s21;
	v4 =	vld [tilespmem:s11+$0xA400];
	[tilespmem:s3+$0x10] =	vst v5  }
0x161: {  	s16 =	sadd.s32 $0xC800, s22;
	s24 =	sand.u32 $0x300, s21;
	[tilespmem:s12+$0x60] =	vst v6;
	v5 =	vld [tilespmem:s7+$0xA420]  }
0x162: {  	s28 =	simm.s32 $0x5;
	s13 =	sor.u32 s24, s16;
	s19 =	simm.s32 $0x4;
	[tilespmem:s9+$0x30] =	vst v7;
	v6 =	vld [tilespmem:s10+$0x70]  }
0x163: {  	s23 =	sadd.s32 $0x101, s23;
	s22 =	simm.s32 $0x280;
	s25 =	sand.u32 $0xF, s19;
	[tilespmem:s13+$0x0] =	vst v8;
	v7 =	vld [tilespmem:s8+$0x40]  }
0x164: {  	s26 =	sadd.s32 $0xC1, s6;
	s30 =	sand.u32 $0x380, s22;
	v8 =	vld [tilespmem:s15+$0x10];
	s11 =	sadd.s32 $0x240, s25  }
0x165: {  	s29 =	simm.s32 $0x5;
	s4 =	sand.u32 $0x7FE8, s26;
	s1 =	sadd.s32 $0x91, s11;
	[tilespmem:s0+$0x50] =	vst v4  }
0x166: {  	s5 =	sand.u32 $0x3FF8, s1;
	s10 =	sand.u32 $0x7, s29;
	s29 =	sor.u32 s2, s4;
	v4 =	vld [tilespmem:s18+$0xA460];
	[tilespmem:s3+$0x20] =	vst v5  }
0x167: {  	s21 =	simm.s32 $0x240;
	s17 =	simm.s32 $0x6;
	[tilespmem:s12+$0x70] =	vst v6;
	s12 =	sor.u32 s10, s5;
	v5 =	vld [tilespmem:s29+$0xA400]  }
0x168: {  	s26 =	simm.s32 $0xA;
	s14 =	simm.s32 $0x380;
	s24 =	simm.s32 $0x8;
	[tilespmem:s9+$0x40] =	vst v7;
	v6 =	vld [tilespmem:s12+$0xA400]  }
0x169: {  	s20 =	simm.s32 $0x4;
	s25 =	simm.s32 $0xA880;
	[tilespmem:s13+$0x10] =	vst v8;
	s18 =	simm.s32 $0x480;
	v7 =	vld [tilespmem:s8+$0x50]  }
.LBB2_5:
0x16a: {  	s29 =	sshll.u32 s26, $0x2;
	v8 =	vld [tilespmem:s15+$0x20];
	s1 =	sand.u32 $0x7FE8, s23  }
0x16b: {  	s4 =	sand.u32 $0x3, s28;
	[tilespmem:s0+$0x60] =	vst v4;
	s1 =	sor.u32 s31, s1;
	s31 =	rddreg [dreg:$0xc]  }
0x16c: {  	s22 =	smov.u32 s14;
	s5 =	sadd.s32 $0xA1, s11;
	s30 =	sor.u32 s30, s31;
	[tilespmem:s3+$0x30] =	vst v5  }
0x16d: {  	s29 =	sand.u32 $0x20, s29;
	s5 =	sand.u32 $0x7FE8, s5;
	s4 =	sshll.u32 s4, $0x3;
	v4 =	vld [tilespmem:s1+$0xA400];
	[tilespmem:s30+$0x0] =	vst v6  }
0x16e: {  	s5 =	sor.u32 s10, s5;
	s1 =	sor.u32 s4, s29;
	s4 =	rddreg [dreg:$0xe];
	v5 =	vld [tilespmem:s7+$0xA440];
	[tilespmem:s9+$0x50] =	vst v7  }
0x16f: {  	s14 =	smov.u32 s18;
	s25 =	sadd.s32 $0x120, s25;
	s29 =	smov.u32 s4;
	v6 =	vld [tilespmem:s5+$0xA400];
	[tilespmem:s13+$0x20] =	vst v8  }
0x170: {  	s1 =	sshrl.u32 s1, $0x2;
	[dreg:$0xc] =	wrdreg s29;
	s29 =	smov.u32 s16;
	v7 =	vld [tilespmem:s8+$0x60]  }
0x171: {  	s1 =	sadd.s32 s1, s25;
	[dreg:$0xe] =	wrdreg s29;
	s29 =	smov.u32 s6;
	v8 =	vld [tilespmem:s15+$0x30]  }
0x172: {  	s18 =	sadd.s32 $0x100, s18;
	v9 =	vld [tilespmem:s1+$0x0];
	s4 =	sadd.s32 $0xE1, s29;
	[tilespmem:s0+$0x70] =	vst v4;
	s0 =	smov.u32 s3  }
0x173: {  	s16 =	sadd.s32 $0xFFFFFF80, s18;
	s5 =	sand.u32 $0x7FE8, s4;
	s3 =	smov.u32 s30;
	[tilespmem:s0+$0x40] =	vst v5  }
0x174: {  	s23 =	smov.u32 s24;
	s4 =	sand.u32 $0x1C00, s16;
	s5 =	sor.u32 s2, s5;
	[tilespmem:s3+$0x10] =	vst v6  }
0x175: {  	s6 =	smov.u32 s11;
	s11 =	sand.u32 $0x300, s16;
	s16 =	sadd.s32 $0xC800, s4;
	v4 =	vld [tilespmem:s5+$0xA400];
	[tilespmem:s9+$0x60] =	vst v7  }
0x176: {  	s24 =	sadd.s32 $0x2, s24;
	s19 =	sadd.s32 $0x2, s19;
	s5 =	sor.u32 s11, s16;
	v5 =	vld [tilespmem:s12+$0xA420];
	[tilespmem:s13+$0x30] =	vst v8  }
0x177: {  	s21 =	sadd.s32 $0x120, s21;
	p1 =	slt.u32 s24, $0x3E;
	v6 =	vld [tilespmem:s8+$0x70];
	s8 =	smov.u32 s15;
	[tilespmem:s5+$0x0] =	vst v9  }
0x178: {  	s31 =	smov.u32 s2;
	s30 =	smov.u32 s7;
	s15 =	smov.u32 s1;
	v7 =	vld [tilespmem:s8+$0x40]  }
0x179: {  	s7 =	smov.u32 s12;
	s2 =	smov.u32 s10;
	s4 =	sand.u32 $0xF, s19;
	v8 =	vld [tilespmem:s15+$0x10]  }
0x17a: {  	s10 =	sadd.s32 $0xC1, s6;
	s11 =	sadd.s32 s4, s21;
	s4 =	sadd.s32 $0x3, s20;
	[tilespmem:s0+$0x50] =	vst v4  }
.Ltmp1:
0x17b: {  	s20 =	sadd.s32 $0x91, s11;
	s1 =	sand.u32 $0x7FE8, s10;
	[tilespmem:s3+$0x20] =	vst v5;
	(pc) =	sbr.rel @p1 .LBB2_5-.Ltmp1, $4  }
0x17c: {  	s12 =	sand.u32 $0x3FF8, s20;
	s10 =	sand.u32 $0x7, s4;
	s1 =	sor.u32 s2, s1;
	v4 =	vld [tilespmem:s30+$0xA460];
	[tilespmem:s9+$0x70] =	vst v6  }
0x17d: {  	s12 =	sor.u32 s10, s12;
	s9 =	smov.u32 s13;
	v5 =	vld [tilespmem:s1+$0xA400];
	[tilespmem:s13+$0x40] =	vst v7;
	s13 =	smov.u32 s5  }
0x17e: {  	s26 =	sadd.s32 $0x2, s26;
	s28 =	sadd.s32 $0x1, s28;
	s20 =	smov.u32 s17;
	v6 =	vld [tilespmem:s12+$0xA400];
	[tilespmem:s13+$0x10] =	vst v8  }
0x17f: {  	s17 =	smov.u32 s23;
	s23 =	sadd.s32 $0x101, s29;
	s30 =	sand.u32 $0x380, s22;
	v7 =	vld [tilespmem:s8+$0x50]  }
0x180: {  	v8 =	vld [tilespmem:s15+$0x20];
	_ =	sdelay $0x4  }
0x181: {  	[tilespmem:s13+$0x20] =	vst v8  }
0x182: {  	v8 =	vld [tilespmem:s15+$0x30];
	_ =	sdelay $0x4  }
0x183: {  	[tilespmem:s13+$0x30] =	vst v8  }
0x184: {  	v8 =	vld [tilespmem:s15+$0x40];
	_ =	sdelay $0x4  }
0x185: {  	[tilespmem:s13+$0x40] =	vst v8  }
0x186: {  	v8 =	vld [tilespmem:s15+$0x50];
	_ =	sdelay $0x3  }
0x187: {  	[tilespmem:s9+$0x50] =	vst v7  }
0x188: {  	v7 =	vld [tilespmem:s8+$0x60];
	[tilespmem:s13+$0x50] =	vst v8  }
0x189: {  	v8 =	vld [tilespmem:s15+$0x60];
	_ =	sdelay $0x3  }
0x18a: {  	[tilespmem:s9+$0x60] =	vst v7  }
0x18b: {  	s1 =	sadd.s32 $0x2, s19;
	s22 =	sadd.s32 $0x120, s21;
	v7 =	vld [tilespmem:s8+$0x70];
	[tilespmem:s13+$0x60] =	vst v8  }
0x18c: {  	s20 =	sadd.s32 $0x3, s20;
	s5 =	sand.u32 $0xF, s1;
	s1 =	sadd.s32 $0x2, s1;
	v8 =	vld [tilespmem:s15+$0x70]  }
0x18d: {  	s24 =	sadd.s32 $0x120, s22;
	s1 =	sand.u32 $0xF, s1;
	s8 =	sadd.s32 s5, s22  }
0x18e: {  	s25 =	sadd.s32 $0x3, s17;
	s19 =	sadd.s32 s1, s24;
	s5 =	sadd.s32 $0x91, s8  }
0x18f: {  	s26 =	sadd.s32 $0x91, s19;
	s5 =	sand.u32 $0x3FF8, s5;
	s15 =	sand.u32 $0x7, s20  }
0x190: {  	s4 =	sand.u32 $0x3FF8, s26;
	[tilespmem:s9+$0x70] =	vst v7;
	s9 =	sand.u32 $0x7, s25;
	s17 =	sor.u32 s15, s5  }
0x191: {  	s20 =	sor.u32 s9, s4;
	v7 =	vld [tilespmem:s17+$0xA400];
	[tilespmem:s13+$0x70] =	vst v8  }
0x192: {  	s14 =	sand.u32 $0x380, s14;
	s13 =	sadd.s32 $0xA1, s11;
	v8 =	vld [tilespmem:s20+$0xA400];
	s4 =	rddreg [dreg:$0xc]  }
0x193: {  	s26 =	sadd.s32 $0xA1, s19;
	s1 =	sand.u32 $0x7FE8, s13;
	s5 =	sor.u32 s30, s4  }
0x194: {  	s21 =	sadd.s32 $0xA1, s8;
	s22 =	rddreg [dreg:$0xe];
	s1 =	sor.u32 s10, s1;
	[tilespmem:s5+$0x0] =	vst v6  }
0x195: {  	s24 =	sand.u32 $0x7FE8, s21;
	s25 =	sand.u32 $0x380, s18;
	s4 =	sor.u32 s14, s22;
	v6 =	vld [tilespmem:s1+$0xA400]  }
0x196: {  	s13 =	sor.u32 s25, s16;
	s16 =	sand.u32 $0x7FE8, s26;
	s30 =	sor.u32 s15, s24;
	[tilespmem:s4+$0x0] =	vst v7  }
0x197: {  	s18 =	sor.u32 s9, s16;
	v7 =	vld [tilespmem:s30+$0xA400];
	[tilespmem:s13+$0x0] =	vst v8  }
0x198: {  	v8 =	vld [tilespmem:s18+$0xA400];
	_ =	sdelay $0x1  }
0x199: {  	[tilespmem:s5+$0x10] =	vst v6  }
0x19a: {  	v6 =	vld [tilespmem:s12+$0xA420]  }
0x19b: {  	[tilespmem:s4+$0x10] =	vst v7  }
0x19c: {  	v7 =	vld [tilespmem:s17+$0xA420];
	[tilespmem:s13+$0x10] =	vst v8  }
0x19d: {  	s21 =	sadd.s32 $0xC1, s11;
	v8 =	vld [tilespmem:s20+$0xA420]  }
0x19e: {  	s1 =	sand.u32 $0x7FE8, s21  }
0x19f: {  	s22 =	sadd.s32 $0xC1, s8;
	s1 =	sor.u32 s10, s1;
	[tilespmem:s5+$0x20] =	vst v6  }
0x1a0: {  	s24 =	sadd.s32 $0xC1, s19;
	s14 =	sand.u32 $0x7FE8, s22;
	v6 =	vld [tilespmem:s1+$0xA400]  }
0x1a1: {  	s26 =	sand.u32 $0x7FE8, s24;
	s25 =	sor.u32 s15, s14;
	[tilespmem:s4+$0x20] =	vst v7  }
0x1a2: {  	s30 =	sor.u32 s9, s26;
	v7 =	vld [tilespmem:s25+$0xA400];
	[tilespmem:s13+$0x20] =	vst v8  }
0x1a3: {  	v8 =	vld [tilespmem:s30+$0xA400]  }
0x1a4: {  	[tilespmem:s3+$0x30] =	vst v5  }
0x1a5: {  	v5 =	vld [tilespmem:s7+$0xA440];
	[tilespmem:s5+$0x30] =	vst v6  }
0x1a6: {  	v6 =	vld [tilespmem:s12+$0xA440]  }
0x1a7: {  	[tilespmem:s4+$0x30] =	vst v7  }
0x1a8: {  	s14 =	sadd.s32 $0xE1, s6;
	v7 =	vld [tilespmem:s17+$0xA440];
	[tilespmem:s13+$0x30] =	vst v8  }
0x1a9: {  	s16 =	sadd.s32 $0xE1, s11;
	s1 =	sand.u32 $0x7FE8, s14;
	v8 =	vld [tilespmem:s20+$0xA440]  }
0x1aa: {  	[tilespmem:s3+$0x40] =	vst v5;
	s14 =	sand.u32 $0x7FE8, s16;
	s1 =	sor.u32 s2, s1  }
0x1ab: {  	s18 =	sadd.s32 $0xE1, s8;
	s21 =	sor.u32 s10, s14;
	v5 =	vld [tilespmem:s1+$0xA400];
	[tilespmem:s5+$0x40] =	vst v6  }
0x1ac: {  	s24 =	sadd.s32 $0xE1, s19;
	s22 =	sand.u32 $0x7FE8, s18;
	v6 =	vld [tilespmem:s21+$0xA400]  }
0x1ad: {  	s26 =	sand.u32 $0x7FE8, s24;
	s25 =	sor.u32 s15, s22;
	[tilespmem:s4+$0x40] =	vst v7  }
0x1ae: {  	s30 =	sor.u32 s9, s26;
	v7 =	vld [tilespmem:s25+$0xA400];
	[tilespmem:s13+$0x40] =	vst v8  }
0x1af: {  	v8 =	vld [tilespmem:s30+$0xA400]  }
0x1b0: {  	[tilespmem:s3+$0x50] =	vst v5  }
0x1b1: {  	v5 =	vld [tilespmem:s7+$0xA460];
	[tilespmem:s5+$0x50] =	vst v6  }
0x1b2: {  	v6 =	vld [tilespmem:s12+$0xA460]  }
0x1b3: {  	[tilespmem:s4+$0x50] =	vst v7  }
0x1b4: {  	s7 =	sand.u32 $0x7FE8, s23;
	v7 =	vld [tilespmem:s17+$0xA460];
	s12 =	sadd.s32 $0x101, s6;
	[tilespmem:s13+$0x50] =	vst v8  }
0x1b5: {  	[tilespmem:s0+$0x60] =	vst v4;
	s14 =	sadd.s32 $0x101, s11;
	s1 =	sor.u32 s31, s7;
	s6 =	sand.u32 $0x7FE8, s12;
	v8 =	vld [tilespmem:s20+$0xA460]  }
0x1b6: {  	v4 =	vld [tilespmem:s1+$0xA400];
	[tilespmem:s3+$0x60] =	vst v5;
	s17 =	sand.u32 $0x7FE8, s14;
	s16 =	sor.u32 s2, s6  }
0x1b7: {  	s18 =	sadd.s32 $0x101, s8;
	v5 =	vld [tilespmem:s16+$0xA400];
	s20 =	sor.u32 s10, s17;
	[tilespmem:s5+$0x60] =	vst v6  }
0x1b8: {  	s22 =	sadd.s32 $0x101, s19;
	s21 =	sand.u32 $0x7FE8, s18;
	v6 =	vld [tilespmem:s20+$0xA400]  }
0x1b9: {  	s24 =	sand.u32 $0x7FE8, s22;
	s23 =	sor.u32 s15, s21;
	[tilespmem:s4+$0x60] =	vst v7  }
0x1ba: {  	s25 =	sor.u32 s9, s24;
	v7 =	vld [tilespmem:s23+$0xA400];
	[tilespmem:s13+$0x60] =	vst v8  }
0x1bb: {  	[tilespmem:s0+$0x70] =	vst v4;
	v8 =	vld [tilespmem:s25+$0xA400]  }
0x1bc: {  	[tilespmem:s3+$0x70] =	vst v5  }
0x1bd: {  	s0 =	rddreg [dreg:$0x16];
	[tilespmem:s5+$0x70] =	vst v6  }
0x1be: {  	s0 =	sshll.u32 s0, $0x13;
	s26 =	rddreg [dreg:$0x11]  }
0x1bf: {  	s7 =	simm.s32 $0x1;
	s30 =	rddreg [dreg:$0x2];
	[tilespmem:s4+$0x70] =	vst v7;
	s0 =	sor.u32 s26, s0  }
0x1c0: {  	s2 =	simm.s32 $0x400;
	s3 =	simm.s32 $0x8000;
	s0 =	sshrl.u32 s0, $0x3;
	[tilespmem:s13+$0x70] =	vst v8  }
0x1c1: {  	s4 =	simm.s32 $0xC800;
	s0 =	sadd.s32 s30, s0;
	s5 =	rddreg [dreg:$0x19]  }
0x1c2: {  	[hbm4b:s0+s2] =	stream.strided.scatter [tilespmem:s4], [sflag:$0x2], $0x2000, s3, s2, $0x38;
	[tilespmem:$0x13A00] =	vst v63  }
0x1c3: {  	s6 =	sor.u32 $0x1, s5;
	_ =	swait.ge [sflag:s7], $0x2000  }
0x1c4: {  	p1 =	sgt.u32 s6, $0xC6;
	[sflag:s7] =	ssyncset.done $0x0;
	s0 =	rddreg [dreg:$0x17]  }
0x1c5: {  	s1 =	simm.s32 @!p1 $0x80;
	s2 =	simm.s32 @!p1 $0x6400;
	s0 =	sadd.s32 @!p1 $0x100, s0  }
0x1c6: {  	s3 =	rddreg [dreg:$0x10];
	[sflag:s7] =	ssyncadd.s32 $0xFFFFE000;
	s0 =	sand.u32 @!p1 $0xFF00, s0  }
0x1c7: {  	[tilespmem:s2], [sflag:$0x1] =	stream.indirect.gather @!p1 [hbm4b:s3+s1], $0x40, s0, s1, $0xb8;
	[tilespmem:$0x13A00] =	vst v63  }
0x1c8: {  	s0 =	simm.s32 @!p0 $0x3  }
0x1c9: {  	_ =	swait.ge @!p0 [sflag:s0], $0x2000  }
0x1ca: {  	s8 =	sshll.u32 s6, $0x6;
	[sflag:s0] =	ssyncset.done @!p0 $0x0  }
0x1cb: {  	s9 =	sand.u32 $0x3FFFFFC0, s8;
	[sflag:s0] =	ssyncadd.s32 @!p0 $0xFFFFE000  }
0x1cc: {  	s22 =	simm.s32 $0x84F0;
	[dreg:$0x18] =	wrdreg s6;
	v7 =	vld [tilespmem:s9+$0x10800]  }
0x1cd: {  	v4 =	vld [tilespmem:s22+$0xFFFFFF10]  }
0x1ce: {  	s10 =	simm.s32 $0x0  }
0x1cf: {  	v8 =	vadd.s32 s10, v0;
	_ =	sdelay $0x2  }
0x1d0: {  	v6 =	vld [tilespmem:s9+$0x10810];
	v9 =	vadd.f32 v4, v7  }
0x1d1: {  	s25 =	simm.s32 $0xA400;
	v5 =	vld [tilespmem:s9+$0x10820]  }
0x1d2: {  	v4 =	vld [tilespmem:s9+$0x10830];
	[tilespmem:v8+s25+$0x0] =	vst.idx.msk $0xffff, v9  }
0x1d3: {  	v8 =	vld [tilespmem:s22+$0xFFFFFF20];
	_ =	sdelay $0x1  }
0x1d4: {  	v9 =	vadd.s32 s10, v1;
	_ =	sdelay $0x2  }
0x1d5: {  	v8 =	vadd.f32 v8, v6  }
0x1d6: {  	s7 =	simm.s32 $0x85F0  }
0x1d7: {  	[tilespmem:v9+s25+$0x0] =	vst.idx.msk $0xffff, v8;
	v8 =	vld [tilespmem:s7+$0xFFFFFF10]  }
0x1d8: {  	s11 =	simm.s32 $0x4;
	v9 =	vld [tilespmem:s22+$0xFFFFFF30]  }
0x1d9: {  	v10 =	vadd.s32 s11, v0  }
0x1da: {  	v11 =	vadd.s32 s10, v2;
	_ =	sdelay $0x1  }
0x1db: {  	v8 =	vadd.f32 v8, v7  }
0x1dc: {  	v9 =	vadd.f32 v9, v5  }
0x1dd: {  	[tilespmem:v10+s25+$0x0] =	vst.idx.msk $0xffff, v8  }
0x1de: {  	v8 =	vld [tilespmem:s7+$0xFFFFFF20];
	[tilespmem:v11+s25+$0x0] =	vst.idx.msk $0xffff, v9  }
0x1df: {  	v9 =	vld [tilespmem:s22+$0xFFFFFF40]  }
0x1e0: {  	v10 =	vadd.s32 s11, v1  }
0x1e1: {  	v11 =	vadd.s32 s10, v3;
	_ =	sdelay $0x1  }
0x1e2: {  	v8 =	vadd.f32 v8, v6  }
0x1e3: {  	s10 =	simm.s32 $0x86F0;
	v9 =	vadd.f32 v9, v4  }
0x1e4: {  	[tilespmem:v10+s25+$0x0] =	vst.idx.msk $0xffff, v8;
	v8 =	vld [tilespmem:s10+$0xFFFFFF10]  }
0x1e5: {  	s12 =	simm.s32 $0x8;
	[tilespmem:v11+s25+$0x0] =	vst.idx.msk $0xffff, v9;
	v9 =	vld [tilespmem:s7+$0xFFFFFF30]  }
0x1e6: {  	v10 =	vadd.s32 s12, v0;
	v11 =	vld [tilespmem:s22+$0xFFFFFF50]  }
0x1e7: {  	v12 =	vadd.s32 s11, v2;
	s13 =	simm.s32 $0x1  }
0x1e8: {  	v13 =	vadd.s32 s13, v0  }
0x1e9: {  	v8 =	vadd.f32 v8, v7  }
0x1ea: {  	v9 =	vadd.f32 v9, v5  }
0x1eb: {  	[tilespmem:v10+s25+$0x0] =	vst.idx.msk $0xffff, v8;
	v8 =	vadd.f32 v11, v7  }
0x1ec: {  	v10 =	vld [tilespmem:s10+$0xFFFFFF20];
	[tilespmem:v12+s25+$0x0] =	vst.idx.msk $0xffff, v9  }
0x1ed: {  	v9 =	vld [tilespmem:s7+$0xFFFFFF40];
	[tilespmem:v13+s25+$0x0] =	vst.idx.msk $0xffff, v8  }
0x1ee: {  	v8 =	vadd.s32 s12, v1;
	v11 =	vld [tilespmem:s22+$0xFFFFFF60]  }
0x1ef: {  	v12 =	vadd.s32 s11, v3  }
0x1f0: {  	v13 =	vadd.s32 s13, v1  }
0x1f1: {  	v10 =	vadd.f32 v10, v6  }
0x1f2: {  	s14 =	simm.s32 $0x87F0;
	v9 =	vadd.f32 v9, v4  }
0x1f3: {  	[tilespmem:v8+s25+$0x0] =	vst.idx.msk $0xffff, v10;
	v8 =	vadd.f32 v11, v6;
	v10 =	vld [tilespmem:s14+$0xFFFFFF10]  }
0x1f4: {  	s15 =	simm.s32 $0xC;
	[tilespmem:v12+s25+$0x0] =	vst.idx.msk $0xffff, v9;
	v9 =	vld [tilespmem:s10+$0xFFFFFF30]  }
0x1f5: {  	[tilespmem:v13+s25+$0x0] =	vst.idx.msk $0xffff, v8;
	v8 =	vadd.s32 s15, v0;
	v11 =	vld [tilespmem:s7+$0xFFFFFF50]  }
0x1f6: {  	s16 =	simm.s32 $0x5;
	v12 =	vadd.s32 s12, v2;
	v13 =	vld [tilespmem:s22+$0xFFFFFF70]  }
0x1f7: {  	v14 =	vadd.s32 s16, v0  }
0x1f8: {  	v15 =	vadd.s32 s13, v2;
	v10 =	vadd.f32 v10, v7  }
0x1f9: {  	v9 =	vadd.f32 v9, v5  }
0x1fa: {  	[tilespmem:v8+s25+$0x0] =	vst.idx.msk $0xffff, v10;
	v8 =	vadd.f32 v11, v7  }
0x1fb: {  	[tilespmem:v12+s25+$0x0] =	vst.idx.msk $0xffff, v9;
	v9 =	vadd.f32 v13, v5  }
0x1fc: {  	v10 =	vld [tilespmem:s14+$0xFFFFFF20];
	[tilespmem:v14+s25+$0x0] =	vst.idx.msk $0xffff, v8  }
0x1fd: {  	s17 =	simm.s32 $0x8;
	v11 =	vld [tilespmem:s10+$0xFFFFFF40];
	[tilespmem:v15+s25+$0x0] =	vst.idx.msk $0xffff, v9  }
0x1fe: {  	v8 =	vadd.s32 s15, v1;
	v12 =	vld [tilespmem:s7+$0xFFFFFF60];
	[dreg:$0x5] =	wrdreg s17  }
0x1ff: {  	v9 =	vadd.s32 s12, v3;
	v13 =	vld [tilespmem:s22+$0xFFFFFF80]  }
0x200: {  	v14 =	vadd.s32 s16, v1  }
0x201: {  	v15 =	vadd.s32 s13, v3;
	v10 =	vadd.f32 v10, v6  }
0x202: {  	s12 =	simm.s32 $0x88F0;
	v11 =	vadd.f32 v11, v4  }
0x203: {  	[tilespmem:v8+s25+$0x0] =	vst.idx.msk $0xffff, v10;
	v8 =	vadd.f32 v12, v6;
	v10 =	vld [tilespmem:s12+$0xFFFFFF10]  }
0x204: {  	s18 =	simm.s32 $0x10;
	[tilespmem:v9+s25+$0x0] =	vst.idx.msk $0xffff, v11;
	v11 =	vld [tilespmem:s14+$0xFFFFFF30];
	v9 =	vadd.f32 v13, v4  }
0x205: {  	[tilespmem:v14+s25+$0x0] =	vst.idx.msk $0xffff, v8;
	v8 =	vadd.s32 s18, v0;
	v12 =	vld [tilespmem:s10+$0xFFFFFF50]  }
0x206: {  	s23 =	simm.s32 $0x9;
	v13 =	vld [tilespmem:s7+$0xFFFFFF70];
	[tilespmem:v15+s25+$0x0] =	vst.idx.msk $0xffff, v9;
	v9 =	vadd.s32 s15, v2  }
0x207: {  	v14 =	vadd.s32 s23, v0  }
0x208: {  	v16 =	vadd.s32 s16, v2;
	v15 =	vld [tilespmem:s22+$0xFFFFFF90];
	v10 =	vadd.f32 v10, v7  }
0x209: {  	s24 =	simm.s32 $0x2;
	v11 =	vadd.f32 v11, v5  }
0x20a: {  	v17 =	vadd.s32 s24, v0;
	[tilespmem:v8+s25+$0x0] =	vst.idx.msk $0xffff, v10;
	v8 =	vadd.f32 v12, v7  }
0x20b: {  	[tilespmem:v9+s25+$0x0] =	vst.idx.msk $0xffff, v11;
	v9 =	vadd.f32 v13, v5  }
0x20c: {  	v10 =	vld [tilespmem:s12+$0xFFFFFF20];
	[tilespmem:v14+s25+$0x0] =	vst.idx.msk $0xffff, v8  }
0x20d: {  	s26 =	simm.s32 $0xC;
	v11 =	vld [tilespmem:s14+$0xFFFFFF40];
	v8 =	vadd.f32 v15, v7;
	[tilespmem:v16+s25+$0x0] =	vst.idx.msk $0xffff, v9  }
0x20e: {  	v12 =	vadd.s32 s18, v1;
	v13 =	vld [tilespmem:s10+$0xFFFFFF60];
	[dreg:$0x7] =	wrdreg s26  }
0x20f: {  	v9 =	vadd.s32 s15, v3;
	v14 =	vld [tilespmem:s7+$0xFFFFFF80];
	[tilespmem:v17+s25+$0x0] =	vst.idx.msk $0xffff, v8  }
0x210: {  	v8 =	vadd.s32 s23, v1;
	v15 =	vld [tilespmem:s22+$0xFFFFFFA0]  }
0x211: {  	v16 =	vadd.s32 s16, v3;
	v10 =	vadd.f32 v10, v6  }
0x212: {  	s30 =	simm.s32 $0x89F0;
	v17 =	vadd.s32 s24, v1;
	v11 =	vadd.f32 v11, v4  }
0x213: {  	[tilespmem:v12+s25+$0x0] =	vst.idx.msk $0xffff, v10;
	v10 =	vadd.f32 v13, v6;
	v12 =	vld [tilespmem:s30+$0xFFFFFF10]  }
0x214: {  	s17 =	simm.s32 $0x14;
	[tilespmem:v9+s25+$0x0] =	vst.idx.msk $0xffff, v11;
	v11 =	vld [tilespmem:s12+$0xFFFFFF30];
	v9 =	vadd.f32 v14, v4  }
0x215: {  	[tilespmem:v8+s25+$0x0] =	vst.idx.msk $0xffff, v10;
	v10 =	vadd.s32 s17, v0;
	v13 =	vld [tilespmem:s14+$0xFFFFFF50];
	v8 =	vadd.f32 v15, v6  }
0x216: {  	s19 =	simm.s32 $0xD;
	v14 =	vld [tilespmem:s10+$0xFFFFFF70];
	[tilespmem:v16+s25+$0x0] =	vst.idx.msk $0xffff, v9;
	v9 =	vadd.s32 s18, v2  }
0x217: {  	[tilespmem:v17+s25+$0x0] =	vst.idx.msk $0xffff, v8;
	v8 =	vadd.s32 s19, v0  }
0x218: {  	v12 =	vadd.f32 v12, v7;
	v16 =	vadd.s32 s23, v2;
	v15 =	vld [tilespmem:s7+$0xFFFFFF90]  }
0x219: {  	s20 =	simm.s32 $0x6;
	v17 =	vld [tilespmem:s22+$0xFFFFFFB0];
	v11 =	vadd.f32 v11, v5  }
0x21a: {  	v18 =	vadd.s32 s20, v0;
	[tilespmem:v10+s25+$0x0] =	vst.idx.msk $0xffff, v12;
	v10 =	vadd.f32 v13, v7  }
0x21b: {  	v12 =	vadd.s32 s24, v2;
	[tilespmem:v9+s25+$0x0] =	vst.idx.msk $0xffff, v11;
	v9 =	vadd.f32 v14, v5  }
0x21c: {  	v13 =	vld [tilespmem:s30+$0xFFFFFF20];
	[tilespmem:v8+s25+$0x0] =	vst.idx.msk $0xffff, v10  }
0x21d: {  	s21 =	simm.s32 $0x10;
	v11 =	vld [tilespmem:s12+$0xFFFFFF40];
	v8 =	vadd.f32 v15, v7;
	[tilespmem:v16+s25+$0x0] =	vst.idx.msk $0xffff, v9  }
0x21e: {  	v10 =	vadd.s32 s17, v1;
	v14 =	vld [tilespmem:s14+$0xFFFFFF60];
	v9 =	vadd.f32 v17, v5;
	[dreg:$0x9] =	wrdreg s21  }
0x21f: {  	v15 =	vadd.s32 s18, v3;
	v16 =	vld [tilespmem:s10+$0xFFFFFF80];
	[tilespmem:v18+s25+$0x0] =	vst.idx.msk $0xffff, v8  }
0x220: {  	v8 =	vadd.s32 s19, v1;
	[tilespmem:v12+s25+$0x0] =	vst.idx.msk $0xffff, v9;
	v17 =	vld [tilespmem:s7+$0xFFFFFFA0]  }
0x221: {  	v9 =	vadd.f32 v13, v6;
	v12 =	vadd.s32 s23, v3;
	v13 =	vld [tilespmem:s22+$0xFFFFFFC0]  }
0x222: {  	v18 =	vadd.s32 s20, v1;
	s23 =	simm.s32 $0x8AF0;
	v11 =	vadd.f32 v11, v4  }
0x223: {  	[tilespmem:v10+s25+$0x0] =	vst.idx.msk $0xffff, v9;
	v10 =	vadd.s32 s24, v3;
	v9 =	vadd.f32 v14, v6;
	v14 =	vld [tilespmem:s23+$0xFFFFFF10]  }
0x224: {  	s18 =	simm.s32 $0x18;
	[tilespmem:v15+s25+$0x0] =	vst.idx.msk $0xffff, v11;
	v15 =	vld [tilespmem:s30+$0xFFFFFF30];
	v11 =	vadd.f32 v16, v4  }
0x225: {  	[tilespmem:v8+s25+$0x0] =	vst.idx.msk $0xffff, v9;
	v9 =	vadd.s32 s18, v0;
	v16 =	vld [tilespmem:s12+$0xFFFFFF50];
	v8 =	vadd.f32 v17, v6  }
0x226: {  	s15 =	simm.s32 $0x11;
	[tilespmem:v12+s25+$0x0] =	vst.idx.msk $0xffff, v11;
	v11 =	vadd.f32 v13, v4;
	v12 =	vadd.s32 s17, v2;
	v13 =	vld [tilespmem:s14+$0xFFFFFF70]  }
0x227: {  	[tilespmem:v18+s25+$0x0] =	vst.idx.msk $0xffff, v8;
	v8 =	vadd.s32 s15, v0;
	v17 =	vld [tilespmem:s10+$0xFFFFFF90]  }
0x228: {  	s5 =	simm.s32 $0xA;
	[tilespmem:v10+s25+$0x0] =	vst.idx.msk $0xffff, v11;
	v10 =	vadd.f32 v14, v7;
	v11 =	vadd.s32 s19, v2;
	v14 =	vld [tilespmem:s7+$0xFFFFFFB0]  }
0x229: {  	v18 =	vadd.s32 s5, v0;
	v15 =	vadd.f32 v15, v5;
	v19 =	vld [tilespmem:s22+$0xFFFFFFD0]  }
0x22a: {  	s26 =	simm.s32 $0x3;
	[tilespmem:v9+s25+$0x0] =	vst.idx.msk $0xffff, v10;
	v9 =	vadd.f32 v16, v7;
	v10 =	vadd.s32 s20, v2  }
0x22b: {  	v16 =	vld [tilespmem:s23+$0xFFFFFF20];
	[tilespmem:v12+s25+$0x0] =	vst.idx.msk $0xffff, v15;
	v12 =	vadd.f32 v13, v5;
	v13 =	vadd.s32 s26, v0  }
0x22c: {  	v15 =	vld [tilespmem:s30+$0xFFFFFF40];
	[tilespmem:v8+s25+$0x0] =	vst.idx.msk $0xffff, v9;
	v8 =	vadd.f32 v17, v7  }
0x22d: {  	v9 =	vadd.s32 s18, v1;
	v17 =	vld [tilespmem:s12+$0xFFFFFF60];
	[tilespmem:v11+s25+$0x0] =	vst.idx.msk $0xffff, v12;
	v11 =	vadd.f32 v14, v5  }
0x22e: {  	v12 =	vadd.s32 s17, v3;
	v14 =	vld [tilespmem:s14+$0xFFFFFF80];
	[tilespmem:v18+s25+$0x0] =	vst.idx.msk $0xffff, v8;
	v8 =	vadd.f32 v19, v7  }
0x22f: {  	v18 =	vadd.s32 s15, v1;
	v19 =	vld [tilespmem:s10+$0xFFFFFFA0];
	[tilespmem:v10+s25+$0x0] =	vst.idx.msk $0xffff, v11  }
0x230: {  	v11 =	vadd.s32 s19, v3;
	v10 =	vadd.f32 v16, v6;
	v16 =	vld [tilespmem:s7+$0xFFFFFFC0];
	[tilespmem:v13+s25+$0x0] =	vst.idx.msk $0xffff, v8  }
0x231: {  	s24 =	simm.s32 $0x8BF0;
	v13 =	vadd.s32 s5, v1;
	v8 =	vadd.f32 v15, v4;
	v15 =	vld [tilespmem:s22+$0xFFFFFFE0]  }
0x232: {  	v20 =	vld [tilespmem:s24+$0xFFFFFF10];
	[tilespmem:v9+s25+$0x0] =	vst.idx.msk $0xffff, v10;
	v9 =	vadd.f32 v17, v6;
	v10 =	vadd.s32 s20, v3  }
0x233: {  	s8 =	simm.s32 $0x1C;
	v21 =	vadd.s32 s26, v1;
	[tilespmem:v12+s25+$0x0] =	vst.idx.msk $0xffff, v8;
	v8 =	vadd.f32 v14, v4  }
0x234: {  	s29 =	simm.s32 $0x85F0;
	[tilespmem:v18+s25+$0x0] =	vst.idx.msk $0xffff, v9;
	v9 =	vadd.f32 v19, v6;
	v18 =	vadd.s32 s8, v0  }
0x235: {  	s28 =	simm.s32 $0x8BF0;
	s31 =	simm.s32 $0x15;
	s4 =	simm.s32 $0xE;
	v22 =	vld [tilespmem:s23+$0xFFFFFF30];
	[tilespmem:v11+s25+$0x0] =	vst.idx.msk $0xffff, v8;
	v8 =	vadd.f32 v16, v4  }
0x236: {  	s2 =	simm.s32 $0x88F0;
	s3 =	simm.s32 $0xA400;
	s6 =	simm.s32 $0x87F0;
	v23 =	vld [tilespmem:s30+$0xFFFFFF50];
	[tilespmem:v13+s25+$0x0] =	vst.idx.msk $0xffff, v9;
	v9 =	vadd.f32 v15, v6  }
0x237: {  	s0 =	simm.s32 $0x8AF0;
	s9 =	simm.s32 $0x89F0;
	s11 =	simm.s32 $0x7;
	v14 =	vld [tilespmem:s12+$0xFFFFFF70];
	[tilespmem:v10+s25+$0x0] =	vst.idx.msk $0xffff, v8;
	v8 =	vadd.f32 v20, v7  }
0x238: {  	s13 =	simm.s32 $0x3;
	s16 =	simm.s32 $0x14;
	s21 =	simm.s32 $0xA400;
	v12 =	vld [tilespmem:s14+$0xFFFFFF90];
	[tilespmem:v21+s25+$0x0] =	vst.idx.msk $0xffff, v9  }
0x239: {  	s26 =	simm.s32 $0xA400;
	s17 =	simm.s32 $0xA400;
	v17 =	vadd.s32 s18, v2;
	s30 =	simm.s32 $0x84F0;
	v10 =	vld [tilespmem:s10+$0xFFFFFFB0];
	[tilespmem:v18+s25+$0x0] =	vst.idx.msk $0xffff, v8  }
0x23a: {  	s19 =	simm.s32 $0xA400;
	s20 =	simm.s32 $0xA400;
	v16 =	vadd.s32 s31, v0;
	v11 =	vadd.s32 s5, v2;
	v15 =	vadd.s32 s15, v2;
	v9 =	vld [tilespmem:s7+$0xFFFFFFD0];
	[dreg:$0xb] =	wrdreg s30  }
0x23b: {  	s23 =	simm.s32 $0x20;
	s14 =	simm.s32 $0x86F0;
	v13 =	vadd.s32 s4, v0;
	s10 =	simm.s32 $0xA400;
	v19 =	vadd.f32 v22, v5;
	v18 =	vadd.f32 v23, v7;
	v8 =	vld [tilespmem:s22+$0xFFFFFFF0]  }
.LBB2_7:
0x23c: {  	_ =	sdelay $0x1  }
0x23d: {  	v20 =	vld [tilespmem:s24+$0xFFFFFF20];
	v14 =	vadd.f32 v14, v5;
	s22 =	smov.u32 s10;
	[tilespmem:v17+s19+$0x0] =	vst.idx.msk $0xffff, v19;
	v17 =	vadd.s32 s11, v0  }
0x23e: {  	s10 =	smov.u32 s17;
	v12 =	vadd.f32 v12, v7;
	s17 =	smov.u32 s21;
	s21 =	smov.u32 s3;
	v19 =	vld [tilespmem:s0+$0xFFFFFF40];
	[tilespmem:v16+s20+$0x0] =	vst.idx.msk $0xffff, v18;
	v16 =	vadd.s32 s13, v2  }
0x23f: {  	p0 =	slt.u32 s23, $0x7C;
	s30 =	simm.s32 $0xA400;
	s7 =	rddreg [dreg:$0x5];
	v10 =	vadd.f32 v10, v5;
	v18 =	vadd.s32 s8, v1;
	v21 =	vld [tilespmem:s9+$0xFFFFFF60];
	[tilespmem:v15+s21+$0x0] =	vst.idx.msk $0xffff, v14  }
0x240: {  	s1 =	smov.u32 s20;
	s12 =	smov.u32 s30;
	s30 =	rddreg [dreg:$0x7];
	v9 =	vadd.f32 v9, v7;
	v15 =	vld [tilespmem:s2+$0xFFFFFF80];
	[tilespmem:v13+s17+$0x0] =	vst.idx.msk $0xffff, v12  }
0x241: {  	s24 =	sadd.s32 $0x100, s24;
	s25 =	smov.u32 s7;
	s7 =	rddreg [dreg:$0x9];
	v14 =	vadd.s32 s18, v3;
	v8 =	vadd.f32 v8, v5;
	v13 =	vld [tilespmem:s6+$0xFFFFFFA0];
	[tilespmem:v11+s10+$0x0] =	vst.idx.msk $0xffff, v10  }
0x242: {  	s20 =	smov.u32 s19;
	s3 =	smov.u32 s30;
	s30 =	smov.u32 s7;
	v12 =	vadd.s32 s31, v1;
	v10 =	vadd.f32 v20, v6;
	v20 =	vld [tilespmem:s14+$0xFFFFFFC0];
	[tilespmem:v17+s22+$0x0] =	vst.idx.msk $0xffff, v9  }
0x243: {  	s19 =	smov.u32 s16;
	s7 =	rddreg [dreg:$0xb];
	s16 =	smov.u32 s0;
	v11 =	vadd.s32 s15, v3;
	v22 =	vld [tilespmem:s29+$0xFFFFFFE0];
	[tilespmem:v16+s26+$0x0] =	vst.idx.msk $0xffff, v8  }
0x244: {  	v25 =	vadd.s32 s13, v3;
	s0 =	smov.u32 s28;
	s13 =	smov.u32 s11;
	[dreg:$0x5] =	wrdreg s3;
	v9 =	vadd.f32 v19, v4;
	v19 =	vadd.s32 s4, v1;
	[tilespmem:v18+s12+$0x0] =	vst.idx.msk $0xffff, v10  }
0x245: {  	v23 =	vadd.s32 s11, v1;
	s11 =	sadd.s32 $0x3, s25;
	[dreg:$0x9] =	wrdreg s19;
	s3 =	smov.u32 s18;
	v8 =	vadd.f32 v21, v6;
	v10 =	vadd.s32 s5, v3;
	v18 =	vld [tilespmem:s7+$0x0]  }
0x246: {  	s18 =	smov.u32 s8;
	s8 =	smov.u32 s23;
	s19 =	smov.u32 s26;
	v63 =	vld [tilespmem:s24+$0xFFFFFF10];
	[tilespmem:v14+s20+$0x0] =	vst.idx.msk $0xffff, v9;
	v9 =	vadd.f32 v15, v4  }
0x247: {  	v26 =	vadd.s32 s23, v0;
	[dreg:$0x7] =	wrdreg s30;
	s23 =	sadd.s32 $0x4, s23;
	s15 =	smov.u32 s31;
	v24 =	vld [tilespmem:s28+$0xFFFFFF30];
	[tilespmem:v12+s1+$0x0] =	vst.idx.msk $0xffff, v8;
	v8 =	vadd.f32 v13, v6  }
0x248: {  	s7 =	smov.u32 s29;
	s29 =	smov.u32 s6;
	s6 =	smov.u32 s9;
	v27 =	vld [tilespmem:s16+$0xFFFFFF50];
	[tilespmem:v11+s21+$0x0] =	vst.idx.msk $0xffff, v9;
	v9 =	vadd.f32 v20, v4  }
0x249: {  	s31 =	sadd.s32 $0x1, s3;
	s26 =	smov.u32 s14;
	s14 =	smov.u32 s2;
	v14 =	vld [tilespmem:s6+$0xFFFFFF70];
	[tilespmem:v19+s17+$0x0] =	vst.idx.msk $0xffff, v8;
	v8 =	vadd.f32 v22, v6  }
.Ltmp2:
0x24a: {  	s5 =	smov.u32 s4;
	s4 =	sadd.s32 $0x2, s30;
	v12 =	vld [tilespmem:s14+$0xFFFFFF90];
	[tilespmem:v10+s10+$0x0] =	vst.idx.msk $0xffff, v9;
	v11 =	vadd.f32 v18, v4;
	(pc) =	sbr.rel @p0 .LBB2_7-.Ltmp2, $4  }
0x24b: {  	s30 =	simm.s32 $0xA400;
	s9 =	smov.u32 s16;
	s28 =	smov.u32 s24;
	v18 =	vadd.f32 v63, v7;
	v10 =	vld [tilespmem:s29+$0xFFFFFFB0];
	[tilespmem:v23+s22+$0x0] =	vst.idx.msk $0xffff, v8  }
0x24c: {  	v17 =	vadd.s32 s18, v2;
	s2 =	smov.u32 s6;
	[dreg:$0xb] =	wrdreg s7;
	s16 =	smov.u32 s3;
	v9 =	vld [tilespmem:s26+$0xFFFFFFD0];
	[tilespmem:v25+s19+$0x0] =	vst.idx.msk $0xffff, v11  }
0x24d: {  	v16 =	vadd.s32 s31, v0;
	v15 =	vadd.s32 s15, v2;
	v13 =	vadd.s32 s4, v0;
	s3 =	smov.u32 s1;
	s6 =	smov.u32 s14;
	s14 =	smov.u32 s29;
	[tilespmem:v26+s30+$0x0] =	vst.idx.msk $0xffff, v18  }
0x24e: {  	s29 =	smov.u32 s26;
	v19 =	vadd.f32 v24, v5;
	s26 =	smov.u32 s22;
	s19 =	smov.u32 s12;
	v11 =	vadd.s32 s5, v2;
	v18 =	vadd.f32 v27, v7;
	v8 =	vld [tilespmem:s7+$0xFFFFFFF0]  }
0x24f: {  	v20 =	vld [tilespmem:s24+$0xFFFFFF20];
	_ =	sdelay $0x1  }
0x250: {  	v21 =	vadd.s32 s8, v1;
	_ =	sdelay $0x2  }
0x251: {  	v20 =	vadd.f32 v20, v6  }
0x252: {  	s25 =	simm.s32 $0xA400  }
0x253: {  	[tilespmem:v21+s25+$0x0] =	vst.idx.msk $0xffff, v20  }
0x254: {  	v20 =	vld [tilespmem:s28+$0xFFFFFF30];
	_ =	sdelay $0x1  }
0x255: {  	v51 =	vadd.s32 s8, v2  }
0x256: {  	[tilespmem:v17+s19+$0x0] =	vst.idx.msk $0xffff, v19  }
0x257: {  	v17 =	vld [tilespmem:s0+$0xFFFFFF40]  }
0x258: {  	v20 =	vadd.f32 v20, v5  }
0x259: {  	v53 =	vadd.s32 s18, v3  }
0x25a: {  	[tilespmem:v51+s25+$0x0] =	vst.idx.msk $0xffff, v20  }
0x25b: {  	v52 =	vld [tilespmem:s28+$0xFFFFFF40]  }
0x25c: {  	v17 =	vadd.f32 v17, v4  }
0x25d: {  	v54 =	vadd.s32 s8, v3  }
0x25e: {  	[tilespmem:v53+s19+$0x0] =	vst.idx.msk $0xffff, v17  }
0x25f: {  	v17 =	vld [tilespmem:s0+$0xFFFFFF50]  }
0x260: {  	s22 =	sadd.s32 $0x1, s18;
	v19 =	vadd.f32 v52, v4  }
0x261: {  	v55 =	vadd.s32 s22, v0  }
0x262: {  	[tilespmem:v54+s25+$0x0] =	vst.idx.msk $0xffff, v19  }
0x263: {  	v19 =	vld [tilespmem:s28+$0xFFFFFF50]  }
0x264: {  	s23 =	sadd.s32 $0x1, s8;
	v17 =	vadd.f32 v17, v7  }
0x265: {  	v56 =	vadd.s32 s23, v0;
	[tilespmem:v16+s20+$0x0] =	vst.idx.msk $0xffff, v18  }
0x266: {  	v18 =	vld [tilespmem:s9+$0xFFFFFF60];
	[tilespmem:v55+s19+$0x0] =	vst.idx.msk $0xffff, v17  }
0x267: {  	v17 =	vld [tilespmem:s0+$0xFFFFFF60]  }
0x268: {  	v58 =	vadd.s32 s31, v1;
	v57 =	vadd.f32 v19, v7  }
0x269: {  	v60 =	vadd.s32 s22, v1  }
0x26a: {  	[tilespmem:v56+s25+$0x0] =	vst.idx.msk $0xffff, v57  }
0x26b: {  	v18 =	vadd.f32 v18, v6;
	v59 =	vld [tilespmem:s28+$0xFFFFFF60]  }
0x26c: {  	v17 =	vadd.f32 v17, v6  }
0x26d: {  	v61 =	vadd.s32 s23, v1;
	[tilespmem:v58+s20+$0x0] =	vst.idx.msk $0xffff, v18  }
0x26e: {  	v18 =	vld [tilespmem:s9+$0xFFFFFF70];
	[tilespmem:v60+s19+$0x0] =	vst.idx.msk $0xffff, v17  }
0x26f: {  	v17 =	vld [tilespmem:s0+$0xFFFFFF70]  }
0x270: {  	v63 =	vadd.s32 s31, v2;
	v62 =	vadd.f32 v59, v6  }
0x271: {  	v25 =	vadd.s32 s22, v2  }
0x272: {  	v14 =	vadd.f32 v14, v5;
	[tilespmem:v61+s25+$0x0] =	vst.idx.msk $0xffff, v62  }
0x273: {  	v18 =	vadd.f32 v18, v5;
	v24 =	vld [tilespmem:s28+$0xFFFFFF70]  }
0x274: {  	[tilespmem:v15+s3+$0x0] =	vst.idx.msk $0xffff, v14;
	v27 =	vadd.f32 v17, v5  }
0x275: {  	v26 =	vadd.s32 s23, v2;
	v15 =	vld [tilespmem:s2+$0xFFFFFF80];
	[tilespmem:v63+s20+$0x0] =	vst.idx.msk $0xffff, v18  }
0x276: {  	s30 =	smov.u32 s0;
	v29 =	vld [tilespmem:s9+$0xFFFFFF80];
	[tilespmem:v25+s19+$0x0] =	vst.idx.msk $0xffff, v27  }
0x277: {  	v30 =	vadd.s32 s15, v3;
	v31 =	vld [tilespmem:s30+$0xFFFFFF80]  }
0x278: {  	v32 =	vadd.s32 s31, v3;
	v28 =	vadd.f32 v24, v5  }
0x279: {  	v34 =	vadd.s32 s22, v3  }
0x27a: {  	v15 =	vadd.f32 v15, v4;
	[tilespmem:v26+s25+$0x0] =	vst.idx.msk $0xffff, v28  }
0x27b: {  	v17 =	vadd.f32 v29, v4;
	v33 =	vld [tilespmem:s28+$0xFFFFFF80]  }
0x27c: {  	[tilespmem:v30+s3+$0x0] =	vst.idx.msk $0xffff, v15;
	v36 =	vadd.f32 v31, v4  }
0x27d: {  	v35 =	vadd.s32 s23, v3;
	[tilespmem:v32+s20+$0x0] =	vst.idx.msk $0xffff, v17  }
0x27e: {  	[tilespmem:v34+s19+$0x0] =	vst.idx.msk $0xffff, v36  }
0x27f: {  	v15 =	vld [tilespmem:s2+$0xFFFFFF90];
	s0 =	smov.u32 s2;
	s2 =	rddreg [dreg:$0x9]  }
0x280: {  	s15 =	sadd.s32 $0x2, s2;
	v37 =	vadd.f32 v33, v4  }
0x281: {  	v17 =	vld [tilespmem:s9+$0xFFFFFF90];
	v38 =	vadd.s32 s15, v0  }
0x282: {  	s23 =	sadd.s32 $0x2, s16;
	v39 =	vld [tilespmem:s30+$0xFFFFFF90];
	[tilespmem:v35+s25+$0x0] =	vst.idx.msk $0xffff, v37  }
0x283: {  	s1 =	sadd.s32 $0x2, s18;
	v12 =	vadd.f32 v12, v7;
	v40 =	vadd.s32 s23, v0;
	v41 =	vld [tilespmem:s28+$0xFFFFFF90]  }
0x284: {  	s12 =	sadd.s32 $0x2, s8;
	v42 =	vadd.s32 s1, v0;
	v15 =	vadd.f32 v15, v7  }
0x285: {  	v43 =	vadd.s32 s12, v0;
	[tilespmem:v13+s21+$0x0] =	vst.idx.msk $0xffff, v12  }
0x286: {  	v44 =	vadd.f32 v17, v7;
	v13 =	vld [tilespmem:s6+$0xFFFFFFA0];
	[tilespmem:v38+s3+$0x0] =	vst.idx.msk $0xffff, v15  }
0x287: {  	v45 =	vadd.f32 v39, v7;
	v15 =	vld [tilespmem:s0+$0xFFFFFFA0]  }
0x288: {  	v47 =	vadd.s32 s4, v1;
	[tilespmem:v40+s20+$0x0] =	vst.idx.msk $0xffff, v44;
	v46 =	vadd.f32 v41, v7  }
0x289: {  	v48 =	vld [tilespmem:s9+$0xFFFFFFA0];
	[tilespmem:v42+s19+$0x0] =	vst.idx.msk $0xffff, v45;
	v49 =	vadd.s32 s15, v1  }
0x28a: {  	v50 =	vld [tilespmem:s30+$0xFFFFFFA0];
	[tilespmem:v43+s25+$0x0] =	vst.idx.msk $0xffff, v46  }
0x28b: {  	v51 =	vadd.s32 s23, v1;
	v13 =	vadd.f32 v13, v6;
	v52 =	vld [tilespmem:s28+$0xFFFFFFA0]  }
0x28c: {  	v53 =	vadd.s32 s1, v1;
	v15 =	vadd.f32 v15, v6  }
0x28d: {  	v54 =	vadd.s32 s12, v1;
	[tilespmem:v47+s21+$0x0] =	vst.idx.msk $0xffff, v13  }
0x28e: {  	v55 =	vadd.f32 v48, v6;
	v16 =	vld [tilespmem:s6+$0xFFFFFFB0];
	[tilespmem:v49+s3+$0x0] =	vst.idx.msk $0xffff, v15  }
0x28f: {  	v56 =	vadd.f32 v50, v6;
	v15 =	vld [tilespmem:s0+$0xFFFFFFB0]  }
0x290: {  	v58 =	vadd.s32 s4, v2;
	[tilespmem:v51+s20+$0x0] =	vst.idx.msk $0xffff, v55;
	v57 =	vadd.f32 v52, v6  }
0x291: {  	v60 =	vadd.s32 s15, v2;
	v59 =	vld [tilespmem:s9+$0xFFFFFFB0];
	[tilespmem:v53+s19+$0x0] =	vst.idx.msk $0xffff, v56  }
0x292: {  	v10 =	vadd.f32 v10, v5;
	v61 =	vld [tilespmem:s30+$0xFFFFFFB0];
	[tilespmem:v54+s25+$0x0] =	vst.idx.msk $0xffff, v57  }
0x293: {  	v62 =	vadd.s32 s23, v2;
	v16 =	vadd.f32 v16, v5;
	v63 =	vld [tilespmem:s28+$0xFFFFFFB0]  }
0x294: {  	v24 =	vadd.s32 s1, v2;
	[tilespmem:v11+s17+$0x0] =	vst.idx.msk $0xffff, v10;
	v25 =	vadd.f32 v15, v5  }
0x295: {  	v26 =	vadd.s32 s12, v2;
	v27 =	vld [tilespmem:s14+$0xFFFFFFC0];
	[tilespmem:v58+s21+$0x0] =	vst.idx.msk $0xffff, v16  }
0x296: {  	v28 =	vadd.f32 v59, v5;
	v16 =	vld [tilespmem:s6+$0xFFFFFFC0];
	[tilespmem:v60+s3+$0x0] =	vst.idx.msk $0xffff, v25  }
0x297: {  	v30 =	vadd.s32 s5, v3;
	v29 =	vadd.f32 v61, v5;
	v31 =	vld [tilespmem:s0+$0xFFFFFFC0]  }
0x298: {  	v33 =	vadd.s32 s4, v3;
	[tilespmem:v62+s20+$0x0] =	vst.idx.msk $0xffff, v28;
	v32 =	vadd.f32 v63, v5  }
0x299: {  	v35 =	vadd.s32 s15, v3;
	v34 =	vld [tilespmem:s9+$0xFFFFFFC0];
	[tilespmem:v24+s19+$0x0] =	vst.idx.msk $0xffff, v29  }
0x29a: {  	v38 =	vadd.f32 v27, v4;
	v36 =	vld [tilespmem:s30+$0xFFFFFFC0];
	[tilespmem:v26+s25+$0x0] =	vst.idx.msk $0xffff, v32  }
0x29b: {  	v37 =	vadd.s32 s23, v3;
	v16 =	vadd.f32 v16, v4;
	v39 =	vld [tilespmem:s28+$0xFFFFFFC0]  }
0x29c: {  	v40 =	vadd.s32 s1, v3;
	[tilespmem:v30+s17+$0x0] =	vst.idx.msk $0xffff, v38;
	v41 =	vadd.f32 v31, v4  }
0x29d: {  	v42 =	vadd.s32 s12, v3;
	[tilespmem:v33+s21+$0x0] =	vst.idx.msk $0xffff, v16  }
0x29e: {  	s7 =	smov.u32 s14;
	v45 =	vadd.s32 s11, v0;
	v43 =	vld [tilespmem:s14+$0xFFFFFFD0];
	v44 =	vadd.f32 v34, v4;
	s14 =	rddreg [dreg:$0x5];
	[tilespmem:v35+s3+$0x0] =	vst.idx.msk $0xffff, v41  }
0x29f: {  	v47 =	vadd.f32 v36, v4;
	v46 =	vld [tilespmem:s6+$0xFFFFFFD0];
	s15 =	sadd.s32 $0x3, s14;
	s22 =	rddreg [dreg:$0x7]  }
0x2a0: {  	v49 =	vld [tilespmem:s0+$0xFFFFFFD0];
	[tilespmem:v37+s20+$0x0] =	vst.idx.msk $0xffff, v44;
	v48 =	vadd.s32 s15, v0;
	s4 =	sadd.s32 $0x3, s22;
	v50 =	vadd.f32 v39, v4  }
0x2a1: {  	v9 =	vadd.f32 v9, v7;
	s2 =	sadd.s32 $0x3, s2;
	[tilespmem:v40+s19+$0x0] =	vst.idx.msk $0xffff, v47;
	v52 =	vld [tilespmem:s9+$0xFFFFFFD0];
	v51 =	vadd.s32 s4, v0  }
0x2a2: {  	s23 =	sadd.s32 $0x3, s16;
	v53 =	vadd.s32 s2, v0;
	v20 =	vld [tilespmem:s30+$0xFFFFFFD0];
	[tilespmem:v42+s25+$0x0] =	vst.idx.msk $0xffff, v50  }
0x2a3: {  	s24 =	sadd.s32 $0x3, s18;
	v55 =	vadd.s32 s23, v0;
	v54 =	vadd.f32 v43, v7;
	[tilespmem:v45+s10+$0x0] =	vst.idx.msk $0xffff, v9;
	v56 =	vld [tilespmem:s28+$0xFFFFFFD0]  }
0x2a4: {  	s12 =	sadd.s32 $0x3, s8;
	v58 =	vadd.s32 s24, v0;
	v57 =	vadd.f32 v46, v7;
	v59 =	vld [tilespmem:s29+$0xFFFFFFE0]  }
0x2a5: {  	v61 =	vadd.s32 s12, v0;
	v60 =	vadd.f32 v49, v7;
	[tilespmem:v48+s17+$0x0] =	vst.idx.msk $0xffff, v54  }
0x2a6: {  	v24 =	vadd.s32 s11, v1;
	v63 =	vadd.f32 v52, v7;
	v62 =	vld [tilespmem:s7+$0xFFFFFFE0];
	[tilespmem:v51+s21+$0x0] =	vst.idx.msk $0xffff, v57  }
0x2a7: {  	v39 =	vadd.s32 s13, v2;
	v26 =	vadd.f32 v20, v7;
	[tilespmem:v53+s3+$0x0] =	vst.idx.msk $0xffff, v60;
	v25 =	vld [tilespmem:s6+$0xFFFFFFE0]  }
0x2a8: {  	v27 =	vadd.s32 s15, v1;
	v28 =	vld [tilespmem:s0+$0xFFFFFFE0];
	[tilespmem:v55+s20+$0x0] =	vst.idx.msk $0xffff, v63;
	v7 =	vadd.f32 v56, v7  }
0x2a9: {  	v29 =	vadd.s32 s4, v1;
	v30 =	vadd.f32 v59, v6;
	[tilespmem:v58+s19+$0x0] =	vst.idx.msk $0xffff, v26;
	v14 =	vld [tilespmem:s9+$0xFFFFFFE0]  }
0x2aa: {  	v8 =	vadd.f32 v8, v5;
	v31 =	vadd.s32 s2, v1;
	v32 =	vld [tilespmem:s30+$0xFFFFFFE0];
	[tilespmem:v61+s25+$0x0] =	vst.idx.msk $0xffff, v7  }
0x2ab: {  	v33 =	vadd.s32 s23, v1;
	[tilespmem:v24+s10+$0x0] =	vst.idx.msk $0xffff, v30;
	v7 =	vadd.f32 v62, v6;
	v34 =	vld [tilespmem:s28+$0xFFFFFFE0]  }
0x2ac: {  	v36 =	vadd.s32 s24, v1;
	[tilespmem:v39+s26+$0x0] =	vst.idx.msk $0xffff, v8;
	v35 =	vadd.f32 v25, v6  }
0x2ad: {  	v38 =	vadd.s32 s12, v1;
	v37 =	vld [tilespmem:s29+$0xFFFFFFF0];
	[tilespmem:v27+s17+$0x0] =	vst.idx.msk $0xffff, v7;
	v7 =	vadd.f32 v28, v6  }
0x2ae: {  	v41 =	vadd.f32 v14, v6;
	[tilespmem:v29+s21+$0x0] =	vst.idx.msk $0xffff, v35;
	v40 =	vld [tilespmem:s7+$0xFFFFFFF0]  }
0x2af: {  	v42 =	vadd.s32 s11, v2;
	v43 =	vld [tilespmem:s6+$0xFFFFFFF0];
	[tilespmem:v31+s3+$0x0] =	vst.idx.msk $0xffff, v7;
	v7 =	vadd.f32 v32, v6  }
0x2b0: {  	v44 =	vadd.s32 s15, v2;
	[tilespmem:v33+s20+$0x0] =	vst.idx.msk $0xffff, v41;
	v45 =	vld [tilespmem:s0+$0xFFFFFFF0];
	v6 =	vadd.f32 v34, v6  }
0x2b1: {  	v46 =	vadd.s32 s4, v2;
	v12 =	vld [tilespmem:s9+$0xFFFFFFF0];
	[tilespmem:v36+s19+$0x0] =	vst.idx.msk $0xffff, v7  }
0x2b2: {  	v47 =	vadd.s32 s2, v2;
	v7 =	vadd.f32 v37, v5;
	v48 =	vld [tilespmem:s30+$0xFFFFFFF0];
	[tilespmem:v38+s25+$0x0] =	vst.idx.msk $0xffff, v6  }
0x2b3: {  	s31 =	smov.u32 s3;
	v8 =	vadd.s32 s23, v2;
	v6 =	vadd.f32 v40, v5;
	v11 =	vld [tilespmem:s28+$0xFFFFFFF0];
	s3 =	rddreg [dreg:$0xb]  }
0x2b4: {  	v50 =	vadd.s32 s24, v2;
	[tilespmem:v42+s10+$0x0] =	vst.idx.msk $0xffff, v7;
	v7 =	vadd.f32 v43, v5;
	v49 =	vld [tilespmem:s3+$0x0]  }
0x2b5: {  	v52 =	vadd.s32 s12, v2;
	v51 =	vld [tilespmem:s29+$0x0];
	[tilespmem:v44+s17+$0x0] =	vst.idx.msk $0xffff, v6;
	v6 =	vadd.f32 v45, v5  }
0x2b6: {  	v53 =	vadd.s32 s13, v3;
	v54 =	vld [tilespmem:s7+$0x0];
	[tilespmem:v46+s21+$0x0] =	vst.idx.msk $0xffff, v7;
	v7 =	vadd.f32 v12, v5  }
0x2b7: {  	v55 =	vadd.s32 s11, v3;
	v56 =	vld [tilespmem:s6+$0x0];
	[tilespmem:v47+s31+$0x0] =	vst.idx.msk $0xffff, v6;
	v6 =	vadd.f32 v48, v5  }
0x2b8: {  	v57 =	vadd.s32 s15, v3;
	v58 =	vld [tilespmem:s0+$0x0];
	[tilespmem:v8+s20+$0x0] =	vst.idx.msk $0xffff, v7;
	v5 =	vadd.f32 v11, v5  }
0x2b9: {  	v8 =	vadd.s32 s4, v3;
	v59 =	vld [tilespmem:s9+$0x0];
	[tilespmem:v50+s19+$0x0] =	vst.idx.msk $0xffff, v6;
	v7 =	vadd.f32 v49, v4  }
0x2ba: {  	v60 =	vadd.s32 s2, v3;
	v6 =	vadd.f32 v51, v4;
	v61 =	vld [tilespmem:s30+$0x0];
	[tilespmem:v52+s25+$0x0] =	vst.idx.msk $0xffff, v5  }
0x2bb: {  	v5 =	vadd.f32 v54, v4;
	[tilespmem:v53+s26+$0x0] =	vst.idx.msk $0xffff, v7;
	v7 =	vadd.s32 s23, v3;
	v16 =	vld [tilespmem:s28+$0x0]  }
0x2bc: {  	v62 =	vadd.s32 s24, v3;
	[tilespmem:v55+s10+$0x0] =	vst.idx.msk $0xffff, v6;
	v6 =	vadd.f32 v56, v4  }
0x2bd: {  	v63 =	vadd.s32 s12, v3;
	s29 =	simm.s32 $0x0;
	[tilespmem:v57+s17+$0x0] =	vst.idx.msk $0xffff, v5;
	v5 =	vadd.f32 v58, v4  }
0x2be: {  	s1 =	sand.u32 $0x3, s29;
	s26 =	simm.s32 $0x0;
	[tilespmem:v8+s21+$0x0] =	vst.idx.msk $0xffff, v6;
	v6 =	vadd.f32 v59, v4  }
0x2bf: {  	s1 =	sshll.u32 s1, $0x3;
	s0 =	sand.u32 $0x20, s26;
	[tilespmem:v60+s31+$0x0] =	vst.idx.msk $0xffff, v5;
	v5 =	vadd.f32 v61, v4  }
0x2c0: {  	s0 =	sor.u32 s1, s0;
	[tilespmem:v7+s20+$0x0] =	vst.idx.msk $0xffff, v6;
	v4 =	vadd.f32 v16, v4  }
0x2c1: {  	s0 =	sshrl.u32 s0, $0x2;
	[tilespmem:v62+s19+$0x0] =	vst.idx.msk $0xffff, v5  }
0x2c2: {  	s4 =	sadd.s32 $0xA400, s0;
	[tilespmem:v63+s25+$0x0] =	vst.idx.msk $0xffff, v4  }
0x2c3: {  	v4 =	vld [tilespmem:s4+$0x0]  }
0x2c4: {  	s7 =	simm.s32 $0x0  }
0x2c5: {  	s8 =	sand.u32 $0x1C00, s7  }
0x2c6: {  	s10 =	sand.u32 $0x300, s7;
	s0 =	sadd.s32 $0xE800, s8  }
0x2c7: {  	s11 =	sor.u32 s10, s0  }
0x2c8: {  	[tilespmem:s11+$0x0] =	vst v4  }
0x2c9: {  	v4 =	vld [tilespmem:s4+$0x10];
	_ =	sdelay $0x4  }
0x2ca: {  	[tilespmem:s11+$0x10] =	vst v4  }
0x2cb: {  	v4 =	vld [tilespmem:s4+$0x20];
	_ =	sdelay $0x1  }
0x2cc: {  	s13 =	simm.s32 $0x1  }
0x2cd: {  	s14 =	simm.s32 $0x8;
	s2 =	sand.u32 $0x3, s13  }
0x2ce: {  	s2 =	sshll.u32 s2, $0x3;
	s3 =	sand.u32 $0x20, s14  }
0x2cf: {  	s2 =	sor.u32 s2, s3;
	[tilespmem:s11+$0x20] =	vst v4  }
0x2d0: {  	s2 =	sshrl.u32 s2, $0x2;
	v4 =	vld [tilespmem:s4+$0x30]  }
0x2d1: {  	s2 =	sadd.s32 $0xA520, s2  }
0x2d2: {  	v5 =	vld [tilespmem:s2+$0x0]  }
0x2d3: {  	s15 =	simm.s32 $0x100  }
0x2d4: {  	s16 =	sand.u32 $0x1C00, s15  }
0x2d5: {  	s3 =	sadd.s32 $0xE800, s16;
	s17 =	sand.u32 $0x300, s15;
	[tilespmem:s11+$0x30] =	vst v4  }
0x2d6: {  	s7 =	sor.u32 s17, s3;
	v4 =	vld [tilespmem:s4+$0x40]  }
0x2d7: {  	[tilespmem:s7+$0x0] =	vst v5  }
0x2d8: {  	v5 =	vld [tilespmem:s2+$0x10];
	_ =	sdelay $0x2  }
0x2d9: {  	[tilespmem:s11+$0x40] =	vst v4  }
0x2da: {  	v4 =	vld [tilespmem:s4+$0x50]  }
0x2db: {  	[tilespmem:s7+$0x10] =	vst v5  }
0x2dc: {  	v5 =	vld [tilespmem:s2+$0x20];
	_ =	sdelay $0x1  }
0x2dd: {  	s18 =	simm.s32 $0x2  }
0x2de: {  	s5 =	sand.u32 $0x3, s18;
	s19 =	simm.s32 $0x10;
	[tilespmem:s11+$0x50] =	vst v4  }
0x2df: {  	s5 =	sshll.u32 s5, $0x3;
	s6 =	sand.u32 $0x20, s19;
	v4 =	vld [tilespmem:s4+$0x60]  }
0x2e0: {  	s5 =	sor.u32 s5, s6;
	[tilespmem:s7+$0x20] =	vst v5  }
0x2e1: {  	s5 =	sshrl.u32 s5, $0x2;
	v5 =	vld [tilespmem:s2+$0x30]  }
0x2e2: {  	s20 =	simm.s32 $0x200;
	s10 =	sadd.s32 $0xA640, s5  }
0x2e3: {  	s21 =	sand.u32 $0x1C00, s20;
	v6 =	vld [tilespmem:s10+$0x0]  }
0x2e4: {  	s23 =	sadd.s32 $0xE800, s21;
	[tilespmem:s11+$0x60] =	vst v4  }
0x2e5: {  	[dreg:$0xd] =	wrdreg s23  }
0x2e6: {  	s22 =	sand.u32 $0x300, s20;
	[tilespmem:s7+$0x30] =	vst v5;
	v4 =	vld [tilespmem:s4+$0x70]  }
0x2e7: {  	s24 =	sand.u32 $0xF, s29;
	s12 =	sor.u32 s22, s23;
	v5 =	vld [tilespmem:s2+$0x40]  }
0x2e8: {  	s23 =	sadd.s32 $0x0, s24;
	[tilespmem:s12+$0x0] =	vst v6  }
0x2e9: {  	s25 =	simm.s32 $0x1;
	s26 =	sadd.s32 $0x91, s23;
	v6 =	vld [tilespmem:s10+$0x10]  }
0x2ea: {  	s31 =	sand.u32 $0x7, s25;
	s6 =	sand.u32 $0x3FF8, s26  }
0x2eb: {  	s18 =	sor.u32 s31, s6;
	[tilespmem:s11+$0x70] =	vst v4  }
0x2ec: {  	[tilespmem:s7+$0x40] =	vst v5;
	v4 =	vld [tilespmem:s18+$0xA400]  }
0x2ed: {  	v5 =	vld [tilespmem:s2+$0x50]  }
0x2ee: {  	s29 =	simm.s32 $0x80;
	[tilespmem:s12+$0x10] =	vst v6  }
0x2ef: {  	s4 =	sand.u32 $0x380, s29;
	s11 =	sadd.s32 $0xA1, s23;
	v6 =	vld [tilespmem:s10+$0x20]  }
0x2f0: {  	s1 =	simm.s32 $0x3;
	s0 =	sor.u32 s4, s0;
	s13 =	sand.u32 $0x7FE8, s11  }
0x2f1: {  	s5 =	simm.s32 $0x18;
	s6 =	sand.u32 $0x3, s1;
	s4 =	sor.u32 s31, s13;
	[tilespmem:s0+$0x0] =	vst v4  }
0x2f2: {  	s8 =	sand.u32 $0x20, s5;
	s6 =	sshll.u32 s6, $0x3;
	[tilespmem:s7+$0x50] =	vst v5;
	v4 =	vld [tilespmem:s4+$0xA400]  }
0x2f3: {  	s6 =	sor.u32 s6, s8;
	v5 =	vld [tilespmem:s2+$0x60]  }
0x2f4: {  	s14 =	sshrl.u32 s6, $0x2;
	[tilespmem:s12+$0x20] =	vst v6  }
0x2f5: {  	s8 =	sadd.s32 $0xA760, s14;
	v6 =	vld [tilespmem:s10+$0x30]  }
0x2f6: {  	s15 =	simm.s32 $0x300;
	v7 =	vld [tilespmem:s8+$0x0]  }
0x2f7: {  	s16 =	sand.u32 $0x1C00, s15;
	[tilespmem:s0+$0x10] =	vst v4  }
0x2f8: {  	s19 =	sadd.s32 $0xE800, s16;
	[tilespmem:s7+$0x60] =	vst v5  }
0x2f9: {  	s17 =	sand.u32 $0x300, s15;
	v4 =	vld [tilespmem:s18+$0xA420];
	[dreg:$0xf] =	wrdreg s19  }
0x2fa: {  	s20 =	simm.s32 $0x2;
	s9 =	sor.u32 s17, s19;
	[tilespmem:s12+$0x30] =	vst v6;
	v5 =	vld [tilespmem:s2+$0x70]  }
0x2fb: {  	s21 =	sand.u32 $0xF, s20;
	[tilespmem:s9+$0x0] =	vst v7;
	v6 =	vld [tilespmem:s10+$0x40]  }
0x2fc: {  	s22 =	sadd.s32 $0xC1, s23;
	s6 =	sadd.s32 $0x120, s21;
	v7 =	vld [tilespmem:s8+$0x10]  }
0x2fd: {  	s24 =	simm.s32 $0x3;
	s26 =	sand.u32 $0x7FE8, s22;
	s25 =	sadd.s32 $0x91, s6  }
0x2fe: {  	s29 =	sor.u32 s31, s26;
	s13 =	sand.u32 $0x3FF8, s25;
	s2 =	sand.u32 $0x7, s24;
	[tilespmem:s0+$0x20] =	vst v4  }
0x2ff: {  	v4 =	vld [tilespmem:s29+$0xA400];
	[tilespmem:s7+$0x70] =	vst v5;
	s7 =	sor.u32 s2, s13  }
0x300: {  	[tilespmem:s12+$0x40] =	vst v6;
	v5 =	vld [tilespmem:s7+$0xA400]  }
0x301: {  	[tilespmem:s9+$0x10] =	vst v7;
	v6 =	vld [tilespmem:s10+$0x50]  }
0x302: {  	s5 =	simm.s32 $0x20;
	s1 =	simm.s32 $0x180;
	v7 =	vld [tilespmem:s8+$0x20]  }
0x303: {  	s11 =	sand.u32 $0x380, s1;
	s16 =	sadd.s32 $0xA1, s6;
	s4 =	simm.s32 $0x4  }
0x304: {  	s3 =	sor.u32 s11, s3;
	s17 =	sand.u32 $0x7FE8, s16;
	s13 =	sand.u32 $0x3, s4;
	[tilespmem:s0+$0x30] =	vst v4  }
0x305: {  	s14 =	sand.u32 $0x20, s5;
	s11 =	sor.u32 s2, s17;
	s13 =	sshll.u32 s13, $0x3;
	v4 =	vld [tilespmem:s18+$0xA440];
	[tilespmem:s3+$0x0] =	vst v5  }
0x306: {  	s13 =	sor.u32 s13, s14;
	[tilespmem:s12+$0x50] =	vst v6;
	v5 =	vld [tilespmem:s11+$0xA400]  }
0x307: {  	s19 =	sshrl.u32 s13, $0x2;
	[tilespmem:s9+$0x20] =	vst v7;
	v6 =	vld [tilespmem:s10+$0x60]  }
0x308: {  	s20 =	sadd.s32 $0xE1, s23;
	s15 =	sadd.s32 $0xA880, s19;
	v7 =	vld [tilespmem:s8+$0x30]  }
0x309: {  	v8 =	vld [tilespmem:s15+$0x0];
	s11 =	sand.u32 $0x7FE8, s20  }
0x30a: {  	s21 =	simm.s32 $0x400;
	s11 =	sor.u32 s31, s11;
	[tilespmem:s0+$0x40] =	vst v4  }
0x30b: {  	s22 =	sand.u32 $0x1C00, s21;
	v4 =	vld [tilespmem:s11+$0xA400];
	[tilespmem:s3+$0x10] =	vst v5  }
0x30c: {  	s16 =	sadd.s32 $0xE800, s22;
	s24 =	sand.u32 $0x300, s21;
	[tilespmem:s12+$0x60] =	vst v6;
	v5 =	vld [tilespmem:s7+$0xA420]  }
0x30d: {  	s28 =	simm.s32 $0x5;
	s13 =	sor.u32 s24, s16;
	s19 =	simm.s32 $0x4;
	[tilespmem:s9+$0x30] =	vst v7;
	v6 =	vld [tilespmem:s10+$0x70]  }
0x30e: {  	s23 =	sadd.s32 $0x101, s23;
	s22 =	simm.s32 $0x280;
	s25 =	sand.u32 $0xF, s19;
	[tilespmem:s13+$0x0] =	vst v8;
	v7 =	vld [tilespmem:s8+$0x40]  }
0x30f: {  	s26 =	sadd.s32 $0xC1, s6;
	s30 =	sand.u32 $0x380, s22;
	v8 =	vld [tilespmem:s15+$0x10];
	s11 =	sadd.s32 $0x240, s25  }
0x310: {  	s29 =	simm.s32 $0x5;
	s4 =	sand.u32 $0x7FE8, s26;
	s1 =	sadd.s32 $0x91, s11;
	[tilespmem:s0+$0x50] =	vst v4  }
0x311: {  	s5 =	sand.u32 $0x3FF8, s1;
	s10 =	sand.u32 $0x7, s29;
	s29 =	sor.u32 s2, s4;
	v4 =	vld [tilespmem:s18+$0xA460];
	[tilespmem:s3+$0x20] =	vst v5  }
0x312: {  	s21 =	simm.s32 $0x240;
	s17 =	simm.s32 $0x6;
	[tilespmem:s12+$0x70] =	vst v6;
	s12 =	sor.u32 s10, s5;
	v5 =	vld [tilespmem:s29+$0xA400]  }
0x313: {  	s26 =	simm.s32 $0xA;
	s14 =	simm.s32 $0x380;
	s24 =	simm.s32 $0x8;
	[tilespmem:s9+$0x40] =	vst v7;
	v6 =	vld [tilespmem:s12+$0xA400]  }
0x314: {  	s20 =	simm.s32 $0x4;
	s25 =	simm.s32 $0xA880;
	[tilespmem:s13+$0x10] =	vst v8;
	s18 =	simm.s32 $0x480;
	v7 =	vld [tilespmem:s8+$0x50]  }
.LBB2_9:
0x315: {  	s29 =	sshll.u32 s26, $0x2;
	v8 =	vld [tilespmem:s15+$0x20];
	s1 =	sand.u32 $0x7FE8, s23  }
0x316: {  	s4 =	sand.u32 $0x3, s28;
	[tilespmem:s0+$0x60] =	vst v4;
	s1 =	sor.u32 s31, s1;
	s31 =	rddreg [dreg:$0xd]  }
0x317: {  	s22 =	smov.u32 s14;
	s5 =	sadd.s32 $0xA1, s11;
	s30 =	sor.u32 s30, s31;
	[tilespmem:s3+$0x30] =	vst v5  }
0x318: {  	s29 =	sand.u32 $0x20, s29;
	s5 =	sand.u32 $0x7FE8, s5;
	s4 =	sshll.u32 s4, $0x3;
	v4 =	vld [tilespmem:s1+$0xA400];
	[tilespmem:s30+$0x0] =	vst v6  }
0x319: {  	s5 =	sor.u32 s10, s5;
	s1 =	sor.u32 s4, s29;
	s4 =	rddreg [dreg:$0xf];
	v5 =	vld [tilespmem:s7+$0xA440];
	[tilespmem:s9+$0x50] =	vst v7  }
0x31a: {  	s14 =	smov.u32 s18;
	s25 =	sadd.s32 $0x120, s25;
	s29 =	smov.u32 s4;
	v6 =	vld [tilespmem:s5+$0xA400];
	[tilespmem:s13+$0x20] =	vst v8  }
0x31b: {  	s1 =	sshrl.u32 s1, $0x2;
	[dreg:$0xd] =	wrdreg s29;
	s29 =	smov.u32 s16;
	v7 =	vld [tilespmem:s8+$0x60]  }
0x31c: {  	s1 =	sadd.s32 s1, s25;
	[dreg:$0xf] =	wrdreg s29;
	s29 =	smov.u32 s6;
	v8 =	vld [tilespmem:s15+$0x30]  }
0x31d: {  	s18 =	sadd.s32 $0x100, s18;
	v9 =	vld [tilespmem:s1+$0x0];
	s4 =	sadd.s32 $0xE1, s29;
	[tilespmem:s0+$0x70] =	vst v4;
	s0 =	smov.u32 s3  }
0x31e: {  	s16 =	sadd.s32 $0xFFFFFF80, s18;
	s5 =	sand.u32 $0x7FE8, s4;
	s3 =	smov.u32 s30;
	[tilespmem:s0+$0x40] =	vst v5  }
0x31f: {  	s23 =	smov.u32 s24;
	s4 =	sand.u32 $0x1C00, s16;
	s5 =	sor.u32 s2, s5;
	[tilespmem:s3+$0x10] =	vst v6  }
0x320: {  	s6 =	smov.u32 s11;
	s11 =	sand.u32 $0x300, s16;
	s16 =	sadd.s32 $0xE800, s4;
	v4 =	vld [tilespmem:s5+$0xA400];
	[tilespmem:s9+$0x60] =	vst v7  }
0x321: {  	s24 =	sadd.s32 $0x2, s24;
	s19 =	sadd.s32 $0x2, s19;
	s5 =	sor.u32 s11, s16;
	v5 =	vld [tilespmem:s12+$0xA420];
	[tilespmem:s13+$0x30] =	vst v8  }
0x322: {  	s21 =	sadd.s32 $0x120, s21;
	p0 =	slt.u32 s24, $0x3E;
	v6 =	vld [tilespmem:s8+$0x70];
	s8 =	smov.u32 s15;
	[tilespmem:s5+$0x0] =	vst v9  }
0x323: {  	s31 =	smov.u32 s2;
	s30 =	smov.u32 s7;
	s15 =	smov.u32 s1;
	v7 =	vld [tilespmem:s8+$0x40]  }
0x324: {  	s7 =	smov.u32 s12;
	s2 =	smov.u32 s10;
	s4 =	sand.u32 $0xF, s19;
	v8 =	vld [tilespmem:s15+$0x10]  }
0x325: {  	s10 =	sadd.s32 $0xC1, s6;
	s11 =	sadd.s32 s4, s21;
	s4 =	sadd.s32 $0x3, s20;
	[tilespmem:s0+$0x50] =	vst v4  }
.Ltmp3:
0x326: {  	s20 =	sadd.s32 $0x91, s11;
	s1 =	sand.u32 $0x7FE8, s10;
	[tilespmem:s3+$0x20] =	vst v5;
	(pc) =	sbr.rel @p0 .LBB2_9-.Ltmp3, $4  }
0x327: {  	s12 =	sand.u32 $0x3FF8, s20;
	s10 =	sand.u32 $0x7, s4;
	s1 =	sor.u32 s2, s1;
	v4 =	vld [tilespmem:s30+$0xA460];
	[tilespmem:s9+$0x70] =	vst v6  }
0x328: {  	s12 =	sor.u32 s10, s12;
	s9 =	smov.u32 s13;
	v5 =	vld [tilespmem:s1+$0xA400];
	[tilespmem:s13+$0x40] =	vst v7;
	s13 =	smov.u32 s5  }
0x329: {  	s26 =	sadd.s32 $0x2, s26;
	s28 =	sadd.s32 $0x1, s28;
	s20 =	smov.u32 s17;
	v6 =	vld [tilespmem:s12+$0xA400];
	[tilespmem:s13+$0x10] =	vst v8  }
0x32a: {  	s17 =	smov.u32 s23;
	s23 =	sadd.s32 $0x101, s29;
	s30 =	sand.u32 $0x380, s22;
	v7 =	vld [tilespmem:s8+$0x50]  }
0x32b: {  	v8 =	vld [tilespmem:s15+$0x20];
	_ =	sdelay $0x4  }
0x32c: {  	[tilespmem:s13+$0x20] =	vst v8  }
0x32d: {  	v8 =	vld [tilespmem:s15+$0x30];
	_ =	sdelay $0x4  }
0x32e: {  	[tilespmem:s13+$0x30] =	vst v8  }
0x32f: {  	v8 =	vld [tilespmem:s15+$0x40];
	_ =	sdelay $0x4  }
0x330: {  	[tilespmem:s13+$0x40] =	vst v8  }
0x331: {  	v8 =	vld [tilespmem:s15+$0x50];
	_ =	sdelay $0x3  }
0x332: {  	[tilespmem:s9+$0x50] =	vst v7  }
0x333: {  	v7 =	vld [tilespmem:s8+$0x60];
	[tilespmem:s13+$0x50] =	vst v8  }
0x334: {  	v8 =	vld [tilespmem:s15+$0x60];
	_ =	sdelay $0x3  }
0x335: {  	[tilespmem:s9+$0x60] =	vst v7  }
0x336: {  	s1 =	sadd.s32 $0x2, s19;
	s26 =	sadd.s32 $0x120, s21;
	v7 =	vld [tilespmem:s8+$0x70];
	[tilespmem:s13+$0x60] =	vst v8  }
0x337: {  	s20 =	sadd.s32 $0x3, s20;
	s5 =	sand.u32 $0xF, s1;
	s1 =	sadd.s32 $0x2, s1;
	v8 =	vld [tilespmem:s15+$0x70]  }
0x338: {  	s28 =	sadd.s32 $0x120, s26;
	s1 =	sand.u32 $0xF, s1;
	s8 =	sadd.s32 s5, s26  }
0x339: {  	s29 =	sadd.s32 $0x3, s17;
	s19 =	sadd.s32 s1, s28;
	s5 =	sadd.s32 $0x91, s8  }
0x33a: {  	s4 =	sadd.s32 $0x91, s19;
	s5 =	sand.u32 $0x3FF8, s5;
	s15 =	sand.u32 $0x7, s20  }
0x33b: {  	s21 =	sand.u32 $0x3FF8, s4;
	[tilespmem:s9+$0x70] =	vst v7;
	s9 =	sand.u32 $0x7, s29;
	s17 =	sor.u32 s15, s5  }
0x33c: {  	s22 =	sadd.s32 $0xA1, s11;
	s20 =	sor.u32 s9, s21;
	v7 =	vld [tilespmem:s17+$0xA400];
	[tilespmem:s13+$0x70] =	vst v8  }
0x33d: {  	s24 =	sand.u32 $0x380, s14;
	s1 =	sand.u32 $0x7FE8, s22;
	v8 =	vld [tilespmem:s20+$0xA400]  }
0x33e: {  	s1 =	sor.u32 s10, s1;
	s25 =	sadd.s32 $0xA1, s8;
	s4 =	rddreg [dreg:$0xd]  }
0x33f: {  	s28 =	sand.u32 $0x7FE8, s25;
	s26 =	rddreg [dreg:$0xf];
	s5 =	sor.u32 s30, s4  }
0x340: {  	s29 =	sand.u32 $0x380, s18;
	s4 =	sor.u32 s24, s26;
	s30 =	sadd.s32 $0xA1, s19;
	[tilespmem:s5+$0x0] =	vst v6  }
0x341: {  	s21 =	sor.u32 s15, s28;
	s13 =	sor.u32 s29, s16;
	[tilespmem:s4+$0x0] =	vst v7;
	s22 =	sand.u32 $0x7FE8, s30;
	v6 =	vld [tilespmem:s1+$0xA400]  }
0x342: {  	v7 =	vld [tilespmem:s21+$0xA400];
	s24 =	sor.u32 s9, s22;
	[tilespmem:s13+$0x0] =	vst v8  }
0x343: {  	v8 =	vld [tilespmem:s24+$0xA400];
	_ =	sdelay $0x2  }
0x344: {  	[tilespmem:s5+$0x10] =	vst v6  }
0x345: {  	[tilespmem:s4+$0x10] =	vst v7;
	v6 =	vld [tilespmem:s12+$0xA420]  }
0x346: {  	v7 =	vld [tilespmem:s17+$0xA420];
	[tilespmem:s13+$0x10] =	vst v8  }
0x347: {  	v8 =	vld [tilespmem:s20+$0xA420]  }
0x348: {  	s25 =	sadd.s32 $0xC1, s11  }
0x349: {  	s26 =	sadd.s32 $0xC1, s8;
	s1 =	sand.u32 $0x7FE8, s25  }
0x34a: {  	s28 =	sadd.s32 $0xC1, s19;
	s14 =	sand.u32 $0x7FE8, s26;
	s1 =	sor.u32 s10, s1;
	[tilespmem:s5+$0x20] =	vst v6  }
0x34b: {  	s30 =	sand.u32 $0x7FE8, s28;
	s29 =	sor.u32 s15, s14;
	[tilespmem:s4+$0x20] =	vst v7;
	v6 =	vld [tilespmem:s1+$0xA400]  }
0x34c: {  	s14 =	sor.u32 s9, s30;
	v7 =	vld [tilespmem:s29+$0xA400];
	[tilespmem:s13+$0x20] =	vst v8  }
0x34d: {  	v8 =	vld [tilespmem:s14+$0xA400];
	_ =	sdelay $0x1  }
0x34e: {  	[tilespmem:s3+$0x30] =	vst v5  }
0x34f: {  	v5 =	vld [tilespmem:s7+$0xA440];
	[tilespmem:s5+$0x30] =	vst v6  }
0x350: {  	[tilespmem:s4+$0x30] =	vst v7;
	v6 =	vld [tilespmem:s12+$0xA440]  }
0x351: {  	v7 =	vld [tilespmem:s17+$0xA440];
	[tilespmem:s13+$0x30] =	vst v8  }
0x352: {  	s16 =	sadd.s32 $0xE1, s6;
	v8 =	vld [tilespmem:s20+$0xA440]  }
0x353: {  	s18 =	sadd.s32 $0xE1, s11;
	s1 =	sand.u32 $0x7FE8, s16  }
0x354: {  	s21 =	sadd.s32 $0xE1, s8;
	[tilespmem:s3+$0x40] =	vst v5;
	s1 =	sor.u32 s2, s1;
	s14 =	sand.u32 $0x7FE8, s18  }
0x355: {  	s25 =	sadd.s32 $0xE1, s19;
	s24 =	sand.u32 $0x7FE8, s21;
	v5 =	vld [tilespmem:s1+$0xA400];
	s22 =	sor.u32 s10, s14;
	[tilespmem:s5+$0x40] =	vst v6  }
0x356: {  	s28 =	sand.u32 $0x7FE8, s25;
	s26 =	sor.u32 s15, s24;
	[tilespmem:s4+$0x40] =	vst v7;
	v6 =	vld [tilespmem:s22+$0xA400]  }
0x357: {  	s29 =	sor.u32 s9, s28;
	v7 =	vld [tilespmem:s26+$0xA400];
	[tilespmem:s13+$0x40] =	vst v8  }
0x358: {  	v8 =	vld [tilespmem:s29+$0xA400];
	_ =	sdelay $0x1  }
0x359: {  	[tilespmem:s3+$0x50] =	vst v5  }
0x35a: {  	v5 =	vld [tilespmem:s7+$0xA460];
	[tilespmem:s5+$0x50] =	vst v6  }
0x35b: {  	[tilespmem:s4+$0x50] =	vst v7;
	v6 =	vld [tilespmem:s12+$0xA460]  }
0x35c: {  	v7 =	vld [tilespmem:s17+$0xA460];
	[tilespmem:s13+$0x50] =	vst v8  }
0x35d: {  	s30 =	sand.u32 $0x7FE8, s23;
	s7 =	sadd.s32 $0x101, s6;
	v8 =	vld [tilespmem:s20+$0xA460]  }
0x35e: {  	[tilespmem:s0+$0x60] =	vst v4;
	s1 =	sor.u32 s31, s30;
	s6 =	sand.u32 $0x7FE8, s7;
	s12 =	sadd.s32 $0x101, s11  }
0x35f: {  	v4 =	vld [tilespmem:s1+$0xA400];
	s14 =	sor.u32 s2, s6;
	[tilespmem:s3+$0x60] =	vst v5;
	s17 =	sadd.s32 $0x101, s8;
	s16 =	sand.u32 $0x7FE8, s12  }
0x360: {  	s21 =	sadd.s32 $0x101, s19;
	v5 =	vld [tilespmem:s14+$0xA400];
	s18 =	sor.u32 s10, s16;
	s20 =	sand.u32 $0x7FE8, s17;
	[tilespmem:s5+$0x60] =	vst v6  }
0x361: {  	s23 =	sand.u32 $0x7FE8, s21;
	s22 =	sor.u32 s15, s20;
	[tilespmem:s4+$0x60] =	vst v7;
	v6 =	vld [tilespmem:s18+$0xA400]  }
0x362: {  	s24 =	sor.u32 s9, s23;
	v7 =	vld [tilespmem:s22+$0xA400];
	[tilespmem:s13+$0x60] =	vst v8  }
0x363: {  	v8 =	vld [tilespmem:s24+$0xA400]  }
0x364: {  	[tilespmem:s0+$0x70] =	vst v4  }
0x365: {  	[tilespmem:s3+$0x70] =	vst v5  }
0x366: {  	s0 =	rddreg [dreg:$0x18];
	[tilespmem:s5+$0x70] =	vst v6  }
0x367: {  	s25 =	rddreg [dreg:$0x11];
	[tilespmem:s4+$0x70] =	vst v7  }
0x368: {  	[tilespmem:s13+$0x70] =	vst v8  }
0x369: {  	s31 =	rddreg [dreg:$0x16]  }
0x36a: {  	s10 =	sadd.s32 $0x1, s31  }
0x36b: {  	p0 =	sne.s32 s10, $0x64  }
.Ltmp4:
0x36c: {  	s0 =	sshll.u32 s0, $0x12;
	(pc) =	sbr.rel @p0 .LBB2_2-.Ltmp4, $4  }
0x36d: {  	s0 =	sor.u32 s25, s0  }
0x36e: {  	s28 =	simm.s32 $0x400;
	s26 =	rddreg [dreg:$0x2];
	s0 =	sshrl.u32 s0, $0x3  }
0x36f: {  	s30 =	simm.s32 $0xE800;
	s29 =	simm.s32 $0x8000;
	s0 =	sadd.s32 s26, s0  }
0x370: {  	[hbm4b:s0+s28] =	stream.strided.scatter [tilespmem:s30], [sflag:$0x3], $0x2000, s29, s28, $0x38;
	[tilespmem:$0x13A00] =	vst v63  }
0x371: {  	s0 =	simm.s32 $0x2  }
0x372: {  	_ =	swait.ge [sflag:s0], $0x2000  }
0x373: {  	[sflag:s0] =	ssyncset.done $0x0  }
0x374: {  	s1 =	simm.s32 $0x3;
	[sflag:s0] =	ssyncadd.s32 $0xFFFFE000  }
0x375: {  	_ =	swait.ge [sflag:s1], $0x2000  }
0x376: {  	s2 =	rddreg [dreg:$0x15]  }
0x377: {  	s31 =	rddreg [dreg:$0x14];
	s2 =	sadd.s32 $0x1, s2  }
0x378: {  	p0 =	sne.s32 s2, s31  }
.Ltmp5:
0x379: {  	_ = 	snop;
	(pc) =	sbr.rel @p0 .LBB2_1-.Ltmp5, $3  }
0x37a: {  	_ =	sdelay $0x1  }
0x37b: {  	[sflag:s1] =	ssyncset.done $0x0  }
0x37c: {  	[sflag:s1] =	ssyncadd.s32 $0xFFFFE000  }
0x37d: {  	_ =	sfence.sel $0x180000  }
0x37e: {  	[bflag:$0x0] =	sbarrier.arrive $0xFFFF  }
0x37f: {  	_ =	strace $0x90000047  }
0x380: {  	s0 =	stileid.u32;
	[bflag:$0x2] =	sbarrier.arrive $0xFFFF  }
0x381: {  	p0 =	sne.s32 s0, $0x0;
	s0 =	rddreg [dreg:$0x3]  }
0x382: {  	s0 =	sadd.s32 @!p0 $0x100000, s0  }
0x383: {  	[sflag:s0] =	ssyncadd.tile.s32 @!p0 $0x1;
	_ =	shalt  }
.Lfunc_end2:
_tile_overlayer_lowered:
.L_overlay_start_2:
0x384: {  	(tag) =	ssettag $0x2  }
0x385: {  	s0 =	rddreg [dreg:$0x0];
	s2 =	stileid.u32  }
0x386: {  	s1 =	rddreg [dreg:$0x1];
	p0 =	sne.s32 s2, $0x0  }
0x387: {  	s3 =	rddreg [dreg:$0x2];
	[bflag:$0x3] =	sbarrier.arrive $0xFFFF;
	s2 =	simm.s32 @!p0 $0x1C04  }
0x388: {  	[timem:s3], [sflag:s2] =	dma.local @!p0 [hbm:s0], s1  }
0x389: {  	s0 =	simm.s32 @!p0 $0x4  }
0x38a: {  	_ =	swait.ge @!p0 [sflag:s0], s1  }
0x38b: {  	s1 =	ssub.s32 @!p0 $0x0, s1;
	[sflag:s0] =	ssyncset.done @!p0 $0x0  }
0x38c: {  	[sflag:s0] =	ssyncadd.s32 @!p0 s1  }
0x38d: {  	[bflag:$0x3] =	sbarrier.arrive $0xFFFF  }
0x38e: {  	_ =	shalt  }

</sc_bundles>
